<compile_context>
chip_gen: v7x
topology: tpu7x:2x2x1
jax: 0.10.2.dev20260603
libtpu: 0.0.44.dev20260713+nightly
codegen_flags: <defaults>
</compile_context>

<pallas_src>
import jax
import jax.numpy as jnp
from jax import lax
from jax.experimental import pallas as pl
from jax.experimental.pallas import tpu as pltpu
from jax.experimental.pallas import tpu_sc as plsc

B, C, H, W = 4, 96, 512, 512
N = B * H * W
NW = 32
PPW = N // NW
BLK = 8192
NBLK = PPW // BLK
GPB = BLK // 16
NDMA = 4
IPD = BLK // NDMA


def _body(z_hbm, l_hbm, lt_hbm, cond_hbm, out_hbm,
          l_v0, l_v1, lt_v0, lt_v1, c_v0, c_v1,
          idxl_v0, idxl_v1, idxlt_v0, idxlt_v1,
          good_v0, good_v1, bad_v0, bad_v1, acc_v,
          sem_in0, sem_in1, sem_g0, sem_g1):
    wid = lax.axis_index("s") * 2 + lax.axis_index("c")
    base = wid * PPW
    bC = (wid // 8) * C
    lanes = lax.iota(jnp.int32, 16)
    l_v = [l_v0, l_v1]
    lt_v = [lt_v0, lt_v1]
    c_v = [c_v0, c_v1]
    idxl_v = [idxl_v0, idxl_v1]
    idxlt_v = [idxlt_v0, idxlt_v1]
    good_v = [good_v0, good_v1]
    bad_v = [bad_v0, bad_v1]
    sem_in = [sem_in0, sem_in1]
    sem_g = [sem_g0, sem_g1]

    def issue_inputs(i):
        s = i % 2
        sl = pl.ds(base + i * BLK, BLK)
        return [pltpu.async_copy(l_hbm.at[sl], l_v[s], sem_in[s]),
                pltpu.async_copy(lt_hbm.at[sl], lt_v[s], sem_in[s]),
                pltpu.async_copy(cond_hbm.at[sl], c_v[s], sem_in[s])]

    def compute_idx_and_fire(i):
        s = i % 2
        p0 = base + i * BLK
        cps = []
        for k in range(NDMA):
            g0 = k * (IPD // 16)

            def mkidx(g, _):
                geo = ((p0 + g * 16) & 262143) + lanes
                sl = pl.ds(g * 16, 16)
                lv = l_v[s][sl]
                ltv = lt_v[s][sl]
                idxl_v[s][sl] = ((bC + lv) << 18) + geo
                idxlt_v[s][sl] = ((bC + ltv) << 18) + geo
                return 0

            lax.fori_loop(g0, g0 + IPD // 16, mkidx, 0)
            sl = pl.ds(k * IPD, IPD)
            cps.append(pltpu.async_copy(
                z_hbm.at[idxl_v[s].at[sl]], good_v[s].at[sl], sem_g[s]))
            cps.append(pltpu.async_copy(
                z_hbm.at[idxlt_v[s].at[sl]], bad_v[s].at[sl], sem_g[s]))
        return cps

    def accum_chunk(i, k, acc):
        s = i % 2
        g0 = k * (IPD // 16)

        def body(g, a):
            sl = pl.ds(g * 16, 16)
            return a + (good_v[s][sl] - bad_v[s][sl]) * c_v[s][sl]

        return lax.fori_loop(g0, g0 + IPD // 16, body, acc)

    def drain_and_accum(i, cps, acc):
        for k in range(NDMA):
            cps[2 * k].wait()
            cps[2 * k + 1].wait()
            acc = accum_chunk(i, k, acc)
        return acc

    acc = jnp.zeros((16,), jnp.float32)
    in_cps = issue_inputs(0)
    gath_prev = None
    for i in range(NBLK):
        for cp in in_cps:
            cp.wait()
        gath_cur = compute_idx_and_fire(i)
        if gath_prev is not None:
            acc = drain_and_accum(i - 1, gath_prev, acc)
        in_cps = issue_inputs(i + 1) if i + 1 < NBLK else []
        gath_prev = gath_cur
    acc = drain_and_accum(NBLK - 1, gath_prev, acc)

    acc_v[...] = acc
    pltpu.sync_copy(acc_v, out_hbm.at[wid])


def _phys_view(x):
    s = x.shape
    return (x.reshape(*s[:-2], s[-2] // 8, 8, s[-1] // 128, 128)
            .swapaxes(-2, -3)
            .reshape(-1))


def kernel(z, condition, l, l_target):
    z_phys = _phys_view(z)
    l_phys = _phys_view(l.astype(jnp.int32))
    lt_phys = _phys_view(l_target.astype(jnp.int32))
    cond_phys = _phys_view(condition.astype(jnp.float32))

    mesh = plsc.VectorSubcoreMesh(core_axis_name="c", subcore_axis_name="s")
    fn = pl.kernel(
        _body,
        mesh=mesh,
        out_type=jax.ShapeDtypeStruct((NW, 16), jnp.float32),
        scratch_types=(
            [pltpu.VMEM((BLK,), jnp.int32)] * 2 +
            [pltpu.VMEM((BLK,), jnp.int32)] * 2 +
            [pltpu.VMEM((BLK,), jnp.float32)] * 2 +
            [pltpu.VMEM((BLK,), jnp.int32)] * 2 +
            [pltpu.VMEM((BLK,), jnp.int32)] * 2 +
            [pltpu.VMEM((BLK,), jnp.float32)] * 2 +
            [pltpu.VMEM((BLK,), jnp.float32)] * 2 +
            [pltpu.VMEM((16,), jnp.float32)] +
            [pltpu.SemaphoreType.DMA] * 4
        ),
    )
    partials = fn(z_phys, l_phys, lt_phys, cond_phys)
    return jnp.sum(partials)

# --- scband reference (transcript-rebuilt; emitter-appended) ---
"""Pipeline reference for scband-targeted-loss-38259568673342 (READ-ONLY COPY).

The authoritative reference and input builder live on the scoring server;
editing this copy changes nothing except your own understanding.
"""

import jax, jax.numpy as jnp
import numpy as np


def setup_inputs(seed: int = 0) -> dict:
    key = jax.random.key(seed)
    k1, k2, k3, k4 = jax.random.split(key, 4)
    B, C, H, W = 4, 96, 512, 512
    z = jax.random.normal(k1, (B, C, H, W), dtype=jnp.float32)
    condition = jax.random.randint(k2, (B, H, W), 0, 2).astype(jnp.bool_)
    l = jax.random.randint(k3, (B, H, W), 0, C, dtype=jnp.int64) if jax.config.jax_enable_x64 else jax.random.randint(k3, (B, H, W), 0, C).astype(jnp.int32)
    l_target = jax.random.randint(k4, (B, H, W), 0, C, dtype=jnp.int64) if jax.config.jax_enable_x64 else jax.random.randint(k4, (B, H, W), 0, C).astype(jnp.int32)
    return {"z": z, "condition": condition, "l": l, "l_target": l_target}


def reference(z, condition, l, l_target):
    # z_good = z[b, l[b,h,w], h, w]; z_bad = z[b, l_target[b,h,w], h, w]
    z_good = jnp.take_along_axis(z, l[:, None, :, :], axis=1)[:, 0, :, :]
    z_bad = jnp.take_along_axis(z, l_target[:, None, :, :], axis=1)[:, 0, :, :]
    diff = jnp.where(condition, z_good - z_bad, jnp.zeros((), dtype=z.dtype))
    loss = jnp.sum(diff)
    return loss

if __name__ == "__main__":
    import jax
    _d = setup_inputs()
    print(jax.jit(kernel)(*tuple(_d.values())))

</pallas_src>

<mosaic_0001>
#map = affine_map<(d0, d1) -> (0)>
#map1 = affine_map<(d0, d1) -> (0, 0)>
module attributes {stable_mosaic.version = 14 : i64} {
  func.func @_body(%arg0: i32, %arg1: i32, %arg2: memref<100663296xf32, #tpu.memory_space<hbm>>, %arg3: memref<1048576xi32, #tpu.memory_space<hbm>>, %arg4: memref<1048576xi32, #tpu.memory_space<hbm>>, %arg5: memref<1048576xf32, #tpu.memory_space<hbm>>, %arg6: memref<32x16xf32, #tpu.memory_space<hbm>>, %arg7: memref<8192xi32, #tpu.memory_space<vmem>>, %arg8: memref<8192xi32, #tpu.memory_space<vmem>>, %arg9: memref<8192xi32, #tpu.memory_space<vmem>>, %arg10: memref<8192xi32, #tpu.memory_space<vmem>>, %arg11: memref<8192xf32, #tpu.memory_space<vmem>>, %arg12: memref<8192xf32, #tpu.memory_space<vmem>>, %arg13: memref<8192xi32, #tpu.memory_space<vmem>>, %arg14: memref<8192xi32, #tpu.memory_space<vmem>>, %arg15: memref<8192xi32, #tpu.memory_space<vmem>>, %arg16: memref<8192xi32, #tpu.memory_space<vmem>>, %arg17: memref<8192xf32, #tpu.memory_space<vmem>>, %arg18: memref<8192xf32, #tpu.memory_space<vmem>>, %arg19: memref<8192xf32, #tpu.memory_space<vmem>>, %arg20: memref<8192xf32, #tpu.memory_space<vmem>>, %arg21: memref<16xf32, #tpu.memory_space<vmem>>, %arg22: memref<!tpu.dma_semaphore, #tpu.memory_space<semaphore_mem>>, %arg23: memref<!tpu.dma_semaphore, #tpu.memory_space<semaphore_mem>>, %arg24: memref<!tpu.dma_semaphore, #tpu.memory_space<semaphore_mem>>, %arg25: memref<!tpu.dma_semaphore, #tpu.memory_space<semaphore_mem>>) attributes {dimension_semantics = [#tpu.dimension_semantics<core_parallel>, #tpu.dimension_semantics<subcore_parallel>], iteration_bounds = array<i64: 2, 16>, scalar_prefetch = 0 : i64, scratch_operands = 19 : i64, tpu.core_type = #tpu.core_type<sc_vector_subcore>, window_params = [{transform_indices = #map}, {transform_indices = #map}, {transform_indices = #map}, {transform_indices = #map}, {transform_indices = #map1}]} {
    %mul3A = arith.constant 2 : i32
    %mul3A_0 = arith.muli %arg1, %mul3A : i32
    %add3A = arith.addi %mul3A_0, %arg0 : i32
    %mul3A_1 = arith.constant 32768 : i32
    %mul3A_2 = arith.muli %add3A, %mul3A_1 : i32
    %jit3A = arith.constant 8 : i32
    %div3A = arith.divsi %add3A, %jit3A : i32
    %sign3A = arith.constant 0 : i32
    %sign3A_3 = arith.cmpi sgt, %add3A, %sign3A : i32
    %sign3A_4 = arith.extui %sign3A_3 : i1 to i32
    %sign3A_5 = arith.constant 0 : i32
    %sign3A_6 = arith.cmpi slt, %add3A, %sign3A_5 : i32
    %sign3A_7 = arith.extui %sign3A_6 : i1 to i32
    %sign3A_8 = arith.subi %sign3A_4, %sign3A_7 : i32
    %sign3A_9 = arith.constant 0 : i32
    %sign3A_10 = arith.cmpi sgt, %jit3A, %sign3A_9 : i32
    %sign3A_11 = arith.extui %sign3A_10 : i1 to i32
    %sign3A_12 = arith.constant 0 : i32
    %sign3A_13 = arith.cmpi slt, %jit3A, %sign3A_12 : i32
    %sign3A_14 = arith.extui %sign3A_13 : i1 to i32
    %sign3A_15 = arith.subi %sign3A_11, %sign3A_14 : i32
    %ne3A = arith.cmpi ne, %sign3A_8, %sign3A_15 : i32
    %rem3A = arith.remsi %add3A, %jit3A : i32
    %ne3A_16 = arith.constant 0 : i32
    %ne3A_17 = arith.cmpi ne, %rem3A, %ne3A_16 : i32
    %and3A = arith.andi %ne3A, %ne3A_17 : i1
    %sub3A = arith.constant 1 : i32
    %sub3A_18 = arith.subi %div3A, %sub3A : i32
    %select_n3A = arith.select %and3A, %sub3A_18, %div3A : i32
    %mul3A_19 = arith.constant 96 : i32
    %mul3A_20 = arith.muli %select_n3A, %mul3A_19 : i32
    %iota3A = tpu.iota {dimensions = array<i32: 0>} : vector<16xi32>
    %broadcast_in_dim3A = arith.constant 0.000000e+00 : f32
    %broadcast_in_dim3A_21 = vector.broadcast %broadcast_in_dim3A : f32 to vector<16xf32>
    %add3A_22 = arith.constant 0 : i32
    %add3A_23 = arith.addi %mul3A_2, %add3A_22 : i32
    %dma_start3A = tpu.memref_slice %arg3[%add3A_23] : memref<1048576xi32, #tpu.memory_space<hbm>> -> memref<8192xi32, #tpu.memory_space<hbm>>
    %dma_start3A_24 = tpu.memref_slice %arg3[%add3A_23] : memref<1048576xi32, #tpu.memory_space<hbm>> -> memref<8192xi32, #tpu.memory_space<hbm>>
    tpu.enqueue_dma source(%dma_start3A_24 : memref<8192xi32, #tpu.memory_space<hbm>>) target(%arg7 : memref<8192xi32, #tpu.memory_space<vmem>>) target_semaphore(%arg22 : memref<!tpu.dma_semaphore, #tpu.memory_space<semaphore_mem>>)
    %dma_start3A_25 = tpu.memref_slice %arg4[%add3A_23] : memref<1048576xi32, #tpu.memory_space<hbm>> -> memref<8192xi32, #tpu.memory_space<hbm>>
    %dma_start3A_26 = tpu.memref_slice %arg4[%add3A_23] : memref<1048576xi32, #tpu.memory_space<hbm>> -> memref<8192xi32, #tpu.memory_space<hbm>>
    tpu.enqueue_dma source(%dma_start3A_26 : memref<8192xi32, #tpu.memory_space<hbm>>) target(%arg9 : memref<8192xi32, #tpu.memory_space<vmem>>) target_semaphore(%arg22 : memref<!tpu.dma_semaphore, #tpu.memory_space<semaphore_mem>>)
    %dma_start3A_27 = tpu.memref_slice %arg5[%add3A_23] : memref<1048576xf32, #tpu.memory_space<hbm>> -> memref<8192xf32, #tpu.memory_space<hbm>>
    %dma_start3A_28 = tpu.memref_slice %arg5[%add3A_23] : memref<1048576xf32, #tpu.memory_space<hbm>> -> memref<8192xf32, #tpu.memory_space<hbm>>
    tpu.enqueue_dma source(%dma_start3A_28 : memref<8192xf32, #tpu.memory_space<hbm>>) target(%arg11 : memref<8192xf32, #tpu.memory_space<vmem>>) target_semaphore(%arg22 : memref<!tpu.dma_semaphore, #tpu.memory_space<semaphore_mem>>)
    %dma_wait3A = tpu.memref_slice %arg3[%add3A_23] : memref<1048576xi32, #tpu.memory_space<hbm>> -> memref<8192xi32, #tpu.memory_space<hbm>>
    %dma_wait3A_29 = tpu.memref_slice %arg3[%add3A_23] : memref<1048576xi32, #tpu.memory_space<hbm>> -> memref<8192xi32, #tpu.memory_space<hbm>>
    tpu.wait_dma2 semaphore(%arg22 : memref<!tpu.dma_semaphore, #tpu.memory_space<semaphore_mem>>) src(%dma_wait3A_29 : memref<8192xi32, #tpu.memory_space<hbm>>) dst(%arg7 : memref<8192xi32, #tpu.memory_space<vmem>>)
    %dma_wait3A_30 = tpu.memref_slice %arg4[%add3A_23] : memref<1048576xi32, #tpu.memory_space<hbm>> -> memref<8192xi32, #tpu.memory_space<hbm>>
    %dma_wait3A_31 = tpu.memref_slice %arg4[%add3A_23] : memref<1048576xi32, #tpu.memory_space<hbm>> -> memref<8192xi32, #tpu.memory_space<hbm>>
    tpu.wait_dma2 semaphore(%arg22 : memref<!tpu.dma_semaphore, #tpu.memory_space<semaphore_mem>>) src(%dma_wait3A_31 : memref<8192xi32, #tpu.memory_space<hbm>>) dst(%arg9 : memref<8192xi32, #tpu.memory_space<vmem>>)
    %dma_wait3A_32 = tpu.memref_slice %arg5[%add3A_23] : memref<1048576xf32, #tpu.memory_space<hbm>> -> memref<8192xf32, #tpu.memory_space<hbm>>
    %dma_wait3A_33 = tpu.memref_slice %arg5[%add3A_23] : memref<1048576xf32, #tpu.memory_space<hbm>> -> memref<8192xf32, #tpu.memory_space<hbm>>
    tpu.wait_dma2 semaphore(%arg22 : memref<!tpu.dma_semaphore, #tpu.memory_space<semaphore_mem>>) src(%dma_wait3A_33 : memref<8192xf32, #tpu.memory_space<hbm>>) dst(%arg11 : memref<8192xf32, #tpu.memory_space<vmem>>)
    %add3A_34 = arith.constant 0 : i32
    %add3A_35 = arith.addi %mul3A_2, %add3A_34 : i32
    %scan3A = arith.constant 0 : i32
    %scan3A_36 = arith.constant 0 : i32
    %scan3A_37 = arith.constant 128 : i32
    %scan3A_38 = arith.addi %scan3A_36, %scan3A_37 : i32
    %scan3A_39 = arith.constant 1 : i32
    %scan3A_40 = scf.for %scan3A_678 = %scan3A_36 to %scan3A_38 step %scan3A_39 iter_args(%scan3A_679 = %scan3A) -> (i32)  : i32 {
      %mul3A_680 = arith.constant 16 : i32
      %mul3A_681 = arith.muli %scan3A_678, %mul3A_680 : i32
      %add3A_682 = arith.addi %add3A_35, %mul3A_681 : i32
      %and3A_683 = arith.constant 262143 : i32
      %and3A_684 = arith.andi %add3A_682, %and3A_683 : i32
      %add3A_685 = vector.broadcast %and3A_684 : i32 to vector<16xi32>
      %add3A_686 = arith.addi %add3A_685, %iota3A : vector<16xi32>
      %mul3A_687 = arith.constant 16 : i32
      %mul3A_688 = arith.muli %scan3A_678, %mul3A_687 : i32
      %get3A = arith.index_cast %mul3A_688 : i32 to index
      %get3A_689 = tpu.vector_load %arg7[%get3A] {strides = array<i32>} : memref<8192xi32, #tpu.memory_space<vmem>>, vector<16xi32>,
      %get3A_690 = vector.shape_cast %get3A_689 : vector<16xi32> to vector<16xi32>
      %get3A_691 = arith.index_cast %mul3A_688 : i32 to index
      %get3A_692 = tpu.vector_load %arg9[%get3A_691] {strides = array<i32>} : memref<8192xi32, #tpu.memory_space<vmem>>, vector<16xi32>,
      %get3A_693 = vector.shape_cast %get3A_692 : vector<16xi32> to vector<16xi32>
      %add3A_694 = vector.broadcast %mul3A_20 : i32 to vector<16xi32>
      %add3A_695 = arith.addi %add3A_694, %get3A_690 : vector<16xi32>
      %shift_left3A = arith.constant 18 : i32
      %shift_left3A_696 = vector.broadcast %shift_left3A : i32 to vector<16xi32>
      %shift_left3A_697 = arith.shli %add3A_695, %shift_left3A_696 : vector<16xi32>
      %add3A_698 = arith.addi %shift_left3A_697, %add3A_686 : vector<16xi32>
      %swap3A_699 = arith.index_cast %mul3A_688 : i32 to index
      %swap3A_700 = tpu.vector_load %arg13[%swap3A_699] {strides = array<i32>} : memref<8192xi32, #tpu.memory_space<vmem>>, vector<16xi32>,
      %swap3A_701 = vector.shape_cast %swap3A_700 : vector<16xi32> to vector<16xi32>
      %swap3A_702 = vector.shape_cast %add3A_698 : vector<16xi32> to vector<16xi32>
      tpu.vector_store %arg13[%swap3A_699], %swap3A_702 {strides = array<i32>} : memref<8192xi32, #tpu.memory_space<vmem>>, vector<16xi32>,
      %add3A_703 = vector.broadcast %mul3A_20 : i32 to vector<16xi32>
      %add3A_704 = arith.addi %add3A_703, %get3A_693 : vector<16xi32>
      %shift_left3A_705 = arith.constant 18 : i32
      %shift_left3A_706 = vector.broadcast %shift_left3A_705 : i32 to vector<16xi32>
      %shift_left3A_707 = arith.shli %add3A_704, %shift_left3A_706 : vector<16xi32>
      %add3A_708 = arith.addi %shift_left3A_707, %add3A_686 : vector<16xi32>
      %swap3A_709 = arith.index_cast %mul3A_688 : i32 to index
      %swap3A_710 = tpu.vector_load %arg15[%swap3A_709] {strides = array<i32>} : memref<8192xi32, #tpu.memory_space<vmem>>, vector<16xi32>,
      %swap3A_711 = vector.shape_cast %swap3A_710 : vector<16xi32> to vector<16xi32>
      %swap3A_712 = vector.shape_cast %add3A_708 : vector<16xi32> to vector<16xi32>
      tpu.vector_store %arg15[%swap3A_709], %swap3A_712 {strides = array<i32>} : memref<8192xi32, #tpu.memory_space<vmem>>, vector<16xi32>,
      %scan3A_713 = arith.constant 0 : i32
      scf.yield %scan3A_713 : i32
    }
    %scan3A_41 = arith.constant 128 : i32
    %dma_start3A_42 = arith.constant 0 : i32
    %dma_start3A_43 = tpu.memref_slice %arg17[%dma_start3A_42] : memref<8192xf32, #tpu.memory_space<vmem>> -> memref<2048xf32, #tpu.memory_space<vmem>>
    %dma_start3A_44 = arith.constant 0 : i32
    %dma_start3A_45 = tpu.memref_slice %arg13[%dma_start3A_44] : memref<8192xi32, #tpu.memory_space<vmem>> -> memref<2048xi32, #tpu.memory_space<vmem>>
    %dma_start3A_46 = arith.constant 0 : i32
    %dma_start3A_47 = tpu.memref_slice %arg2[%dma_start3A_46] : memref<100663296xf32, #tpu.memory_space<hbm>> -> memref<100663296xf32, #tpu.memory_space<hbm>>
    tpu.enqueue_indirect_dma source(%dma_start3A_47 : memref<100663296xf32, #tpu.memory_space<hbm>>) target(%dma_start3A_43 : memref<2048xf32, #tpu.memory_space<vmem>>) offsets(%dma_start3A_45 : memref<2048xi32, #tpu.memory_space<vmem>>) semaphore(%arg24 : memref<!tpu.dma_semaphore, #tpu.memory_space<semaphore_mem>>)
    %dma_start3A_48 = arith.constant 0 : i32
    %dma_start3A_49 = tpu.memref_slice %arg19[%dma_start3A_48] : memref<8192xf32, #tpu.memory_space<vmem>> -> memref<2048xf32, #tpu.memory_space<vmem>>
    %dma_start3A_50 = arith.constant 0 : i32
    %dma_start3A_51 = tpu.memref_slice %arg15[%dma_start3A_50] : memref<8192xi32, #tpu.memory_space<vmem>> -> memref<2048xi32, #tpu.memory_space<vmem>>
    %dma_start3A_52 = arith.constant 0 : i32
    %dma_start3A_53 = tpu.memref_slice %arg2[%dma_start3A_52] : memref<100663296xf32, #tpu.memory_space<hbm>> -> memref<100663296xf32, #tpu.memory_space<hbm>>
    tpu.enqueue_indirect_dma source(%dma_start3A_53 : memref<100663296xf32, #tpu.memory_space<hbm>>) target(%dma_start3A_49 : memref<2048xf32, #tpu.memory_space<vmem>>) offsets(%dma_start3A_51 : memref<2048xi32, #tpu.memory_space<vmem>>) semaphore(%arg24 : memref<!tpu.dma_semaphore, #tpu.memory_space<semaphore_mem>>)
    %scan3A_54 = arith.constant 0 : i32
    %scan3A_55 = arith.constant 128 : i32
    %scan3A_56 = arith.constant 128 : i32
    %scan3A_57 = arith.addi %scan3A_55, %scan3A_56 : i32
    %scan3A_58 = arith.constant 1 : i32
    %scan3A_59 = scf.for %scan3A_678 = %scan3A_55 to %scan3A_57 step %scan3A_58 iter_args(%scan3A_679 = %scan3A_54) -> (i32)  : i32 {
      %mul3A_680 = arith.constant 16 : i32
      %mul3A_681 = arith.muli %scan3A_678, %mul3A_680 : i32
      %add3A_682 = arith.addi %add3A_35, %mul3A_681 : i32
      %and3A_683 = arith.constant 262143 : i32
      %and3A_684 = arith.andi %add3A_682, %and3A_683 : i32
      %add3A_685 = vector.broadcast %and3A_684 : i32 to vector<16xi32>
      %add3A_686 = arith.addi %add3A_685, %iota3A : vector<16xi32>
      %mul3A_687 = arith.constant 16 : i32
      %mul3A_688 = arith.muli %scan3A_678, %mul3A_687 : i32
      %get3A = arith.index_cast %mul3A_688 : i32 to index
      %get3A_689 = tpu.vector_load %arg7[%get3A] {strides = array<i32>} : memref<8192xi32, #tpu.memory_space<vmem>>, vector<16xi32>,
      %get3A_690 = vector.shape_cast %get3A_689 : vector<16xi32> to vector<16xi32>
      %get3A_691 = arith.index_cast %mul3A_688 : i32 to index
      %get3A_692 = tpu.vector_load %arg9[%get3A_691] {strides = array<i32>} : memref<8192xi32, #tpu.memory_space<vmem>>, vector<16xi32>,
      %get3A_693 = vector.shape_cast %get3A_692 : vector<16xi32> to vector<16xi32>
      %add3A_694 = vector.broadcast %mul3A_20 : i32 to vector<16xi32>
      %add3A_695 = arith.addi %add3A_694, %get3A_690 : vector<16xi32>
      %shift_left3A = arith.constant 18 : i32
      %shift_left3A_696 = vector.broadcast %shift_left3A : i32 to vector<16xi32>
      %shift_left3A_697 = arith.shli %add3A_695, %shift_left3A_696 : vector<16xi32>
      %add3A_698 = arith.addi %shift_left3A_697, %add3A_686 : vector<16xi32>
      %swap3A_699 = arith.index_cast %mul3A_688 : i32 to index
      %swap3A_700 = tpu.vector_load %arg13[%swap3A_699] {strides = array<i32>} : memref<8192xi32, #tpu.memory_space<vmem>>, vector<16xi32>,
      %swap3A_701 = vector.shape_cast %swap3A_700 : vector<16xi32> to vector<16xi32>
      %swap3A_702 = vector.shape_cast %add3A_698 : vector<16xi32> to vector<16xi32>
      tpu.vector_store %arg13[%swap3A_699], %swap3A_702 {strides = array<i32>} : memref<8192xi32, #tpu.memory_space<vmem>>, vector<16xi32>,
      %add3A_703 = vector.broadcast %mul3A_20 : i32 to vector<16xi32>
      %add3A_704 = arith.addi %add3A_703, %get3A_693 : vector<16xi32>
      %shift_left3A_705 = arith.constant 18 : i32
      %shift_left3A_706 = vector.broadcast %shift_left3A_705 : i32 to vector<16xi32>
      %shift_left3A_707 = arith.shli %add3A_704, %shift_left3A_706 : vector<16xi32>
      %add3A_708 = arith.addi %shift_left3A_707, %add3A_686 : vector<16xi32>
      %swap3A_709 = arith.index_cast %mul3A_688 : i32 to index
      %swap3A_710 = tpu.vector_load %arg15[%swap3A_709] {strides = array<i32>} : memref<8192xi32, #tpu.memory_space<vmem>>, vector<16xi32>,
      %swap3A_711 = vector.shape_cast %swap3A_710 : vector<16xi32> to vector<16xi32>
      %swap3A_712 = vector.shape_cast %add3A_708 : vector<16xi32> to vector<16xi32>
      tpu.vector_store %arg15[%swap3A_709], %swap3A_712 {strides = array<i32>} : memref<8192xi32, #tpu.memory_space<vmem>>, vector<16xi32>,
      %scan3A_713 = arith.constant 0 : i32
      scf.yield %scan3A_713 : i32
    }
    %scan3A_60 = arith.constant 128 : i32
    %dma_start3A_61 = arith.constant 2048 : i32
    %dma_start3A_62 = tpu.memref_slice %arg17[%dma_start3A_61] : memref<8192xf32, #tpu.memory_space<vmem>> -> memref<2048xf32, #tpu.memory_space<vmem>>
    %dma_start3A_63 = arith.constant 2048 : i32
    %dma_start3A_64 = tpu.memref_slice %arg13[%dma_start3A_63] : memref<8192xi32, #tpu.memory_space<vmem>> -> memref<2048xi32, #tpu.memory_space<vmem>>
    %dma_start3A_65 = arith.constant 0 : i32
    %dma_start3A_66 = tpu.memref_slice %arg2[%dma_start3A_65] : memref<100663296xf32, #tpu.memory_space<hbm>> -> memref<100663296xf32, #tpu.memory_space<hbm>>
    tpu.enqueue_indirect_dma source(%dma_start3A_66 : memref<100663296xf32, #tpu.memory_space<hbm>>) target(%dma_start3A_62 : memref<2048xf32, #tpu.memory_space<vmem>>) offsets(%dma_start3A_64 : memref<2048xi32, #tpu.memory_space<vmem>>) semaphore(%arg24 : memref<!tpu.dma_semaphore, #tpu.memory_space<semaphore_mem>>)
    %dma_start3A_67 = arith.constant 2048 : i32
    %dma_start3A_68 = tpu.memref_slice %arg19[%dma_start3A_67] : memref<8192xf32, #tpu.memory_space<vmem>> -> memref<2048xf32, #tpu.memory_space<vmem>>
    %dma_start3A_69 = arith.constant 2048 : i32
    %dma_start3A_70 = tpu.memref_slice %arg15[%dma_start3A_69] : memref<8192xi32, #tpu.memory_space<vmem>> -> memref<2048xi32, #tpu.memory_space<vmem>>
    %dma_start3A_71 = arith.constant 0 : i32
    %dma_start3A_72 = tpu.memref_slice %arg2[%dma_start3A_71] : memref<100663296xf32, #tpu.memory_space<hbm>> -> memref<100663296xf32, #tpu.memory_space<hbm>>
    tpu.enqueue_indirect_dma source(%dma_start3A_72 : memref<100663296xf32, #tpu.memory_space<hbm>>) target(%dma_start3A_68 : memref<2048xf32, #tpu.memory_space<vmem>>) offsets(%dma_start3A_70 : memref<2048xi32, #tpu.memory_space<vmem>>) semaphore(%arg24 : memref<!tpu.dma_semaphore, #tpu.memory_space<semaphore_mem>>)
    %scan3A_73 = arith.constant 0 : i32
    %scan3A_74 = arith.constant 256 : i32
    %scan3A_75 = arith.constant 128 : i32
    %scan3A_76 = arith.addi %scan3A_74, %scan3A_75 : i32
    %scan3A_77 = arith.constant 1 : i32
    %scan3A_78 = scf.for %scan3A_678 = %scan3A_74 to %scan3A_76 step %scan3A_77 iter_args(%scan3A_679 = %scan3A_73) -> (i32)  : i32 {
      %mul3A_680 = arith.constant 16 : i32
      %mul3A_681 = arith.muli %scan3A_678, %mul3A_680 : i32
      %add3A_682 = arith.addi %add3A_35, %mul3A_681 : i32
      %and3A_683 = arith.constant 262143 : i32
      %and3A_684 = arith.andi %add3A_682, %and3A_683 : i32
      %add3A_685 = vector.broadcast %and3A_684 : i32 to vector<16xi32>
      %add3A_686 = arith.addi %add3A_685, %iota3A : vector<16xi32>
      %mul3A_687 = arith.constant 16 : i32
      %mul3A_688 = arith.muli %scan3A_678, %mul3A_687 : i32
      %get3A = arith.index_cast %mul3A_688 : i32 to index
      %get3A_689 = tpu.vector_load %arg7[%get3A] {strides = array<i32>} : memref<8192xi32, #tpu.memory_space<vmem>>, vector<16xi32>,
      %get3A_690 = vector.shape_cast %get3A_689 : vector<16xi32> to vector<16xi32>
      %get3A_691 = arith.index_cast %mul3A_688 : i32 to index
      %get3A_692 = tpu.vector_load %arg9[%get3A_691] {strides = array<i32>} : memref<8192xi32, #tpu.memory_space<vmem>>, vector<16xi32>,
      %get3A_693 = vector.shape_cast %get3A_692 : vector<16xi32> to vector<16xi32>
      %add3A_694 = vector.broadcast %mul3A_20 : i32 to vector<16xi32>
      %add3A_695 = arith.addi %add3A_694, %get3A_690 : vector<16xi32>
      %shift_left3A = arith.constant 18 : i32
      %shift_left3A_696 = vector.broadcast %shift_left3A : i32 to vector<16xi32>
      %shift_left3A_697 = arith.shli %add3A_695, %shift_left3A_696 : vector<16xi32>
      %add3A_698 = arith.addi %shift_left3A_697, %add3A_686 : vector<16xi32>
      %swap3A_699 = arith.index_cast %mul3A_688 : i32 to index
      %swap3A_700 = tpu.vector_load %arg13[%swap3A_699] {strides = array<i32>} : memref<8192xi32, #tpu.memory_space<vmem>>, vector<16xi32>,
      %swap3A_701 = vector.shape_cast %swap3A_700 : vector<16xi32> to vector<16xi32>
      %swap3A_702 = vector.shape_cast %add3A_698 : vector<16xi32> to vector<16xi32>
      tpu.vector_store %arg13[%swap3A_699], %swap3A_702 {strides = array<i32>} : memref<8192xi32, #tpu.memory_space<vmem>>, vector<16xi32>,
      %add3A_703 = vector.broadcast %mul3A_20 : i32 to vector<16xi32>
      %add3A_704 = arith.addi %add3A_703, %get3A_693 : vector<16xi32>
      %shift_left3A_705 = arith.constant 18 : i32
      %shift_left3A_706 = vector.broadcast %shift_left3A_705 : i32 to vector<16xi32>
      %shift_left3A_707 = arith.shli %add3A_704, %shift_left3A_706 : vector<16xi32>
      %add3A_708 = arith.addi %shift_left3A_707, %add3A_686 : vector<16xi32>
      %swap3A_709 = arith.index_cast %mul3A_688 : i32 to index
      %swap3A_710 = tpu.vector_load %arg15[%swap3A_709] {strides = array<i32>} : memref<8192xi32, #tpu.memory_space<vmem>>, vector<16xi32>,
      %swap3A_711 = vector.shape_cast %swap3A_710 : vector<16xi32> to vector<16xi32>
      %swap3A_712 = vector.shape_cast %add3A_708 : vector<16xi32> to vector<16xi32>
      tpu.vector_store %arg15[%swap3A_709], %swap3A_712 {strides = array<i32>} : memref<8192xi32, #tpu.memory_space<vmem>>, vector<16xi32>,
      %scan3A_713 = arith.constant 0 : i32
      scf.yield %scan3A_713 : i32
    }
    %scan3A_79 = arith.constant 128 : i32
    %dma_start3A_80 = arith.constant 4096 : i32
    %dma_start3A_81 = tpu.memref_slice %arg17[%dma_start3A_80] : memref<8192xf32, #tpu.memory_space<vmem>> -> memref<2048xf32, #tpu.memory_space<vmem>>
    %dma_start3A_82 = arith.constant 4096 : i32
    %dma_start3A_83 = tpu.memref_slice %arg13[%dma_start3A_82] : memref<8192xi32, #tpu.memory_space<vmem>> -> memref<2048xi32, #tpu.memory_space<vmem>>
    %dma_start3A_84 = arith.constant 0 : i32
    %dma_start3A_85 = tpu.memref_slice %arg2[%dma_start3A_84] : memref<100663296xf32, #tpu.memory_space<hbm>> -> memref<100663296xf32, #tpu.memory_space<hbm>>
    tpu.enqueue_indirect_dma source(%dma_start3A_85 : memref<100663296xf32, #tpu.memory_space<hbm>>) target(%dma_start3A_81 : memref<2048xf32, #tpu.memory_space<vmem>>) offsets(%dma_start3A_83 : memref<2048xi32, #tpu.memory_space<vmem>>) semaphore(%arg24 : memref<!tpu.dma_semaphore, #tpu.memory_space<semaphore_mem>>)
    %dma_start3A_86 = arith.constant 4096 : i32
    %dma_start3A_87 = tpu.memref_slice %arg19[%dma_start3A_86] : memref<8192xf32, #tpu.memory_space<vmem>> -> memref<2048xf32, #tpu.memory_space<vmem>>
    %dma_start3A_88 = arith.constant 4096 : i32
    %dma_start3A_89 = tpu.memref_slice %arg15[%dma_start3A_88] : memref<8192xi32, #tpu.memory_space<vmem>> -> memref<2048xi32, #tpu.memory_space<vmem>>
    %dma_start3A_90 = arith.constant 0 : i32
    %dma_start3A_91 = tpu.memref_slice %arg2[%dma_start3A_90] : memref<100663296xf32, #tpu.memory_space<hbm>> -> memref<100663296xf32, #tpu.memory_space<hbm>>
    tpu.enqueue_indirect_dma source(%dma_start3A_91 : memref<100663296xf32, #tpu.memory_space<hbm>>) target(%dma_start3A_87 : memref<2048xf32, #tpu.memory_space<vmem>>) offsets(%dma_start3A_89 : memref<2048xi32, #tpu.memory_space<vmem>>) semaphore(%arg24 : memref<!tpu.dma_semaphore, #tpu.memory_space<semaphore_mem>>)
    %scan3A_92 = arith.constant 0 : i32
    %scan3A_93 = arith.constant 384 : i32
    %scan3A_94 = arith.constant 128 : i32
    %scan3A_95 = arith.addi %scan3A_93, %scan3A_94 : i32
    %scan3A_96 = arith.constant 1 : i32
    %scan3A_97 = scf.for %scan3A_678 = %scan3A_93 to %scan3A_95 step %scan3A_96 iter_args(%scan3A_679 = %scan3A_92) -> (i32)  : i32 {
      %mul3A_680 = arith.constant 16 : i32
      %mul3A_681 = arith.muli %scan3A_678, %mul3A_680 : i32
      %add3A_682 = arith.addi %add3A_35, %mul3A_681 : i32
      %and3A_683 = arith.constant 262143 : i32
      %and3A_684 = arith.andi %add3A_682, %and3A_683 : i32
      %add3A_685 = vector.broadcast %and3A_684 : i32 to vector<16xi32>
      %add3A_686 = arith.addi %add3A_685, %iota3A : vector<16xi32>
      %mul3A_687 = arith.constant 16 : i32
      %mul3A_688 = arith.muli %scan3A_678, %mul3A_687 : i32
      %get3A = arith.index_cast %mul3A_688 : i32 to index
      %get3A_689 = tpu.vector_load %arg7[%get3A] {strides = array<i32>} : memref<8192xi32, #tpu.memory_space<vmem>>, vector<16xi32>,
      %get3A_690 = vector.shape_cast %get3A_689 : vector<16xi32> to vector<16xi32>
      %get3A_691 = arith.index_cast %mul3A_688 : i32 to index
      %get3A_692 = tpu.vector_load %arg9[%get3A_691] {strides = array<i32>} : memref<8192xi32, #tpu.memory_space<vmem>>, vector<16xi32>,
      %get3A_693 = vector.shape_cast %get3A_692 : vector<16xi32> to vector<16xi32>
      %add3A_694 = vector.broadcast %mul3A_20 : i32 to vector<16xi32>
      %add3A_695 = arith.addi %add3A_694, %get3A_690 : vector<16xi32>
      %shift_left3A = arith.constant 18 : i32
      %shift_left3A_696 = vector.broadcast %shift_left3A : i32 to vector<16xi32>
      %shift_left3A_697 = arith.shli %add3A_695, %shift_left3A_696 : vector<16xi32>
      %add3A_698 = arith.addi %shift_left3A_697, %add3A_686 : vector<16xi32>
      %swap3A_699 = arith.index_cast %mul3A_688 : i32 to index
      %swap3A_700 = tpu.vector_load %arg13[%swap3A_699] {strides = array<i32>} : memref<8192xi32, #tpu.memory_space<vmem>>, vector<16xi32>,
      %swap3A_701 = vector.shape_cast %swap3A_700 : vector<16xi32> to vector<16xi32>
      %swap3A_702 = vector.shape_cast %add3A_698 : vector<16xi32> to vector<16xi32>
      tpu.vector_store %arg13[%swap3A_699], %swap3A_702 {strides = array<i32>} : memref<8192xi32, #tpu.memory_space<vmem>>, vector<16xi32>,
      %add3A_703 = vector.broadcast %mul3A_20 : i32 to vector<16xi32>
      %add3A_704 = arith.addi %add3A_703, %get3A_693 : vector<16xi32>
      %shift_left3A_705 = arith.constant 18 : i32
      %shift_left3A_706 = vector.broadcast %shift_left3A_705 : i32 to vector<16xi32>
      %shift_left3A_707 = arith.shli %add3A_704, %shift_left3A_706 : vector<16xi32>
      %add3A_708 = arith.addi %shift_left3A_707, %add3A_686 : vector<16xi32>
      %swap3A_709 = arith.index_cast %mul3A_688 : i32 to index
      %swap3A_710 = tpu.vector_load %arg15[%swap3A_709] {strides = array<i32>} : memref<8192xi32, #tpu.memory_space<vmem>>, vector<16xi32>,
      %swap3A_711 = vector.shape_cast %swap3A_710 : vector<16xi32> to vector<16xi32>
      %swap3A_712 = vector.shape_cast %add3A_708 : vector<16xi32> to vector<16xi32>
      tpu.vector_store %arg15[%swap3A_709], %swap3A_712 {strides = array<i32>} : memref<8192xi32, #tpu.memory_space<vmem>>, vector<16xi32>,
      %scan3A_713 = arith.constant 0 : i32
      scf.yield %scan3A_713 : i32
    }
    %scan3A_98 = arith.constant 128 : i32
    %dma_start3A_99 = arith.constant 6144 : i32
    %dma_start3A_100 = tpu.memref_slice %arg17[%dma_start3A_99] : memref<8192xf32, #tpu.memory_space<vmem>> -> memref<2048xf32, #tpu.memory_space<vmem>>
    %dma_start3A_101 = arith.constant 6144 : i32
    %dma_start3A_102 = tpu.memref_slice %arg13[%dma_start3A_101] : memref<8192xi32, #tpu.memory_space<vmem>> -> memref<2048xi32, #tpu.memory_space<vmem>>
    %dma_start3A_103 = arith.constant 0 : i32
    %dma_start3A_104 = tpu.memref_slice %arg2[%dma_start3A_103] : memref<100663296xf32, #tpu.memory_space<hbm>> -> memref<100663296xf32, #tpu.memory_space<hbm>>
    tpu.enqueue_indirect_dma source(%dma_start3A_104 : memref<100663296xf32, #tpu.memory_space<hbm>>) target(%dma_start3A_100 : memref<2048xf32, #tpu.memory_space<vmem>>) offsets(%dma_start3A_102 : memref<2048xi32, #tpu.memory_space<vmem>>) semaphore(%arg24 : memref<!tpu.dma_semaphore, #tpu.memory_space<semaphore_mem>>)
    %dma_start3A_105 = arith.constant 6144 : i32
    %dma_start3A_106 = tpu.memref_slice %arg19[%dma_start3A_105] : memref<8192xf32, #tpu.memory_space<vmem>> -> memref<2048xf32, #tpu.memory_space<vmem>>
    %dma_start3A_107 = arith.constant 6144 : i32
    %dma_start3A_108 = tpu.memref_slice %arg15[%dma_start3A_107] : memref<8192xi32, #tpu.memory_space<vmem>> -> memref<2048xi32, #tpu.memory_space<vmem>>
    %dma_start3A_109 = arith.constant 0 : i32
    %dma_start3A_110 = tpu.memref_slice %arg2[%dma_start3A_109] : memref<100663296xf32, #tpu.memory_space<hbm>> -> memref<100663296xf32, #tpu.memory_space<hbm>>
    tpu.enqueue_indirect_dma source(%dma_start3A_110 : memref<100663296xf32, #tpu.memory_space<hbm>>) target(%dma_start3A_106 : memref<2048xf32, #tpu.memory_space<vmem>>) offsets(%dma_start3A_108 : memref<2048xi32, #tpu.memory_space<vmem>>) semaphore(%arg24 : memref<!tpu.dma_semaphore, #tpu.memory_space<semaphore_mem>>)
    %add3A_111 = arith.constant 8192 : i32
    %add3A_112 = arith.addi %mul3A_2, %add3A_111 : i32
    %dma_start3A_113 = tpu.memref_slice %arg3[%add3A_112] : memref<1048576xi32, #tpu.memory_space<hbm>> -> memref<8192xi32, #tpu.memory_space<hbm>>
    %dma_start3A_114 = tpu.memref_slice %arg3[%add3A_112] : memref<1048576xi32, #tpu.memory_space<hbm>> -> memref<8192xi32, #tpu.memory_space<hbm>>
    tpu.enqueue_dma source(%dma_start3A_114 : memref<8192xi32, #tpu.memory_space<hbm>>) target(%arg8 : memref<8192xi32, #tpu.memory_space<vmem>>) target_semaphore(%arg23 : memref<!tpu.dma_semaphore, #tpu.memory_space<semaphore_mem>>)
    %dma_start3A_115 = tpu.memref_slice %arg4[%add3A_112] : memref<1048576xi32, #tpu.memory_space<hbm>> -> memref<8192xi32, #tpu.memory_space<hbm>>
    %dma_start3A_116 = tpu.memref_slice %arg4[%add3A_112] : memref<1048576xi32, #tpu.memory_space<hbm>> -> memref<8192xi32, #tpu.memory_space<hbm>>
    tpu.enqueue_dma source(%dma_start3A_116 : memref<8192xi32, #tpu.memory_space<hbm>>) target(%arg10 : memref<8192xi32, #tpu.memory_space<vmem>>) target_semaphore(%arg23 : memref<!tpu.dma_semaphore, #tpu.memory_space<semaphore_mem>>)
    %dma_start3A_117 = tpu.memref_slice %arg5[%add3A_112] : memref<1048576xf32, #tpu.memory_space<hbm>> -> memref<8192xf32, #tpu.memory_space<hbm>>
    %dma_start3A_118 = tpu.memref_slice %arg5[%add3A_112] : memref<1048576xf32, #tpu.memory_space<hbm>> -> memref<8192xf32, #tpu.memory_space<hbm>>
    tpu.enqueue_dma source(%dma_start3A_118 : memref<8192xf32, #tpu.memory_space<hbm>>) target(%arg12 : memref<8192xf32, #tpu.memory_space<vmem>>) target_semaphore(%arg23 : memref<!tpu.dma_semaphore, #tpu.memory_space<semaphore_mem>>)
    %dma_wait3A_119 = tpu.memref_slice %arg3[%add3A_112] : memref<1048576xi32, #tpu.memory_space<hbm>> -> memref<8192xi32, #tpu.memory_space<hbm>>
    %dma_wait3A_120 = tpu.memref_slice %arg3[%add3A_112] : memref<1048576xi32, #tpu.memory_space<hbm>> -> memref<8192xi32, #tpu.memory_space<hbm>>
    tpu.wait_dma2 semaphore(%arg23 : memref<!tpu.dma_semaphore, #tpu.memory_space<semaphore_mem>>) src(%dma_wait3A_120 : memref<8192xi32, #tpu.memory_space<hbm>>) dst(%arg8 : memref<8192xi32, #tpu.memory_space<vmem>>)
    %dma_wait3A_121 = tpu.memref_slice %arg4[%add3A_112] : memref<1048576xi32, #tpu.memory_space<hbm>> -> memref<8192xi32, #tpu.memory_space<hbm>>
    %dma_wait3A_122 = tpu.memref_slice %arg4[%add3A_112] : memref<1048576xi32, #tpu.memory_space<hbm>> -> memref<8192xi32, #tpu.memory_space<hbm>>
    tpu.wait_dma2 semaphore(%arg23 : memref<!tpu.dma_semaphore, #tpu.memory_space<semaphore_mem>>) src(%dma_wait3A_122 : memref<8192xi32, #tpu.memory_space<hbm>>) dst(%arg10 : memref<8192xi32, #tpu.memory_space<vmem>>)
    %dma_wait3A_123 = tpu.memref_slice %arg5[%add3A_112] : memref<1048576xf32, #tpu.memory_space<hbm>> -> memref<8192xf32, #tpu.memory_space<hbm>>
    %dma_wait3A_124 = tpu.memref_slice %arg5[%add3A_112] : memref<1048576xf32, #tpu.memory_space<hbm>> -> memref<8192xf32, #tpu.memory_space<hbm>>
    tpu.wait_dma2 semaphore(%arg23 : memref<!tpu.dma_semaphore, #tpu.memory_space<semaphore_mem>>) src(%dma_wait3A_124 : memref<8192xf32, #tpu.memory_space<hbm>>) dst(%arg12 : memref<8192xf32, #tpu.memory_space<vmem>>)
    %add3A_125 = arith.constant 8192 : i32
    %add3A_126 = arith.addi %mul3A_2, %add3A_125 : i32
    %scan3A_127 = arith.constant 0 : i32
    %scan3A_128 = arith.constant 0 : i32
    %scan3A_129 = arith.constant 128 : i32
    %scan3A_130 = arith.addi %scan3A_128, %scan3A_129 : i32
    %scan3A_131 = arith.constant 1 : i32
    %scan3A_132 = scf.for %scan3A_678 = %scan3A_128 to %scan3A_130 step %scan3A_131 iter_args(%scan3A_679 = %scan3A_127) -> (i32)  : i32 {
      %mul3A_680 = arith.constant 16 : i32
      %mul3A_681 = arith.muli %scan3A_678, %mul3A_680 : i32
      %add3A_682 = arith.addi %add3A_126, %mul3A_681 : i32
      %and3A_683 = arith.constant 262143 : i32
      %and3A_684 = arith.andi %add3A_682, %and3A_683 : i32
      %add3A_685 = vector.broadcast %and3A_684 : i32 to vector<16xi32>
      %add3A_686 = arith.addi %add3A_685, %iota3A : vector<16xi32>
      %mul3A_687 = arith.constant 16 : i32
      %mul3A_688 = arith.muli %scan3A_678, %mul3A_687 : i32
      %get3A = arith.index_cast %mul3A_688 : i32 to index
      %get3A_689 = tpu.vector_load %arg8[%get3A] {strides = array<i32>} : memref<8192xi32, #tpu.memory_space<vmem>>, vector<16xi32>,
      %get3A_690 = vector.shape_cast %get3A_689 : vector<16xi32> to vector<16xi32>
      %get3A_691 = arith.index_cast %mul3A_688 : i32 to index
      %get3A_692 = tpu.vector_load %arg10[%get3A_691] {strides = array<i32>} : memref<8192xi32, #tpu.memory_space<vmem>>, vector<16xi32>,
      %get3A_693 = vector.shape_cast %get3A_692 : vector<16xi32> to vector<16xi32>
      %add3A_694 = vector.broadcast %mul3A_20 : i32 to vector<16xi32>
      %add3A_695 = arith.addi %add3A_694, %get3A_690 : vector<16xi32>
      %shift_left3A = arith.constant 18 : i32
      %shift_left3A_696 = vector.broadcast %shift_left3A : i32 to vector<16xi32>
      %shift_left3A_697 = arith.shli %add3A_695, %shift_left3A_696 : vector<16xi32>
      %add3A_698 = arith.addi %shift_left3A_697, %add3A_686 : vector<16xi32>
      %swap3A_699 = arith.index_cast %mul3A_688 : i32 to index
      %swap3A_700 = tpu.vector_load %arg14[%swap3A_699] {strides = array<i32>} : memref<8192xi32, #tpu.memory_space<vmem>>, vector<16xi32>,
      %swap3A_701 = vector.shape_cast %swap3A_700 : vector<16xi32> to vector<16xi32>
      %swap3A_702 = vector.shape_cast %add3A_698 : vector<16xi32> to vector<16xi32>
      tpu.vector_store %arg14[%swap3A_699], %swap3A_702 {strides = array<i32>} : memref<8192xi32, #tpu.memory_space<vmem>>, vector<16xi32>,
      %add3A_703 = vector.broadcast %mul3A_20 : i32 to vector<16xi32>
      %add3A_704 = arith.addi %add3A_703, %get3A_693 : vector<16xi32>
      %shift_left3A_705 = arith.constant 18 : i32
      %shift_left3A_706 = vector.broadcast %shift_left3A_705 : i32 to vector<16xi32>
      %shift_left3A_707 = arith.shli %add3A_704, %shift_left3A_706 : vector<16xi32>
      %add3A_708 = arith.addi %shift_left3A_707, %add3A_686 : vector<16xi32>
      %swap3A_709 = arith.index_cast %mul3A_688 : i32 to index
      %swap3A_710 = tpu.vector_load %arg16[%swap3A_709] {strides = array<i32>} : memref<8192xi32, #tpu.memory_space<vmem>>, vector<16xi32>,
      %swap3A_711 = vector.shape_cast %swap3A_710 : vector<16xi32> to vector<16xi32>
      %swap3A_712 = vector.shape_cast %add3A_708 : vector<16xi32> to vector<16xi32>
      tpu.vector_store %arg16[%swap3A_709], %swap3A_712 {strides = array<i32>} : memref<8192xi32, #tpu.memory_space<vmem>>, vector<16xi32>,
      %scan3A_713 = arith.constant 0 : i32
      scf.yield %scan3A_713 : i32
    }
    %scan3A_133 = arith.constant 128 : i32
    %dma_start3A_134 = arith.constant 0 : i32
    %dma_start3A_135 = tpu.memref_slice %arg18[%dma_start3A_134] : memref<8192xf32, #tpu.memory_space<vmem>> -> memref<2048xf32, #tpu.memory_space<vmem>>
    %dma_start3A_136 = arith.constant 0 : i32
    %dma_start3A_137 = tpu.memref_slice %arg14[%dma_start3A_136] : memref<8192xi32, #tpu.memory_space<vmem>> -> memref<2048xi32, #tpu.memory_space<vmem>>
    %dma_start3A_138 = arith.constant 0 : i32
    %dma_start3A_139 = tpu.memref_slice %arg2[%dma_start3A_138] : memref<100663296xf32, #tpu.memory_space<hbm>> -> memref<100663296xf32, #tpu.memory_space<hbm>>
    tpu.enqueue_indirect_dma source(%dma_start3A_139 : memref<100663296xf32, #tpu.memory_space<hbm>>) target(%dma_start3A_135 : memref<2048xf32, #tpu.memory_space<vmem>>) offsets(%dma_start3A_137 : memref<2048xi32, #tpu.memory_space<vmem>>) semaphore(%arg25 : memref<!tpu.dma_semaphore, #tpu.memory_space<semaphore_mem>>)
    %dma_start3A_140 = arith.constant 0 : i32
    %dma_start3A_141 = tpu.memref_slice %arg20[%dma_start3A_140] : memref<8192xf32, #tpu.memory_space<vmem>> -> memref<2048xf32, #tpu.memory_space<vmem>>
    %dma_start3A_142 = arith.constant 0 : i32
    %dma_start3A_143 = tpu.memref_slice %arg16[%dma_start3A_142] : memref<8192xi32, #tpu.memory_space<vmem>> -> memref<2048xi32, #tpu.memory_space<vmem>>
    %dma_start3A_144 = arith.constant 0 : i32
    %dma_start3A_145 = tpu.memref_slice %arg2[%dma_start3A_144] : memref<100663296xf32, #tpu.memory_space<hbm>> -> memref<100663296xf32, #tpu.memory_space<hbm>>
    tpu.enqueue_indirect_dma source(%dma_start3A_145 : memref<100663296xf32, #tpu.memory_space<hbm>>) target(%dma_start3A_141 : memref<2048xf32, #tpu.memory_space<vmem>>) offsets(%dma_start3A_143 : memref<2048xi32, #tpu.memory_space<vmem>>) semaphore(%arg25 : memref<!tpu.dma_semaphore, #tpu.memory_space<semaphore_mem>>)
    %scan3A_146 = arith.constant 0 : i32
    %scan3A_147 = arith.constant 128 : i32
    %scan3A_148 = arith.constant 128 : i32
    %scan3A_149 = arith.addi %scan3A_147, %scan3A_148 : i32
    %scan3A_150 = arith.constant 1 : i32
    %scan3A_151 = scf.for %scan3A_678 = %scan3A_147 to %scan3A_149 step %scan3A_150 iter_args(%scan3A_679 = %scan3A_146) -> (i32)  : i32 {
      %mul3A_680 = arith.constant 16 : i32
      %mul3A_681 = arith.muli %scan3A_678, %mul3A_680 : i32
      %add3A_682 = arith.addi %add3A_126, %mul3A_681 : i32
      %and3A_683 = arith.constant 262143 : i32
      %and3A_684 = arith.andi %add3A_682, %and3A_683 : i32
      %add3A_685 = vector.broadcast %and3A_684 : i32 to vector<16xi32>
      %add3A_686 = arith.addi %add3A_685, %iota3A : vector<16xi32>
      %mul3A_687 = arith.constant 16 : i32
      %mul3A_688 = arith.muli %scan3A_678, %mul3A_687 : i32
      %get3A = arith.index_cast %mul3A_688 : i32 to index
      %get3A_689 = tpu.vector_load %arg8[%get3A] {strides = array<i32>} : memref<8192xi32, #tpu.memory_space<vmem>>, vector<16xi32>,
      %get3A_690 = vector.shape_cast %get3A_689 : vector<16xi32> to vector<16xi32>
      %get3A_691 = arith.index_cast %mul3A_688 : i32 to index
      %get3A_692 = tpu.vector_load %arg10[%get3A_691] {strides = array<i32>} : memref<8192xi32, #tpu.memory_space<vmem>>, vector<16xi32>,
      %get3A_693 = vector.shape_cast %get3A_692 : vector<16xi32> to vector<16xi32>
      %add3A_694 = vector.broadcast %mul3A_20 : i32 to vector<16xi32>
      %add3A_695 = arith.addi %add3A_694, %get3A_690 : vector<16xi32>
      %shift_left3A = arith.constant 18 : i32
      %shift_left3A_696 = vector.broadcast %shift_left3A : i32 to vector<16xi32>
      %shift_left3A_697 = arith.shli %add3A_695, %shift_left3A_696 : vector<16xi32>
      %add3A_698 = arith.addi %shift_left3A_697, %add3A_686 : vector<16xi32>
      %swap3A_699 = arith.index_cast %mul3A_688 : i32 to index
      %swap3A_700 = tpu.vector_load %arg14[%swap3A_699] {strides = array<i32>} : memref<8192xi32, #tpu.memory_space<vmem>>, vector<16xi32>,
      %swap3A_701 = vector.shape_cast %swap3A_700 : vector<16xi32> to vector<16xi32>
      %swap3A_702 = vector.shape_cast %add3A_698 : vector<16xi32> to vector<16xi32>
      tpu.vector_store %arg14[%swap3A_699], %swap3A_702 {strides = array<i32>} : memref<8192xi32, #tpu.memory_space<vmem>>, vector<16xi32>,
      %add3A_703 = vector.broadcast %mul3A_20 : i32 to vector<16xi32>
      %add3A_704 = arith.addi %add3A_703, %get3A_693 : vector<16xi32>
      %shift_left3A_705 = arith.constant 18 : i32
      %shift_left3A_706 = vector.broadcast %shift_left3A_705 : i32 to vector<16xi32>
      %shift_left3A_707 = arith.shli %add3A_704, %shift_left3A_706 : vector<16xi32>
      %add3A_708 = arith.addi %shift_left3A_707, %add3A_686 : vector<16xi32>
      %swap3A_709 = arith.index_cast %mul3A_688 : i32 to index
      %swap3A_710 = tpu.vector_load %arg16[%swap3A_709] {strides = array<i32>} : memref<8192xi32, #tpu.memory_space<vmem>>, vector<16xi32>,
      %swap3A_711 = vector.shape_cast %swap3A_710 : vector<16xi32> to vector<16xi32>
      %swap3A_712 = vector.shape_cast %add3A_708 : vector<16xi32> to vector<16xi32>
      tpu.vector_store %arg16[%swap3A_709], %swap3A_712 {strides = array<i32>} : memref<8192xi32, #tpu.memory_space<vmem>>, vector<16xi32>,
      %scan3A_713 = arith.constant 0 : i32
      scf.yield %scan3A_713 : i32
    }
    %scan3A_152 = arith.constant 128 : i32
    %dma_start3A_153 = arith.constant 2048 : i32
    %dma_start3A_154 = tpu.memref_slice %arg18[%dma_start3A_153] : memref<8192xf32, #tpu.memory_space<vmem>> -> memref<2048xf32, #tpu.memory_space<vmem>>
    %dma_start3A_155 = arith.constant 2048 : i32
    %dma_start3A_156 = tpu.memref_slice %arg14[%dma_start3A_155] : memref<8192xi32, #tpu.memory_space<vmem>> -> memref<2048xi32, #tpu.memory_space<vmem>>
    %dma_start3A_157 = arith.constant 0 : i32
    %dma_start3A_158 = tpu.memref_slice %arg2[%dma_start3A_157] : memref<100663296xf32, #tpu.memory_space<hbm>> -> memref<100663296xf32, #tpu.memory_space<hbm>>
    tpu.enqueue_indirect_dma source(%dma_start3A_158 : memref<100663296xf32, #tpu.memory_space<hbm>>) target(%dma_start3A_154 : memref<2048xf32, #tpu.memory_space<vmem>>) offsets(%dma_start3A_156 : memref<2048xi32, #tpu.memory_space<vmem>>) semaphore(%arg25 : memref<!tpu.dma_semaphore, #tpu.memory_space<semaphore_mem>>)
    %dma_start3A_159 = arith.constant 2048 : i32
    %dma_start3A_160 = tpu.memref_slice %arg20[%dma_start3A_159] : memref<8192xf32, #tpu.memory_space<vmem>> -> memref<2048xf32, #tpu.memory_space<vmem>>
    %dma_start3A_161 = arith.constant 2048 : i32
    %dma_start3A_162 = tpu.memref_slice %arg16[%dma_start3A_161] : memref<8192xi32, #tpu.memory_space<vmem>> -> memref<2048xi32, #tpu.memory_space<vmem>>
    %dma_start3A_163 = arith.constant 0 : i32
    %dma_start3A_164 = tpu.memref_slice %arg2[%dma_start3A_163] : memref<100663296xf32, #tpu.memory_space<hbm>> -> memref<100663296xf32, #tpu.memory_space<hbm>>
    tpu.enqueue_indirect_dma source(%dma_start3A_164 : memref<100663296xf32, #tpu.memory_space<hbm>>) target(%dma_start3A_160 : memref<2048xf32, #tpu.memory_space<vmem>>) offsets(%dma_start3A_162 : memref<2048xi32, #tpu.memory_space<vmem>>) semaphore(%arg25 : memref<!tpu.dma_semaphore, #tpu.memory_space<semaphore_mem>>)
    %scan3A_165 = arith.constant 0 : i32
    %scan3A_166 = arith.constant 256 : i32
    %scan3A_167 = arith.constant 128 : i32
    %scan3A_168 = arith.addi %scan3A_166, %scan3A_167 : i32
    %scan3A_169 = arith.constant 1 : i32
    %scan3A_170 = scf.for %scan3A_678 = %scan3A_166 to %scan3A_168 step %scan3A_169 iter_args(%scan3A_679 = %scan3A_165) -> (i32)  : i32 {
      %mul3A_680 = arith.constant 16 : i32
      %mul3A_681 = arith.muli %scan3A_678, %mul3A_680 : i32
      %add3A_682 = arith.addi %add3A_126, %mul3A_681 : i32
      %and3A_683 = arith.constant 262143 : i32
      %and3A_684 = arith.andi %add3A_682, %and3A_683 : i32
      %add3A_685 = vector.broadcast %and3A_684 : i32 to vector<16xi32>
      %add3A_686 = arith.addi %add3A_685, %iota3A : vector<16xi32>
      %mul3A_687 = arith.constant 16 : i32
      %mul3A_688 = arith.muli %scan3A_678, %mul3A_687 : i32
      %get3A = arith.index_cast %mul3A_688 : i32 to index
      %get3A_689 = tpu.vector_load %arg8[%get3A] {strides = array<i32>} : memref<8192xi32, #tpu.memory_space<vmem>>, vector<16xi32>,
      %get3A_690 = vector.shape_cast %get3A_689 : vector<16xi32> to vector<16xi32>
      %get3A_691 = arith.index_cast %mul3A_688 : i32 to index
      %get3A_692 = tpu.vector_load %arg10[%get3A_691] {strides = array<i32>} : memref<8192xi32, #tpu.memory_space<vmem>>, vector<16xi32>,
      %get3A_693 = vector.shape_cast %get3A_692 : vector<16xi32> to vector<16xi32>
      %add3A_694 = vector.broadcast %mul3A_20 : i32 to vector<16xi32>
      %add3A_695 = arith.addi %add3A_694, %get3A_690 : vector<16xi32>
      %shift_left3A = arith.constant 18 : i32
      %shift_left3A_696 = vector.broadcast %shift_left3A : i32 to vector<16xi32>
      %shift_left3A_697 = arith.shli %add3A_695, %shift_left3A_696 : vector<16xi32>
      %add3A_698 = arith.addi %shift_left3A_697, %add3A_686 : vector<16xi32>
      %swap3A_699 = arith.index_cast %mul3A_688 : i32 to index
      %swap3A_700 = tpu.vector_load %arg14[%swap3A_699] {strides = array<i32>} : memref<8192xi32, #tpu.memory_space<vmem>>, vector<16xi32>,
      %swap3A_701 = vector.shape_cast %swap3A_700 : vector<16xi32> to vector<16xi32>
      %swap3A_702 = vector.shape_cast %add3A_698 : vector<16xi32> to vector<16xi32>
      tpu.vector_store %arg14[%swap3A_699], %swap3A_702 {strides = array<i32>} : memref<8192xi32, #tpu.memory_space<vmem>>, vector<16xi32>,
      %add3A_703 = vector.broadcast %mul3A_20 : i32 to vector<16xi32>
      %add3A_704 = arith.addi %add3A_703, %get3A_693 : vector<16xi32>
      %shift_left3A_705 = arith.constant 18 : i32
      %shift_left3A_706 = vector.broadcast %shift_left3A_705 : i32 to vector<16xi32>
      %shift_left3A_707 = arith.shli %add3A_704, %shift_left3A_706 : vector<16xi32>
      %add3A_708 = arith.addi %shift_left3A_707, %add3A_686 : vector<16xi32>
      %swap3A_709 = arith.index_cast %mul3A_688 : i32 to index
      %swap3A_710 = tpu.vector_load %arg16[%swap3A_709] {strides = array<i32>} : memref<8192xi32, #tpu.memory_space<vmem>>, vector<16xi32>,
      %swap3A_711 = vector.shape_cast %swap3A_710 : vector<16xi32> to vector<16xi32>
      %swap3A_712 = vector.shape_cast %add3A_708 : vector<16xi32> to vector<16xi32>
      tpu.vector_store %arg16[%swap3A_709], %swap3A_712 {strides = array<i32>} : memref<8192xi32, #tpu.memory_space<vmem>>, vector<16xi32>,
      %scan3A_713 = arith.constant 0 : i32
      scf.yield %scan3A_713 : i32
    }
    %scan3A_171 = arith.constant 128 : i32
    %dma_start3A_172 = arith.constant 4096 : i32
    %dma_start3A_173 = tpu.memref_slice %arg18[%dma_start3A_172] : memref<8192xf32, #tpu.memory_space<vmem>> -> memref<2048xf32, #tpu.memory_space<vmem>>
    %dma_start3A_174 = arith.constant 4096 : i32
    %dma_start3A_175 = tpu.memref_slice %arg14[%dma_start3A_174] : memref<8192xi32, #tpu.memory_space<vmem>> -> memref<2048xi32, #tpu.memory_space<vmem>>
    %dma_start3A_176 = arith.constant 0 : i32
    %dma_start3A_177 = tpu.memref_slice %arg2[%dma_start3A_176] : memref<100663296xf32, #tpu.memory_space<hbm>> -> memref<100663296xf32, #tpu.memory_space<hbm>>
    tpu.enqueue_indirect_dma source(%dma_start3A_177 : memref<100663296xf32, #tpu.memory_space<hbm>>) target(%dma_start3A_173 : memref<2048xf32, #tpu.memory_space<vmem>>) offsets(%dma_start3A_175 : memref<2048xi32, #tpu.memory_space<vmem>>) semaphore(%arg25 : memref<!tpu.dma_semaphore, #tpu.memory_space<semaphore_mem>>)
    %dma_start3A_178 = arith.constant 4096 : i32
    %dma_start3A_179 = tpu.memref_slice %arg20[%dma_start3A_178] : memref<8192xf32, #tpu.memory_space<vmem>> -> memref<2048xf32, #tpu.memory_space<vmem>>
    %dma_start3A_180 = arith.constant 4096 : i32
    %dma_start3A_181 = tpu.memref_slice %arg16[%dma_start3A_180] : memref<8192xi32, #tpu.memory_space<vmem>> -> memref<2048xi32, #tpu.memory_space<vmem>>
    %dma_start3A_182 = arith.constant 0 : i32
    %dma_start3A_183 = tpu.memref_slice %arg2[%dma_start3A_182] : memref<100663296xf32, #tpu.memory_space<hbm>> -> memref<100663296xf32, #tpu.memory_space<hbm>>
    tpu.enqueue_indirect_dma source(%dma_start3A_183 : memref<100663296xf32, #tpu.memory_space<hbm>>) target(%dma_start3A_179 : memref<2048xf32, #tpu.memory_space<vmem>>) offsets(%dma_start3A_181 : memref<2048xi32, #tpu.memory_space<vmem>>) semaphore(%arg25 : memref<!tpu.dma_semaphore, #tpu.memory_space<semaphore_mem>>)
    %scan3A_184 = arith.constant 0 : i32
    %scan3A_185 = arith.constant 384 : i32
    %scan3A_186 = arith.constant 128 : i32
    %scan3A_187 = arith.addi %scan3A_185, %scan3A_186 : i32
    %scan3A_188 = arith.constant 1 : i32
    %scan3A_189 = scf.for %scan3A_678 = %scan3A_185 to %scan3A_187 step %scan3A_188 iter_args(%scan3A_679 = %scan3A_184) -> (i32)  : i32 {
      %mul3A_680 = arith.constant 16 : i32
      %mul3A_681 = arith.muli %scan3A_678, %mul3A_680 : i32
      %add3A_682 = arith.addi %add3A_126, %mul3A_681 : i32
      %and3A_683 = arith.constant 262143 : i32
      %and3A_684 = arith.andi %add3A_682, %and3A_683 : i32
      %add3A_685 = vector.broadcast %and3A_684 : i32 to vector<16xi32>
      %add3A_686 = arith.addi %add3A_685, %iota3A : vector<16xi32>
      %mul3A_687 = arith.constant 16 : i32
      %mul3A_688 = arith.muli %scan3A_678, %mul3A_687 : i32
      %get3A = arith.index_cast %mul3A_688 : i32 to index
      %get3A_689 = tpu.vector_load %arg8[%get3A] {strides = array<i32>} : memref<8192xi32, #tpu.memory_space<vmem>>, vector<16xi32>,
      %get3A_690 = vector.shape_cast %get3A_689 : vector<16xi32> to vector<16xi32>
      %get3A_691 = arith.index_cast %mul3A_688 : i32 to index
      %get3A_692 = tpu.vector_load %arg10[%get3A_691] {strides = array<i32>} : memref<8192xi32, #tpu.memory_space<vmem>>, vector<16xi32>,
      %get3A_693 = vector.shape_cast %get3A_692 : vector<16xi32> to vector<16xi32>
      %add3A_694 = vector.broadcast %mul3A_20 : i32 to vector<16xi32>
      %add3A_695 = arith.addi %add3A_694, %get3A_690 : vector<16xi32>
      %shift_left3A = arith.constant 18 : i32
      %shift_left3A_696 = vector.broadcast %shift_left3A : i32 to vector<16xi32>
      %shift_left3A_697 = arith.shli %add3A_695, %shift_left3A_696 : vector<16xi32>
      %add3A_698 = arith.addi %shift_left3A_697, %add3A_686 : vector<16xi32>
      %swap3A_699 = arith.index_cast %mul3A_688 : i32 to index
      %swap3A_700 = tpu.vector_load %arg14[%swap3A_699] {strides = array<i32>} : memref<8192xi32, #tpu.memory_space<vmem>>, vector<16xi32>,
      %swap3A_701 = vector.shape_cast %swap3A_700 : vector<16xi32> to vector<16xi32>
      %swap3A_702 = vector.shape_cast %add3A_698 : vector<16xi32> to vector<16xi32>
      tpu.vector_store %arg14[%swap3A_699], %swap3A_702 {strides = array<i32>} : memref<8192xi32, #tpu.memory_space<vmem>>, vector<16xi32>,
      %add3A_703 = vector.broadcast %mul3A_20 : i32 to vector<16xi32>
      %add3A_704 = arith.addi %add3A_703, %get3A_693 : vector<16xi32>
      %shift_left3A_705 = arith.constant 18 : i32
      %shift_left3A_706 = vector.broadcast %shift_left3A_705 : i32 to vector<16xi32>
      %shift_left3A_707 = arith.shli %add3A_704, %shift_left3A_706 : vector<16xi32>
      %add3A_708 = arith.addi %shift_left3A_707, %add3A_686 : vector<16xi32>
      %swap3A_709 = arith.index_cast %mul3A_688 : i32 to index
      %swap3A_710 = tpu.vector_load %arg16[%swap3A_709] {strides = array<i32>} : memref<8192xi32, #tpu.memory_space<vmem>>, vector<16xi32>,
      %swap3A_711 = vector.shape_cast %swap3A_710 : vector<16xi32> to vector<16xi32>
      %swap3A_712 = vector.shape_cast %add3A_708 : vector<16xi32> to vector<16xi32>
      tpu.vector_store %arg16[%swap3A_709], %swap3A_712 {strides = array<i32>} : memref<8192xi32, #tpu.memory_space<vmem>>, vector<16xi32>,
      %scan3A_713 = arith.constant 0 : i32
      scf.yield %scan3A_713 : i32
    }
    %scan3A_190 = arith.constant 128 : i32
    %dma_start3A_191 = arith.constant 6144 : i32
    %dma_start3A_192 = tpu.memref_slice %arg18[%dma_start3A_191] : memref<8192xf32, #tpu.memory_space<vmem>> -> memref<2048xf32, #tpu.memory_space<vmem>>
    %dma_start3A_193 = arith.constant 6144 : i32
    %dma_start3A_194 = tpu.memref_slice %arg14[%dma_start3A_193] : memref<8192xi32, #tpu.memory_space<vmem>> -> memref<2048xi32, #tpu.memory_space<vmem>>
    %dma_start3A_195 = arith.constant 0 : i32
    %dma_start3A_196 = tpu.memref_slice %arg2[%dma_start3A_195] : memref<100663296xf32, #tpu.memory_space<hbm>> -> memref<100663296xf32, #tpu.memory_space<hbm>>
    tpu.enqueue_indirect_dma source(%dma_start3A_196 : memref<100663296xf32, #tpu.memory_space<hbm>>) target(%dma_start3A_192 : memref<2048xf32, #tpu.memory_space<vmem>>) offsets(%dma_start3A_194 : memref<2048xi32, #tpu.memory_space<vmem>>) semaphore(%arg25 : memref<!tpu.dma_semaphore, #tpu.memory_space<semaphore_mem>>)
    %dma_start3A_197 = arith.constant 6144 : i32
    %dma_start3A_198 = tpu.memref_slice %arg20[%dma_start3A_197] : memref<8192xf32, #tpu.memory_space<vmem>> -> memref<2048xf32, #tpu.memory_space<vmem>>
    %dma_start3A_199 = arith.constant 6144 : i32
    %dma_start3A_200 = tpu.memref_slice %arg16[%dma_start3A_199] : memref<8192xi32, #tpu.memory_space<vmem>> -> memref<2048xi32, #tpu.memory_space<vmem>>
    %dma_start3A_201 = arith.constant 0 : i32
    %dma_start3A_202 = tpu.memref_slice %arg2[%dma_start3A_201] : memref<100663296xf32, #tpu.memory_space<hbm>> -> memref<100663296xf32, #tpu.memory_space<hbm>>
    tpu.enqueue_indirect_dma source(%dma_start3A_202 : memref<100663296xf32, #tpu.memory_space<hbm>>) target(%dma_start3A_198 : memref<2048xf32, #tpu.memory_space<vmem>>) offsets(%dma_start3A_200 : memref<2048xi32, #tpu.memory_space<vmem>>) semaphore(%arg25 : memref<!tpu.dma_semaphore, #tpu.memory_space<semaphore_mem>>)
    %dma_wait3A_203 = arith.constant 0 : i32
    %dma_wait3A_204 = tpu.memref_slice %arg17[%dma_wait3A_203] : memref<8192xf32, #tpu.memory_space<vmem>> -> memref<2048xf32, #tpu.memory_space<vmem>>
    %dma_wait3A_205 = arith.constant 0 : i32
    %dma_wait3A_206 = tpu.memref_slice %arg13[%dma_wait3A_205] : memref<8192xi32, #tpu.memory_space<vmem>> -> memref<2048xi32, #tpu.memory_space<vmem>>
    %dma_wait3A_207 = arith.constant 0 : i32
    %dma_wait3A_208 = tpu.memref_slice %arg2[%dma_wait3A_207] : memref<100663296xf32, #tpu.memory_space<hbm>> -> memref<100663296xf32, #tpu.memory_space<hbm>>
    tpu.wait_indirect_dma semaphore(%arg24 : memref<!tpu.dma_semaphore, #tpu.memory_space<semaphore_mem>>) src(%dma_wait3A_208 : memref<100663296xf32, #tpu.memory_space<hbm>>) dst(%dma_wait3A_204 : memref<2048xf32, #tpu.memory_space<vmem>>)
    %dma_wait3A_209 = arith.constant 0 : i32
    %dma_wait3A_210 = tpu.memref_slice %arg19[%dma_wait3A_209] : memref<8192xf32, #tpu.memory_space<vmem>> -> memref<2048xf32, #tpu.memory_space<vmem>>
    %dma_wait3A_211 = arith.constant 0 : i32
    %dma_wait3A_212 = tpu.memref_slice %arg15[%dma_wait3A_211] : memref<8192xi32, #tpu.memory_space<vmem>> -> memref<2048xi32, #tpu.memory_space<vmem>>
    %dma_wait3A_213 = arith.constant 0 : i32
    %dma_wait3A_214 = tpu.memref_slice %arg2[%dma_wait3A_213] : memref<100663296xf32, #tpu.memory_space<hbm>> -> memref<100663296xf32, #tpu.memory_space<hbm>>
    tpu.wait_indirect_dma semaphore(%arg24 : memref<!tpu.dma_semaphore, #tpu.memory_space<semaphore_mem>>) src(%dma_wait3A_214 : memref<100663296xf32, #tpu.memory_space<hbm>>) dst(%dma_wait3A_210 : memref<2048xf32, #tpu.memory_space<vmem>>)
    %scan3A_215 = arith.constant 0 : i32
    %scan3A_216 = arith.constant 128 : i32
    %scan3A_217 = arith.addi %scan3A_215, %scan3A_216 : i32
    %scan3A_218 = arith.constant 1 : i32
    %scan3A_219 = scf.for %scan3A_678 = %scan3A_215 to %scan3A_217 step %scan3A_218 iter_args(%scan3A_679 = %broadcast_in_dim3A_21) -> (vector<16xf32>)  : i32 {
      %mul3A_680 = arith.constant 16 : i32
      %mul3A_681 = arith.muli %scan3A_678, %mul3A_680 : i32
      %get3A = arith.index_cast %mul3A_681 : i32 to index
      %get3A_682 = tpu.vector_load %arg17[%get3A] {strides = array<i32>} : memref<8192xf32, #tpu.memory_space<vmem>>, vector<16xf32>,
      %get3A_683 = vector.shape_cast %get3A_682 : vector<16xf32> to vector<16xf32>
      %get3A_684 = arith.index_cast %mul3A_681 : i32 to index
      %get3A_685 = tpu.vector_load %arg19[%get3A_684] {strides = array<i32>} : memref<8192xf32, #tpu.memory_space<vmem>>, vector<16xf32>,
      %get3A_686 = vector.shape_cast %get3A_685 : vector<16xf32> to vector<16xf32>
      %sub3A_687 = arith.subf %get3A_683, %get3A_686 : vector<16xf32>
      %get3A_688 = arith.index_cast %mul3A_681 : i32 to index
      %get3A_689 = tpu.vector_load %arg11[%get3A_688] {strides = array<i32>} : memref<8192xf32, #tpu.memory_space<vmem>>, vector<16xf32>,
      %get3A_690 = vector.shape_cast %get3A_689 : vector<16xf32> to vector<16xf32>
      %mul3A_691 = arith.mulf %sub3A_687, %get3A_690 : vector<16xf32>
      %add3A_692 = arith.addf %scan3A_679, %mul3A_691 : vector<16xf32>
      scf.yield %add3A_692 : vector<16xf32>
    }
    %scan3A_220 = arith.constant 128 : i32
    %dma_wait3A_221 = arith.constant 2048 : i32
    %dma_wait3A_222 = tpu.memref_slice %arg17[%dma_wait3A_221] : memref<8192xf32, #tpu.memory_space<vmem>> -> memref<2048xf32, #tpu.memory_space<vmem>>
    %dma_wait3A_223 = arith.constant 2048 : i32
    %dma_wait3A_224 = tpu.memref_slice %arg13[%dma_wait3A_223] : memref<8192xi32, #tpu.memory_space<vmem>> -> memref<2048xi32, #tpu.memory_space<vmem>>
    %dma_wait3A_225 = arith.constant 0 : i32
    %dma_wait3A_226 = tpu.memref_slice %arg2[%dma_wait3A_225] : memref<100663296xf32, #tpu.memory_space<hbm>> -> memref<100663296xf32, #tpu.memory_space<hbm>>
    tpu.wait_indirect_dma semaphore(%arg24 : memref<!tpu.dma_semaphore, #tpu.memory_space<semaphore_mem>>) src(%dma_wait3A_226 : memref<100663296xf32, #tpu.memory_space<hbm>>) dst(%dma_wait3A_222 : memref<2048xf32, #tpu.memory_space<vmem>>)
    %dma_wait3A_227 = arith.constant 2048 : i32
    %dma_wait3A_228 = tpu.memref_slice %arg19[%dma_wait3A_227] : memref<8192xf32, #tpu.memory_space<vmem>> -> memref<2048xf32, #tpu.memory_space<vmem>>
    %dma_wait3A_229 = arith.constant 2048 : i32
    %dma_wait3A_230 = tpu.memref_slice %arg15[%dma_wait3A_229] : memref<8192xi32, #tpu.memory_space<vmem>> -> memref<2048xi32, #tpu.memory_space<vmem>>
    %dma_wait3A_231 = arith.constant 0 : i32
    %dma_wait3A_232 = tpu.memref_slice %arg2[%dma_wait3A_231] : memref<100663296xf32, #tpu.memory_space<hbm>> -> memref<100663296xf32, #tpu.memory_space<hbm>>
    tpu.wait_indirect_dma semaphore(%arg24 : memref<!tpu.dma_semaphore, #tpu.memory_space<semaphore_mem>>) src(%dma_wait3A_232 : memref<100663296xf32, #tpu.memory_space<hbm>>) dst(%dma_wait3A_228 : memref<2048xf32, #tpu.memory_space<vmem>>)
    %scan3A_233 = arith.constant 128 : i32
    %scan3A_234 = arith.constant 128 : i32
    %scan3A_235 = arith.addi %scan3A_233, %scan3A_234 : i32
    %scan3A_236 = arith.constant 1 : i32
    %scan3A_237 = scf.for %scan3A_678 = %scan3A_233 to %scan3A_235 step %scan3A_236 iter_args(%scan3A_679 = %scan3A_219) -> (vector<16xf32>)  : i32 {
      %mul3A_680 = arith.constant 16 : i32
      %mul3A_681 = arith.muli %scan3A_678, %mul3A_680 : i32
      %get3A = arith.index_cast %mul3A_681 : i32 to index
      %get3A_682 = tpu.vector_load %arg17[%get3A] {strides = array<i32>} : memref<8192xf32, #tpu.memory_space<vmem>>, vector<16xf32>,
      %get3A_683 = vector.shape_cast %get3A_682 : vector<16xf32> to vector<16xf32>
      %get3A_684 = arith.index_cast %mul3A_681 : i32 to index
      %get3A_685 = tpu.vector_load %arg19[%get3A_684] {strides = array<i32>} : memref<8192xf32, #tpu.memory_space<vmem>>, vector<16xf32>,
      %get3A_686 = vector.shape_cast %get3A_685 : vector<16xf32> to vector<16xf32>
      %sub3A_687 = arith.subf %get3A_683, %get3A_686 : vector<16xf32>
      %get3A_688 = arith.index_cast %mul3A_681 : i32 to index
      %get3A_689 = tpu.vector_load %arg11[%get3A_688] {strides = array<i32>} : memref<8192xf32, #tpu.memory_space<vmem>>, vector<16xf32>,
      %get3A_690 = vector.shape_cast %get3A_689 : vector<16xf32> to vector<16xf32>
      %mul3A_691 = arith.mulf %sub3A_687, %get3A_690 : vector<16xf32>
      %add3A_692 = arith.addf %scan3A_679, %mul3A_691 : vector<16xf32>
      scf.yield %add3A_692 : vector<16xf32>
    }
    %scan3A_238 = arith.constant 128 : i32
    %dma_wait3A_239 = arith.constant 4096 : i32
    %dma_wait3A_240 = tpu.memref_slice %arg17[%dma_wait3A_239] : memref<8192xf32, #tpu.memory_space<vmem>> -> memref<2048xf32, #tpu.memory_space<vmem>>
    %dma_wait3A_241 = arith.constant 4096 : i32
    %dma_wait3A_242 = tpu.memref_slice %arg13[%dma_wait3A_241] : memref<8192xi32, #tpu.memory_space<vmem>> -> memref<2048xi32, #tpu.memory_space<vmem>>
    %dma_wait3A_243 = arith.constant 0 : i32
    %dma_wait3A_244 = tpu.memref_slice %arg2[%dma_wait3A_243] : memref<100663296xf32, #tpu.memory_space<hbm>> -> memref<100663296xf32, #tpu.memory_space<hbm>>
    tpu.wait_indirect_dma semaphore(%arg24 : memref<!tpu.dma_semaphore, #tpu.memory_space<semaphore_mem>>) src(%dma_wait3A_244 : memref<100663296xf32, #tpu.memory_space<hbm>>) dst(%dma_wait3A_240 : memref<2048xf32, #tpu.memory_space<vmem>>)
    %dma_wait3A_245 = arith.constant 4096 : i32
    %dma_wait3A_246 = tpu.memref_slice %arg19[%dma_wait3A_245] : memref<8192xf32, #tpu.memory_space<vmem>> -> memref<2048xf32, #tpu.memory_space<vmem>>
    %dma_wait3A_247 = arith.constant 4096 : i32
    %dma_wait3A_248 = tpu.memref_slice %arg15[%dma_wait3A_247] : memref<8192xi32, #tpu.memory_space<vmem>> -> memref<2048xi32, #tpu.memory_space<vmem>>
    %dma_wait3A_249 = arith.constant 0 : i32
    %dma_wait3A_250 = tpu.memref_slice %arg2[%dma_wait3A_249] : memref<100663296xf32, #tpu.memory_space<hbm>> -> memref<100663296xf32, #tpu.memory_space<hbm>>
    tpu.wait_indirect_dma semaphore(%arg24 : memref<!tpu.dma_semaphore, #tpu.memory_space<semaphore_mem>>) src(%dma_wait3A_250 : memref<100663296xf32, #tpu.memory_space<hbm>>) dst(%dma_wait3A_246 : memref<2048xf32, #tpu.memory_space<vmem>>)
    %scan3A_251 = arith.constant 256 : i32
    %scan3A_252 = arith.constant 128 : i32
    %scan3A_253 = arith.addi %scan3A_251, %scan3A_252 : i32
    %scan3A_254 = arith.constant 1 : i32
    %scan3A_255 = scf.for %scan3A_678 = %scan3A_251 to %scan3A_253 step %scan3A_254 iter_args(%scan3A_679 = %scan3A_237) -> (vector<16xf32>)  : i32 {
      %mul3A_680 = arith.constant 16 : i32
      %mul3A_681 = arith.muli %scan3A_678, %mul3A_680 : i32
      %get3A = arith.index_cast %mul3A_681 : i32 to index
      %get3A_682 = tpu.vector_load %arg17[%get3A] {strides = array<i32>} : memref<8192xf32, #tpu.memory_space<vmem>>, vector<16xf32>,
      %get3A_683 = vector.shape_cast %get3A_682 : vector<16xf32> to vector<16xf32>
      %get3A_684 = arith.index_cast %mul3A_681 : i32 to index
      %get3A_685 = tpu.vector_load %arg19[%get3A_684] {strides = array<i32>} : memref<8192xf32, #tpu.memory_space<vmem>>, vector<16xf32>,
      %get3A_686 = vector.shape_cast %get3A_685 : vector<16xf32> to vector<16xf32>
      %sub3A_687 = arith.subf %get3A_683, %get3A_686 : vector<16xf32>
      %get3A_688 = arith.index_cast %mul3A_681 : i32 to index
      %get3A_689 = tpu.vector_load %arg11[%get3A_688] {strides = array<i32>} : memref<8192xf32, #tpu.memory_space<vmem>>, vector<16xf32>,
      %get3A_690 = vector.shape_cast %get3A_689 : vector<16xf32> to vector<16xf32>
      %mul3A_691 = arith.mulf %sub3A_687, %get3A_690 : vector<16xf32>
      %add3A_692 = arith.addf %scan3A_679, %mul3A_691 : vector<16xf32>
      scf.yield %add3A_692 : vector<16xf32>
    }
    %scan3A_256 = arith.constant 128 : i32
    %dma_wait3A_257 = arith.constant 6144 : i32
    %dma_wait3A_258 = tpu.memref_slice %arg17[%dma_wait3A_257] : memref<8192xf32, #tpu.memory_space<vmem>> -> memref<2048xf32, #tpu.memory_space<vmem>>
    %dma_wait3A_259 = arith.constant 6144 : i32
    %dma_wait3A_260 = tpu.memref_slice %arg13[%dma_wait3A_259] : memref<8192xi32, #tpu.memory_space<vmem>> -> memref<2048xi32, #tpu.memory_space<vmem>>
    %dma_wait3A_261 = arith.constant 0 : i32
    %dma_wait3A_262 = tpu.memref_slice %arg2[%dma_wait3A_261] : memref<100663296xf32, #tpu.memory_space<hbm>> -> memref<100663296xf32, #tpu.memory_space<hbm>>
    tpu.wait_indirect_dma semaphore(%arg24 : memref<!tpu.dma_semaphore, #tpu.memory_space<semaphore_mem>>) src(%dma_wait3A_262 : memref<100663296xf32, #tpu.memory_space<hbm>>) dst(%dma_wait3A_258 : memref<2048xf32, #tpu.memory_space<vmem>>)
    %dma_wait3A_263 = arith.constant 6144 : i32
    %dma_wait3A_264 = tpu.memref_slice %arg19[%dma_wait3A_263] : memref<8192xf32, #tpu.memory_space<vmem>> -> memref<2048xf32, #tpu.memory_space<vmem>>
    %dma_wait3A_265 = arith.constant 6144 : i32
    %dma_wait3A_266 = tpu.memref_slice %arg15[%dma_wait3A_265] : memref<8192xi32, #tpu.memory_space<vmem>> -> memref<2048xi32, #tpu.memory_space<vmem>>
    %dma_wait3A_267 = arith.constant 0 : i32
    %dma_wait3A_268 = tpu.memref_slice %arg2[%dma_wait3A_267] : memref<100663296xf32, #tpu.memory_space<hbm>> -> memref<100663296xf32, #tpu.memory_space<hbm>>
    tpu.wait_indirect_dma semaphore(%arg24 : memref<!tpu.dma_semaphore, #tpu.memory_space<semaphore_mem>>) src(%dma_wait3A_268 : memref<100663296xf32, #tpu.memory_space<hbm>>) dst(%dma_wait3A_264 : memref<2048xf32, #tpu.memory_space<vmem>>)
    %scan3A_269 = arith.constant 384 : i32
    %scan3A_270 = arith.constant 128 : i32
    %scan3A_271 = arith.addi %scan3A_269, %scan3A_270 : i32
    %scan3A_272 = arith.constant 1 : i32
    %scan3A_273 = scf.for %scan3A_678 = %scan3A_269 to %scan3A_271 step %scan3A_272 iter_args(%scan3A_679 = %scan3A_255) -> (vector<16xf32>)  : i32 {
      %mul3A_680 = arith.constant 16 : i32
      %mul3A_681 = arith.muli %scan3A_678, %mul3A_680 : i32
      %get3A = arith.index_cast %mul3A_681 : i32 to index
      %get3A_682 = tpu.vector_load %arg17[%get3A] {strides = array<i32>} : memref<8192xf32, #tpu.memory_space<vmem>>, vector<16xf32>,
      %get3A_683 = vector.shape_cast %get3A_682 : vector<16xf32> to vector<16xf32>
      %get3A_684 = arith.index_cast %mul3A_681 : i32 to index
      %get3A_685 = tpu.vector_load %arg19[%get3A_684] {strides = array<i32>} : memref<8192xf32, #tpu.memory_space<vmem>>, vector<16xf32>,
      %get3A_686 = vector.shape_cast %get3A_685 : vector<16xf32> to vector<16xf32>
      %sub3A_687 = arith.subf %get3A_683, %get3A_686 : vector<16xf32>
      %get3A_688 = arith.index_cast %mul3A_681 : i32 to index
      %get3A_689 = tpu.vector_load %arg11[%get3A_688] {strides = array<i32>} : memref<8192xf32, #tpu.memory_space<vmem>>, vector<16xf32>,
      %get3A_690 = vector.shape_cast %get3A_689 : vector<16xf32> to vector<16xf32>
      %mul3A_691 = arith.mulf %sub3A_687, %get3A_690 : vector<16xf32>
      %add3A_692 = arith.addf %scan3A_679, %mul3A_691 : vector<16xf32>
      scf.yield %add3A_692 : vector<16xf32>
    }
    %scan3A_274 = arith.constant 128 : i32
    %add3A_275 = arith.constant 16384 : i32
    %add3A_276 = arith.addi %mul3A_2, %add3A_275 : i32
    %dma_start3A_277 = tpu.memref_slice %arg3[%add3A_276] : memref<1048576xi32, #tpu.memory_space<hbm>> -> memref<8192xi32, #tpu.memory_space<hbm>>
    %dma_start3A_278 = tpu.memref_slice %arg3[%add3A_276] : memref<1048576xi32, #tpu.memory_space<hbm>> -> memref<8192xi32, #tpu.memory_space<hbm>>
    tpu.enqueue_dma source(%dma_start3A_278 : memref<8192xi32, #tpu.memory_space<hbm>>) target(%arg7 : memref<8192xi32, #tpu.memory_space<vmem>>) target_semaphore(%arg22 : memref<!tpu.dma_semaphore, #tpu.memory_space<semaphore_mem>>)
    %dma_start3A_279 = tpu.memref_slice %arg4[%add3A_276] : memref<1048576xi32, #tpu.memory_space<hbm>> -> memref<8192xi32, #tpu.memory_space<hbm>>
    %dma_start3A_280 = tpu.memref_slice %arg4[%add3A_276] : memref<1048576xi32, #tpu.memory_space<hbm>> -> memref<8192xi32, #tpu.memory_space<hbm>>
    tpu.enqueue_dma source(%dma_start3A_280 : memref<8192xi32, #tpu.memory_space<hbm>>) target(%arg9 : memref<8192xi32, #tpu.memory_space<vmem>>) target_semaphore(%arg22 : memref<!tpu.dma_semaphore, #tpu.memory_space<semaphore_mem>>)
    %dma_start3A_281 = tpu.memref_slice %arg5[%add3A_276] : memref<1048576xf32, #tpu.memory_space<hbm>> -> memref<8192xf32, #tpu.memory_space<hbm>>
    %dma_start3A_282 = tpu.memref_slice %arg5[%add3A_276] : memref<1048576xf32, #tpu.memory_space<hbm>> -> memref<8192xf32, #tpu.memory_space<hbm>>
    tpu.enqueue_dma source(%dma_start3A_282 : memref<8192xf32, #tpu.memory_space<hbm>>) target(%arg11 : memref<8192xf32, #tpu.memory_space<vmem>>) target_semaphore(%arg22 : memref<!tpu.dma_semaphore, #tpu.memory_space<semaphore_mem>>)
    %dma_wait3A_283 = tpu.memref_slice %arg3[%add3A_276] : memref<1048576xi32, #tpu.memory_space<hbm>> -> memref<8192xi32, #tpu.memory_space<hbm>>
    %dma_wait3A_284 = tpu.memref_slice %arg3[%add3A_276] : memref<1048576xi32, #tpu.memory_space<hbm>> -> memref<8192xi32, #tpu.memory_space<hbm>>
    tpu.wait_dma2 semaphore(%arg22 : memref<!tpu.dma_semaphore, #tpu.memory_space<semaphore_mem>>) src(%dma_wait3A_284 : memref<8192xi32, #tpu.memory_space<hbm>>) dst(%arg7 : memref<8192xi32, #tpu.memory_space<vmem>>)
    %dma_wait3A_285 = tpu.memref_slice %arg4[%add3A_276] : memref<1048576xi32, #tpu.memory_space<hbm>> -> memref<8192xi32, #tpu.memory_space<hbm>>
    %dma_wait3A_286 = tpu.memref_slice %arg4[%add3A_276] : memref<1048576xi32, #tpu.memory_space<hbm>> -> memref<8192xi32, #tpu.memory_space<hbm>>
    tpu.wait_dma2 semaphore(%arg22 : memref<!tpu.dma_semaphore, #tpu.memory_space<semaphore_mem>>) src(%dma_wait3A_286 : memref<8192xi32, #tpu.memory_space<hbm>>) dst(%arg9 : memref<8192xi32, #tpu.memory_space<vmem>>)
    %dma_wait3A_287 = tpu.memref_slice %arg5[%add3A_276] : memref<1048576xf32, #tpu.memory_space<hbm>> -> memref<8192xf32, #tpu.memory_space<hbm>>
    %dma_wait3A_288 = tpu.memref_slice %arg5[%add3A_276] : memref<1048576xf32, #tpu.memory_space<hbm>> -> memref<8192xf32, #tpu.memory_space<hbm>>
    tpu.wait_dma2 semaphore(%arg22 : memref<!tpu.dma_semaphore, #tpu.memory_space<semaphore_mem>>) src(%dma_wait3A_288 : memref<8192xf32, #tpu.memory_space<hbm>>) dst(%arg11 : memref<8192xf32, #tpu.memory_space<vmem>>)
    %add3A_289 = arith.constant 16384 : i32
    %add3A_290 = arith.addi %mul3A_2, %add3A_289 : i32
    %scan3A_291 = arith.constant 0 : i32
    %scan3A_292 = arith.constant 0 : i32
    %scan3A_293 = arith.constant 128 : i32
    %scan3A_294 = arith.addi %scan3A_292, %scan3A_293 : i32
    %scan3A_295 = arith.constant 1 : i32
    %scan3A_296 = scf.for %scan3A_678 = %scan3A_292 to %scan3A_294 step %scan3A_295 iter_args(%scan3A_679 = %scan3A_291) -> (i32)  : i32 {
      %mul3A_680 = arith.constant 16 : i32
      %mul3A_681 = arith.muli %scan3A_678, %mul3A_680 : i32
      %add3A_682 = arith.addi %add3A_290, %mul3A_681 : i32
      %and3A_683 = arith.constant 262143 : i32
      %and3A_684 = arith.andi %add3A_682, %and3A_683 : i32
      %add3A_685 = vector.broadcast %and3A_684 : i32 to vector<16xi32>
      %add3A_686 = arith.addi %add3A_685, %iota3A : vector<16xi32>
      %mul3A_687 = arith.constant 16 : i32
      %mul3A_688 = arith.muli %scan3A_678, %mul3A_687 : i32
      %get3A = arith.index_cast %mul3A_688 : i32 to index
      %get3A_689 = tpu.vector_load %arg7[%get3A] {strides = array<i32>} : memref<8192xi32, #tpu.memory_space<vmem>>, vector<16xi32>,
      %get3A_690 = vector.shape_cast %get3A_689 : vector<16xi32> to vector<16xi32>
      %get3A_691 = arith.index_cast %mul3A_688 : i32 to index
      %get3A_692 = tpu.vector_load %arg9[%get3A_691] {strides = array<i32>} : memref<8192xi32, #tpu.memory_space<vmem>>, vector<16xi32>,
      %get3A_693 = vector.shape_cast %get3A_692 : vector<16xi32> to vector<16xi32>
      %add3A_694 = vector.broadcast %mul3A_20 : i32 to vector<16xi32>
      %add3A_695 = arith.addi %add3A_694, %get3A_690 : vector<16xi32>
      %shift_left3A = arith.constant 18 : i32
      %shift_left3A_696 = vector.broadcast %shift_left3A : i32 to vector<16xi32>
      %shift_left3A_697 = arith.shli %add3A_695, %shift_left3A_696 : vector<16xi32>
      %add3A_698 = arith.addi %shift_left3A_697, %add3A_686 : vector<16xi32>
      %swap3A_699 = arith.index_cast %mul3A_688 : i32 to index
      %swap3A_700 = tpu.vector_load %arg13[%swap3A_699] {strides = array<i32>} : memref<8192xi32, #tpu.memory_space<vmem>>, vector<16xi32>,
      %swap3A_701 = vector.shape_cast %swap3A_700 : vector<16xi32> to vector<16xi32>
      %swap3A_702 = vector.shape_cast %add3A_698 : vector<16xi32> to vector<16xi32>
      tpu.vector_store %arg13[%swap3A_699], %swap3A_702 {strides = array<i32>} : memref<8192xi32, #tpu.memory_space<vmem>>, vector<16xi32>,
      %add3A_703 = vector.broadcast %mul3A_20 : i32 to vector<16xi32>
      %add3A_704 = arith.addi %add3A_703, %get3A_693 : vector<16xi32>
      %shift_left3A_705 = arith.constant 18 : i32
      %shift_left3A_706 = vector.broadcast %shift_left3A_705 : i32 to vector<16xi32>
      %shift_left3A_707 = arith.shli %add3A_704, %shift_left3A_706 : vector<16xi32>
      %add3A_708 = arith.addi %shift_left3A_707, %add3A_686 : vector<16xi32>
      %swap3A_709 = arith.index_cast %mul3A_688 : i32 to index
      %swap3A_710 = tpu.vector_load %arg15[%swap3A_709] {strides = array<i32>} : memref<8192xi32, #tpu.memory_space<vmem>>, vector<16xi32>,
      %swap3A_711 = vector.shape_cast %swap3A_710 : vector<16xi32> to vector<16xi32>
      %swap3A_712 = vector.shape_cast %add3A_708 : vector<16xi32> to vector<16xi32>
      tpu.vector_store %arg15[%swap3A_709], %swap3A_712 {strides = array<i32>} : memref<8192xi32, #tpu.memory_space<vmem>>, vector<16xi32>,
      %scan3A_713 = arith.constant 0 : i32
      scf.yield %scan3A_713 : i32
    }
    %scan3A_297 = arith.constant 128 : i32
    %dma_start3A_298 = arith.constant 0 : i32
    %dma_start3A_299 = tpu.memref_slice %arg17[%dma_start3A_298] : memref<8192xf32, #tpu.memory_space<vmem>> -> memref<2048xf32, #tpu.memory_space<vmem>>
    %dma_start3A_300 = arith.constant 0 : i32
    %dma_start3A_301 = tpu.memref_slice %arg13[%dma_start3A_300] : memref<8192xi32, #tpu.memory_space<vmem>> -> memref<2048xi32, #tpu.memory_space<vmem>>
    %dma_start3A_302 = arith.constant 0 : i32
    %dma_start3A_303 = tpu.memref_slice %arg2[%dma_start3A_302] : memref<100663296xf32, #tpu.memory_space<hbm>> -> memref<100663296xf32, #tpu.memory_space<hbm>>
    tpu.enqueue_indirect_dma source(%dma_start3A_303 : memref<100663296xf32, #tpu.memory_space<hbm>>) target(%dma_start3A_299 : memref<2048xf32, #tpu.memory_space<vmem>>) offsets(%dma_start3A_301 : memref<2048xi32, #tpu.memory_space<vmem>>) semaphore(%arg24 : memref<!tpu.dma_semaphore, #tpu.memory_space<semaphore_mem>>)
    %dma_start3A_304 = arith.constant 0 : i32
    %dma_start3A_305 = tpu.memref_slice %arg19[%dma_start3A_304] : memref<8192xf32, #tpu.memory_space<vmem>> -> memref<2048xf32, #tpu.memory_space<vmem>>
    %dma_start3A_306 = arith.constant 0 : i32
    %dma_start3A_307 = tpu.memref_slice %arg15[%dma_start3A_306] : memref<8192xi32, #tpu.memory_space<vmem>> -> memref<2048xi32, #tpu.memory_space<vmem>>
    %dma_start3A_308 = arith.constant 0 : i32
    %dma_start3A_309 = tpu.memref_slice %arg2[%dma_start3A_308] : memref<100663296xf32, #tpu.memory_space<hbm>> -> memref<100663296xf32, #tpu.memory_space<hbm>>
    tpu.enqueue_indirect_dma source(%dma_start3A_309 : memref<100663296xf32, #tpu.memory_space<hbm>>) target(%dma_start3A_305 : memref<2048xf32, #tpu.memory_space<vmem>>) offsets(%dma_start3A_307 : memref<2048xi32, #tpu.memory_space<vmem>>) semaphore(%arg24 : memref<!tpu.dma_semaphore, #tpu.memory_space<semaphore_mem>>)
    %scan3A_310 = arith.constant 0 : i32
    %scan3A_311 = arith.constant 128 : i32
    %scan3A_312 = arith.constant 128 : i32
    %scan3A_313 = arith.addi %scan3A_311, %scan3A_312 : i32
    %scan3A_314 = arith.constant 1 : i32
    %scan3A_315 = scf.for %scan3A_678 = %scan3A_311 to %scan3A_313 step %scan3A_314 iter_args(%scan3A_679 = %scan3A_310) -> (i32)  : i32 {
      %mul3A_680 = arith.constant 16 : i32
      %mul3A_681 = arith.muli %scan3A_678, %mul3A_680 : i32
      %add3A_682 = arith.addi %add3A_290, %mul3A_681 : i32
      %and3A_683 = arith.constant 262143 : i32
      %and3A_684 = arith.andi %add3A_682, %and3A_683 : i32
      %add3A_685 = vector.broadcast %and3A_684 : i32 to vector<16xi32>
      %add3A_686 = arith.addi %add3A_685, %iota3A : vector<16xi32>
      %mul3A_687 = arith.constant 16 : i32
      %mul3A_688 = arith.muli %scan3A_678, %mul3A_687 : i32
      %get3A = arith.index_cast %mul3A_688 : i32 to index
      %get3A_689 = tpu.vector_load %arg7[%get3A] {strides = array<i32>} : memref<8192xi32, #tpu.memory_space<vmem>>, vector<16xi32>,
      %get3A_690 = vector.shape_cast %get3A_689 : vector<16xi32> to vector<16xi32>
      %get3A_691 = arith.index_cast %mul3A_688 : i32 to index
      %get3A_692 = tpu.vector_load %arg9[%get3A_691] {strides = array<i32>} : memref<8192xi32, #tpu.memory_space<vmem>>, vector<16xi32>,
      %get3A_693 = vector.shape_cast %get3A_692 : vector<16xi32> to vector<16xi32>
      %add3A_694 = vector.broadcast %mul3A_20 : i32 to vector<16xi32>
      %add3A_695 = arith.addi %add3A_694, %get3A_690 : vector<16xi32>
      %shift_left3A = arith.constant 18 : i32
      %shift_left3A_696 = vector.broadcast %shift_left3A : i32 to vector<16xi32>
      %shift_left3A_697 = arith.shli %add3A_695, %shift_left3A_696 : vector<16xi32>
      %add3A_698 = arith.addi %shift_left3A_697, %add3A_686 : vector<16xi32>
      %swap3A_699 = arith.index_cast %mul3A_688 : i32 to index
      %swap3A_700 = tpu.vector_load %arg13[%swap3A_699] {strides = array<i32>} : memref<8192xi32, #tpu.memory_space<vmem>>, vector<16xi32>,
      %swap3A_701 = vector.shape_cast %swap3A_700 : vector<16xi32> to vector<16xi32>
      %swap3A_702 = vector.shape_cast %add3A_698 : vector<16xi32> to vector<16xi32>
      tpu.vector_store %arg13[%swap3A_699], %swap3A_702 {strides = array<i32>} : memref<8192xi32, #tpu.memory_space<vmem>>, vector<16xi32>,
      %add3A_703 = vector.broadcast %mul3A_20 : i32 to vector<16xi32>
      %add3A_704 = arith.addi %add3A_703, %get3A_693 : vector<16xi32>
      %shift_left3A_705 = arith.constant 18 : i32
      %shift_left3A_706 = vector.broadcast %shift_left3A_705 : i32 to vector<16xi32>
      %shift_left3A_707 = arith.shli %add3A_704, %shift_left3A_706 : vector<16xi32>
      %add3A_708 = arith.addi %shift_left3A_707, %add3A_686 : vector<16xi32>
      %swap3A_709 = arith.index_cast %mul3A_688 : i32 to index
      %swap3A_710 = tpu.vector_load %arg15[%swap3A_709] {strides = array<i32>} : memref<8192xi32, #tpu.memory_space<vmem>>, vector<16xi32>,
      %swap3A_711 = vector.shape_cast %swap3A_710 : vector<16xi32> to vector<16xi32>
      %swap3A_712 = vector.shape_cast %add3A_708 : vector<16xi32> to vector<16xi32>
      tpu.vector_store %arg15[%swap3A_709], %swap3A_712 {strides = array<i32>} : memref<8192xi32, #tpu.memory_space<vmem>>, vector<16xi32>,
      %scan3A_713 = arith.constant 0 : i32
      scf.yield %scan3A_713 : i32
    }
    %scan3A_316 = arith.constant 128 : i32
    %dma_start3A_317 = arith.constant 2048 : i32
    %dma_start3A_318 = tpu.memref_slice %arg17[%dma_start3A_317] : memref<8192xf32, #tpu.memory_space<vmem>> -> memref<2048xf32, #tpu.memory_space<vmem>>
    %dma_start3A_319 = arith.constant 2048 : i32
    %dma_start3A_320 = tpu.memref_slice %arg13[%dma_start3A_319] : memref<8192xi32, #tpu.memory_space<vmem>> -> memref<2048xi32, #tpu.memory_space<vmem>>
    %dma_start3A_321 = arith.constant 0 : i32
    %dma_start3A_322 = tpu.memref_slice %arg2[%dma_start3A_321] : memref<100663296xf32, #tpu.memory_space<hbm>> -> memref<100663296xf32, #tpu.memory_space<hbm>>
    tpu.enqueue_indirect_dma source(%dma_start3A_322 : memref<100663296xf32, #tpu.memory_space<hbm>>) target(%dma_start3A_318 : memref<2048xf32, #tpu.memory_space<vmem>>) offsets(%dma_start3A_320 : memref<2048xi32, #tpu.memory_space<vmem>>) semaphore(%arg24 : memref<!tpu.dma_semaphore, #tpu.memory_space<semaphore_mem>>)
    %dma_start3A_323 = arith.constant 2048 : i32
    %dma_start3A_324 = tpu.memref_slice %arg19[%dma_start3A_323] : memref<8192xf32, #tpu.memory_space<vmem>> -> memref<2048xf32, #tpu.memory_space<vmem>>
    %dma_start3A_325 = arith.constant 2048 : i32
    %dma_start3A_326 = tpu.memref_slice %arg15[%dma_start3A_325] : memref<8192xi32, #tpu.memory_space<vmem>> -> memref<2048xi32, #tpu.memory_space<vmem>>
    %dma_start3A_327 = arith.constant 0 : i32
    %dma_start3A_328 = tpu.memref_slice %arg2[%dma_start3A_327] : memref<100663296xf32, #tpu.memory_space<hbm>> -> memref<100663296xf32, #tpu.memory_space<hbm>>
    tpu.enqueue_indirect_dma source(%dma_start3A_328 : memref<100663296xf32, #tpu.memory_space<hbm>>) target(%dma_start3A_324 : memref<2048xf32, #tpu.memory_space<vmem>>) offsets(%dma_start3A_326 : memref<2048xi32, #tpu.memory_space<vmem>>) semaphore(%arg24 : memref<!tpu.dma_semaphore, #tpu.memory_space<semaphore_mem>>)
    %scan3A_329 = arith.constant 0 : i32
    %scan3A_330 = arith.constant 256 : i32
    %scan3A_331 = arith.constant 128 : i32
    %scan3A_332 = arith.addi %scan3A_330, %scan3A_331 : i32
    %scan3A_333 = arith.constant 1 : i32
    %scan3A_334 = scf.for %scan3A_678 = %scan3A_330 to %scan3A_332 step %scan3A_333 iter_args(%scan3A_679 = %scan3A_329) -> (i32)  : i32 {
      %mul3A_680 = arith.constant 16 : i32
      %mul3A_681 = arith.muli %scan3A_678, %mul3A_680 : i32
      %add3A_682 = arith.addi %add3A_290, %mul3A_681 : i32
      %and3A_683 = arith.constant 262143 : i32
      %and3A_684 = arith.andi %add3A_682, %and3A_683 : i32
      %add3A_685 = vector.broadcast %and3A_684 : i32 to vector<16xi32>
      %add3A_686 = arith.addi %add3A_685, %iota3A : vector<16xi32>
      %mul3A_687 = arith.constant 16 : i32
      %mul3A_688 = arith.muli %scan3A_678, %mul3A_687 : i32
      %get3A = arith.index_cast %mul3A_688 : i32 to index
      %get3A_689 = tpu.vector_load %arg7[%get3A] {strides = array<i32>} : memref<8192xi32, #tpu.memory_space<vmem>>, vector<16xi32>,
      %get3A_690 = vector.shape_cast %get3A_689 : vector<16xi32> to vector<16xi32>
      %get3A_691 = arith.index_cast %mul3A_688 : i32 to index
      %get3A_692 = tpu.vector_load %arg9[%get3A_691] {strides = array<i32>} : memref<8192xi32, #tpu.memory_space<vmem>>, vector<16xi32>,
      %get3A_693 = vector.shape_cast %get3A_692 : vector<16xi32> to vector<16xi32>
      %add3A_694 = vector.broadcast %mul3A_20 : i32 to vector<16xi32>
      %add3A_695 = arith.addi %add3A_694, %get3A_690 : vector<16xi32>
      %shift_left3A = arith.constant 18 : i32
      %shift_left3A_696 = vector.broadcast %shift_left3A : i32 to vector<16xi32>
      %shift_left3A_697 = arith.shli %add3A_695, %shift_left3A_696 : vector<16xi32>
      %add3A_698 = arith.addi %shift_left3A_697, %add3A_686 : vector<16xi32>
      %swap3A_699 = arith.index_cast %mul3A_688 : i32 to index
      %swap3A_700 = tpu.vector_load %arg13[%swap3A_699] {strides = array<i32>} : memref<8192xi32, #tpu.memory_space<vmem>>, vector<16xi32>,
      %swap3A_701 = vector.shape_cast %swap3A_700 : vector<16xi32> to vector<16xi32>
      %swap3A_702 = vector.shape_cast %add3A_698 : vector<16xi32> to vector<16xi32>
      tpu.vector_store %arg13[%swap3A_699], %swap3A_702 {strides = array<i32>} : memref<8192xi32, #tpu.memory_space<vmem>>, vector<16xi32>,
      %add3A_703 = vector.broadcast %mul3A_20 : i32 to vector<16xi32>
      %add3A_704 = arith.addi %add3A_703, %get3A_693 : vector<16xi32>
      %shift_left3A_705 = arith.constant 18 : i32
      %shift_left3A_706 = vector.broadcast %shift_left3A_705 : i32 to vector<16xi32>
      %shift_left3A_707 = arith.shli %add3A_704, %shift_left3A_706 : vector<16xi32>
      %add3A_708 = arith.addi %shift_left3A_707, %add3A_686 : vector<16xi32>
      %swap3A_709 = arith.index_cast %mul3A_688 : i32 to index
      %swap3A_710 = tpu.vector_load %arg15[%swap3A_709] {strides = array<i32>} : memref<8192xi32, #tpu.memory_space<vmem>>, vector<16xi32>,
      %swap3A_711 = vector.shape_cast %swap3A_710 : vector<16xi32> to vector<16xi32>
      %swap3A_712 = vector.shape_cast %add3A_708 : vector<16xi32> to vector<16xi32>
      tpu.vector_store %arg15[%swap3A_709], %swap3A_712 {strides = array<i32>} : memref<8192xi32, #tpu.memory_space<vmem>>, vector<16xi32>,
      %scan3A_713 = arith.constant 0 : i32
      scf.yield %scan3A_713 : i32
    }
    %scan3A_335 = arith.constant 128 : i32
    %dma_start3A_336 = arith.constant 4096 : i32
    %dma_start3A_337 = tpu.memref_slice %arg17[%dma_start3A_336] : memref<8192xf32, #tpu.memory_space<vmem>> -> memref<2048xf32, #tpu.memory_space<vmem>>
    %dma_start3A_338 = arith.constant 4096 : i32
    %dma_start3A_339 = tpu.memref_slice %arg13[%dma_start3A_338] : memref<8192xi32, #tpu.memory_space<vmem>> -> memref<2048xi32, #tpu.memory_space<vmem>>
    %dma_start3A_340 = arith.constant 0 : i32
    %dma_start3A_341 = tpu.memref_slice %arg2[%dma_start3A_340] : memref<100663296xf32, #tpu.memory_space<hbm>> -> memref<100663296xf32, #tpu.memory_space<hbm>>
    tpu.enqueue_indirect_dma source(%dma_start3A_341 : memref<100663296xf32, #tpu.memory_space<hbm>>) target(%dma_start3A_337 : memref<2048xf32, #tpu.memory_space<vmem>>) offsets(%dma_start3A_339 : memref<2048xi32, #tpu.memory_space<vmem>>) semaphore(%arg24 : memref<!tpu.dma_semaphore, #tpu.memory_space<semaphore_mem>>)
    %dma_start3A_342 = arith.constant 4096 : i32
    %dma_start3A_343 = tpu.memref_slice %arg19[%dma_start3A_342] : memref<8192xf32, #tpu.memory_space<vmem>> -> memref<2048xf32, #tpu.memory_space<vmem>>
    %dma_start3A_344 = arith.constant 4096 : i32
    %dma_start3A_345 = tpu.memref_slice %arg15[%dma_start3A_344] : memref<8192xi32, #tpu.memory_space<vmem>> -> memref<2048xi32, #tpu.memory_space<vmem>>
    %dma_start3A_346 = arith.constant 0 : i32
    %dma_start3A_347 = tpu.memref_slice %arg2[%dma_start3A_346] : memref<100663296xf32, #tpu.memory_space<hbm>> -> memref<100663296xf32, #tpu.memory_space<hbm>>
    tpu.enqueue_indirect_dma source(%dma_start3A_347 : memref<100663296xf32, #tpu.memory_space<hbm>>) target(%dma_start3A_343 : memref<2048xf32, #tpu.memory_space<vmem>>) offsets(%dma_start3A_345 : memref<2048xi32, #tpu.memory_space<vmem>>) semaphore(%arg24 : memref<!tpu.dma_semaphore, #tpu.memory_space<semaphore_mem>>)
    %scan3A_348 = arith.constant 0 : i32
    %scan3A_349 = arith.constant 384 : i32
    %scan3A_350 = arith.constant 128 : i32
    %scan3A_351 = arith.addi %scan3A_349, %scan3A_350 : i32
    %scan3A_352 = arith.constant 1 : i32
    %scan3A_353 = scf.for %scan3A_678 = %scan3A_349 to %scan3A_351 step %scan3A_352 iter_args(%scan3A_679 = %scan3A_348) -> (i32)  : i32 {
      %mul3A_680 = arith.constant 16 : i32
      %mul3A_681 = arith.muli %scan3A_678, %mul3A_680 : i32
      %add3A_682 = arith.addi %add3A_290, %mul3A_681 : i32
      %and3A_683 = arith.constant 262143 : i32
      %and3A_684 = arith.andi %add3A_682, %and3A_683 : i32
      %add3A_685 = vector.broadcast %and3A_684 : i32 to vector<16xi32>
      %add3A_686 = arith.addi %add3A_685, %iota3A : vector<16xi32>
      %mul3A_687 = arith.constant 16 : i32
      %mul3A_688 = arith.muli %scan3A_678, %mul3A_687 : i32
      %get3A = arith.index_cast %mul3A_688 : i32 to index
      %get3A_689 = tpu.vector_load %arg7[%get3A] {strides = array<i32>} : memref<8192xi32, #tpu.memory_space<vmem>>, vector<16xi32>,
      %get3A_690 = vector.shape_cast %get3A_689 : vector<16xi32> to vector<16xi32>
      %get3A_691 = arith.index_cast %mul3A_688 : i32 to index
      %get3A_692 = tpu.vector_load %arg9[%get3A_691] {strides = array<i32>} : memref<8192xi32, #tpu.memory_space<vmem>>, vector<16xi32>,
      %get3A_693 = vector.shape_cast %get3A_692 : vector<16xi32> to vector<16xi32>
      %add3A_694 = vector.broadcast %mul3A_20 : i32 to vector<16xi32>
      %add3A_695 = arith.addi %add3A_694, %get3A_690 : vector<16xi32>
      %shift_left3A = arith.constant 18 : i32
      %shift_left3A_696 = vector.broadcast %shift_left3A : i32 to vector<16xi32>
      %shift_left3A_697 = arith.shli %add3A_695, %shift_left3A_696 : vector<16xi32>
      %add3A_698 = arith.addi %shift_left3A_697, %add3A_686 : vector<16xi32>
      %swap3A_699 = arith.index_cast %mul3A_688 : i32 to index
      %swap3A_700 = tpu.vector_load %arg13[%swap3A_699] {strides = array<i32>} : memref<8192xi32, #tpu.memory_space<vmem>>, vector<16xi32>,
      %swap3A_701 = vector.shape_cast %swap3A_700 : vector<16xi32> to vector<16xi32>
      %swap3A_702 = vector.shape_cast %add3A_698 : vector<16xi32> to vector<16xi32>
      tpu.vector_store %arg13[%swap3A_699], %swap3A_702 {strides = array<i32>} : memref<8192xi32, #tpu.memory_space<vmem>>, vector<16xi32>,
      %add3A_703 = vector.broadcast %mul3A_20 : i32 to vector<16xi32>
      %add3A_704 = arith.addi %add3A_703, %get3A_693 : vector<16xi32>
      %shift_left3A_705 = arith.constant 18 : i32
      %shift_left3A_706 = vector.broadcast %shift_left3A_705 : i32 to vector<16xi32>
      %shift_left3A_707 = arith.shli %add3A_704, %shift_left3A_706 : vector<16xi32>
      %add3A_708 = arith.addi %shift_left3A_707, %add3A_686 : vector<16xi32>
      %swap3A_709 = arith.index_cast %mul3A_688 : i32 to index
      %swap3A_710 = tpu.vector_load %arg15[%swap3A_709] {strides = array<i32>} : memref<8192xi32, #tpu.memory_space<vmem>>, vector<16xi32>,
      %swap3A_711 = vector.shape_cast %swap3A_710 : vector<16xi32> to vector<16xi32>
      %swap3A_712 = vector.shape_cast %add3A_708 : vector<16xi32> to vector<16xi32>
      tpu.vector_store %arg15[%swap3A_709], %swap3A_712 {strides = array<i32>} : memref<8192xi32, #tpu.memory_space<vmem>>, vector<16xi32>,
      %scan3A_713 = arith.constant 0 : i32
      scf.yield %scan3A_713 : i32
    }
    %scan3A_354 = arith.constant 128 : i32
    %dma_start3A_355 = arith.constant 6144 : i32
    %dma_start3A_356 = tpu.memref_slice %arg17[%dma_start3A_355] : memref<8192xf32, #tpu.memory_space<vmem>> -> memref<2048xf32, #tpu.memory_space<vmem>>
    %dma_start3A_357 = arith.constant 6144 : i32
    %dma_start3A_358 = tpu.memref_slice %arg13[%dma_start3A_357] : memref<8192xi32, #tpu.memory_space<vmem>> -> memref<2048xi32, #tpu.memory_space<vmem>>
    %dma_start3A_359 = arith.constant 0 : i32
    %dma_start3A_360 = tpu.memref_slice %arg2[%dma_start3A_359] : memref<100663296xf32, #tpu.memory_space<hbm>> -> memref<100663296xf32, #tpu.memory_space<hbm>>
    tpu.enqueue_indirect_dma source(%dma_start3A_360 : memref<100663296xf32, #tpu.memory_space<hbm>>) target(%dma_start3A_356 : memref<2048xf32, #tpu.memory_space<vmem>>) offsets(%dma_start3A_358 : memref<2048xi32, #tpu.memory_space<vmem>>) semaphore(%arg24 : memref<!tpu.dma_semaphore, #tpu.memory_space<semaphore_mem>>)
    %dma_start3A_361 = arith.constant 6144 : i32
    %dma_start3A_362 = tpu.memref_slice %arg19[%dma_start3A_361] : memref<8192xf32, #tpu.memory_space<vmem>> -> memref<2048xf32, #tpu.memory_space<vmem>>
    %dma_start3A_363 = arith.constant 6144 : i32
    %dma_start3A_364 = tpu.memref_slice %arg15[%dma_start3A_363] : memref<8192xi32, #tpu.memory_space<vmem>> -> memref<2048xi32, #tpu.memory_space<vmem>>
    %dma_start3A_365 = arith.constant 0 : i32
    %dma_start3A_366 = tpu.memref_slice %arg2[%dma_start3A_365] : memref<100663296xf32, #tpu.memory_space<hbm>> -> memref<100663296xf32, #tpu.memory_space<hbm>>
    tpu.enqueue_indirect_dma source(%dma_start3A_366 : memref<100663296xf32, #tpu.memory_space<hbm>>) target(%dma_start3A_362 : memref<2048xf32, #tpu.memory_space<vmem>>) offsets(%dma_start3A_364 : memref<2048xi32, #tpu.memory_space<vmem>>) semaphore(%arg24 : memref<!tpu.dma_semaphore, #tpu.memory_space<semaphore_mem>>)
    %dma_wait3A_367 = arith.constant 0 : i32
    %dma_wait3A_368 = tpu.memref_slice %arg18[%dma_wait3A_367] : memref<8192xf32, #tpu.memory_space<vmem>> -> memref<2048xf32, #tpu.memory_space<vmem>>
    %dma_wait3A_369 = arith.constant 0 : i32
    %dma_wait3A_370 = tpu.memref_slice %arg14[%dma_wait3A_369] : memref<8192xi32, #tpu.memory_space<vmem>> -> memref<2048xi32, #tpu.memory_space<vmem>>
    %dma_wait3A_371 = arith.constant 0 : i32
    %dma_wait3A_372 = tpu.memref_slice %arg2[%dma_wait3A_371] : memref<100663296xf32, #tpu.memory_space<hbm>> -> memref<100663296xf32, #tpu.memory_space<hbm>>
    tpu.wait_indirect_dma semaphore(%arg25 : memref<!tpu.dma_semaphore, #tpu.memory_space<semaphore_mem>>) src(%dma_wait3A_372 : memref<100663296xf32, #tpu.memory_space<hbm>>) dst(%dma_wait3A_368 : memref<2048xf32, #tpu.memory_space<vmem>>)
    %dma_wait3A_373 = arith.constant 0 : i32
    %dma_wait3A_374 = tpu.memref_slice %arg20[%dma_wait3A_373] : memref<8192xf32, #tpu.memory_space<vmem>> -> memref<2048xf32, #tpu.memory_space<vmem>>
    %dma_wait3A_375 = arith.constant 0 : i32
    %dma_wait3A_376 = tpu.memref_slice %arg16[%dma_wait3A_375] : memref<8192xi32, #tpu.memory_space<vmem>> -> memref<2048xi32, #tpu.memory_space<vmem>>
    %dma_wait3A_377 = arith.constant 0 : i32
    %dma_wait3A_378 = tpu.memref_slice %arg2[%dma_wait3A_377] : memref<100663296xf32, #tpu.memory_space<hbm>> -> memref<100663296xf32, #tpu.memory_space<hbm>>
    tpu.wait_indirect_dma semaphore(%arg25 : memref<!tpu.dma_semaphore, #tpu.memory_space<semaphore_mem>>) src(%dma_wait3A_378 : memref<100663296xf32, #tpu.memory_space<hbm>>) dst(%dma_wait3A_374 : memref<2048xf32, #tpu.memory_space<vmem>>)
    %scan3A_379 = arith.constant 0 : i32
    %scan3A_380 = arith.constant 128 : i32
    %scan3A_381 = arith.addi %scan3A_379, %scan3A_380 : i32
    %scan3A_382 = arith.constant 1 : i32
    %scan3A_383 = scf.for %scan3A_678 = %scan3A_379 to %scan3A_381 step %scan3A_382 iter_args(%scan3A_679 = %scan3A_273) -> (vector<16xf32>)  : i32 {
      %mul3A_680 = arith.constant 16 : i32
      %mul3A_681 = arith.muli %scan3A_678, %mul3A_680 : i32
      %get3A = arith.index_cast %mul3A_681 : i32 to index
      %get3A_682 = tpu.vector_load %arg18[%get3A] {strides = array<i32>} : memref<8192xf32, #tpu.memory_space<vmem>>, vector<16xf32>,
      %get3A_683 = vector.shape_cast %get3A_682 : vector<16xf32> to vector<16xf32>
      %get3A_684 = arith.index_cast %mul3A_681 : i32 to index
      %get3A_685 = tpu.vector_load %arg20[%get3A_684] {strides = array<i32>} : memref<8192xf32, #tpu.memory_space<vmem>>, vector<16xf32>,
      %get3A_686 = vector.shape_cast %get3A_685 : vector<16xf32> to vector<16xf32>
      %sub3A_687 = arith.subf %get3A_683, %get3A_686 : vector<16xf32>
      %get3A_688 = arith.index_cast %mul3A_681 : i32 to index
      %get3A_689 = tpu.vector_load %arg12[%get3A_688] {strides = array<i32>} : memref<8192xf32, #tpu.memory_space<vmem>>, vector<16xf32>,
      %get3A_690 = vector.shape_cast %get3A_689 : vector<16xf32> to vector<16xf32>
      %mul3A_691 = arith.mulf %sub3A_687, %get3A_690 : vector<16xf32>
      %add3A_692 = arith.addf %scan3A_679, %mul3A_691 : vector<16xf32>
      scf.yield %add3A_692 : vector<16xf32>
    }
    %scan3A_384 = arith.constant 128 : i32
    %dma_wait3A_385 = arith.constant 2048 : i32
    %dma_wait3A_386 = tpu.memref_slice %arg18[%dma_wait3A_385] : memref<8192xf32, #tpu.memory_space<vmem>> -> memref<2048xf32, #tpu.memory_space<vmem>>
    %dma_wait3A_387 = arith.constant 2048 : i32
    %dma_wait3A_388 = tpu.memref_slice %arg14[%dma_wait3A_387] : memref<8192xi32, #tpu.memory_space<vmem>> -> memref<2048xi32, #tpu.memory_space<vmem>>
    %dma_wait3A_389 = arith.constant 0 : i32
    %dma_wait3A_390 = tpu.memref_slice %arg2[%dma_wait3A_389] : memref<100663296xf32, #tpu.memory_space<hbm>> -> memref<100663296xf32, #tpu.memory_space<hbm>>
    tpu.wait_indirect_dma semaphore(%arg25 : memref<!tpu.dma_semaphore, #tpu.memory_space<semaphore_mem>>) src(%dma_wait3A_390 : memref<100663296xf32, #tpu.memory_space<hbm>>) dst(%dma_wait3A_386 : memref<2048xf32, #tpu.memory_space<vmem>>)
    %dma_wait3A_391 = arith.constant 2048 : i32
    %dma_wait3A_392 = tpu.memref_slice %arg20[%dma_wait3A_391] : memref<8192xf32, #tpu.memory_space<vmem>> -> memref<2048xf32, #tpu.memory_space<vmem>>
    %dma_wait3A_393 = arith.constant 2048 : i32
    %dma_wait3A_394 = tpu.memref_slice %arg16[%dma_wait3A_393] : memref<8192xi32, #tpu.memory_space<vmem>> -> memref<2048xi32, #tpu.memory_space<vmem>>
    %dma_wait3A_395 = arith.constant 0 : i32
    %dma_wait3A_396 = tpu.memref_slice %arg2[%dma_wait3A_395] : memref<100663296xf32, #tpu.memory_space<hbm>> -> memref<100663296xf32, #tpu.memory_space<hbm>>
    tpu.wait_indirect_dma semaphore(%arg25 : memref<!tpu.dma_semaphore, #tpu.memory_space<semaphore_mem>>) src(%dma_wait3A_396 : memref<100663296xf32, #tpu.memory_space<hbm>>) dst(%dma_wait3A_392 : memref<2048xf32, #tpu.memory_space<vmem>>)
    %scan3A_397 = arith.constant 128 : i32
    %scan3A_398 = arith.constant 128 : i32
    %scan3A_399 = arith.addi %scan3A_397, %scan3A_398 : i32
    %scan3A_400 = arith.constant 1 : i32
    %scan3A_401 = scf.for %scan3A_678 = %scan3A_397 to %scan3A_399 step %scan3A_400 iter_args(%scan3A_679 = %scan3A_383) -> (vector<16xf32>)  : i32 {
      %mul3A_680 = arith.constant 16 : i32
      %mul3A_681 = arith.muli %scan3A_678, %mul3A_680 : i32
      %get3A = arith.index_cast %mul3A_681 : i32 to index
      %get3A_682 = tpu.vector_load %arg18[%get3A] {strides = array<i32>} : memref<8192xf32, #tpu.memory_space<vmem>>, vector<16xf32>,
      %get3A_683 = vector.shape_cast %get3A_682 : vector<16xf32> to vector<16xf32>
      %get3A_684 = arith.index_cast %mul3A_681 : i32 to index
      %get3A_685 = tpu.vector_load %arg20[%get3A_684] {strides = array<i32>} : memref<8192xf32, #tpu.memory_space<vmem>>, vector<16xf32>,
      %get3A_686 = vector.shape_cast %get3A_685 : vector<16xf32> to vector<16xf32>
      %sub3A_687 = arith.subf %get3A_683, %get3A_686 : vector<16xf32>
      %get3A_688 = arith.index_cast %mul3A_681 : i32 to index
      %get3A_689 = tpu.vector_load %arg12[%get3A_688] {strides = array<i32>} : memref<8192xf32, #tpu.memory_space<vmem>>, vector<16xf32>,
      %get3A_690 = vector.shape_cast %get3A_689 : vector<16xf32> to vector<16xf32>
      %mul3A_691 = arith.mulf %sub3A_687, %get3A_690 : vector<16xf32>
      %add3A_692 = arith.addf %scan3A_679, %mul3A_691 : vector<16xf32>
      scf.yield %add3A_692 : vector<16xf32>
    }
    %scan3A_402 = arith.constant 128 : i32
    %dma_wait3A_403 = arith.constant 4096 : i32
    %dma_wait3A_404 = tpu.memref_slice %arg18[%dma_wait3A_403] : memref<8192xf32, #tpu.memory_space<vmem>> -> memref<2048xf32, #tpu.memory_space<vmem>>
    %dma_wait3A_405 = arith.constant 4096 : i32
    %dma_wait3A_406 = tpu.memref_slice %arg14[%dma_wait3A_405] : memref<8192xi32, #tpu.memory_space<vmem>> -> memref<2048xi32, #tpu.memory_space<vmem>>
    %dma_wait3A_407 = arith.constant 0 : i32
    %dma_wait3A_408 = tpu.memref_slice %arg2[%dma_wait3A_407] : memref<100663296xf32, #tpu.memory_space<hbm>> -> memref<100663296xf32, #tpu.memory_space<hbm>>
    tpu.wait_indirect_dma semaphore(%arg25 : memref<!tpu.dma_semaphore, #tpu.memory_space<semaphore_mem>>) src(%dma_wait3A_408 : memref<100663296xf32, #tpu.memory_space<hbm>>) dst(%dma_wait3A_404 : memref<2048xf32, #tpu.memory_space<vmem>>)
    %dma_wait3A_409 = arith.constant 4096 : i32
    %dma_wait3A_410 = tpu.memref_slice %arg20[%dma_wait3A_409] : memref<8192xf32, #tpu.memory_space<vmem>> -> memref<2048xf32, #tpu.memory_space<vmem>>
    %dma_wait3A_411 = arith.constant 4096 : i32
    %dma_wait3A_412 = tpu.memref_slice %arg16[%dma_wait3A_411] : memref<8192xi32, #tpu.memory_space<vmem>> -> memref<2048xi32, #tpu.memory_space<vmem>>
    %dma_wait3A_413 = arith.constant 0 : i32
    %dma_wait3A_414 = tpu.memref_slice %arg2[%dma_wait3A_413] : memref<100663296xf32, #tpu.memory_space<hbm>> -> memref<100663296xf32, #tpu.memory_space<hbm>>
    tpu.wait_indirect_dma semaphore(%arg25 : memref<!tpu.dma_semaphore, #tpu.memory_space<semaphore_mem>>) src(%dma_wait3A_414 : memref<100663296xf32, #tpu.memory_space<hbm>>) dst(%dma_wait3A_410 : memref<2048xf32, #tpu.memory_space<vmem>>)
    %scan3A_415 = arith.constant 256 : i32
    %scan3A_416 = arith.constant 128 : i32
    %scan3A_417 = arith.addi %scan3A_415, %scan3A_416 : i32
    %scan3A_418 = arith.constant 1 : i32
    %scan3A_419 = scf.for %scan3A_678 = %scan3A_415 to %scan3A_417 step %scan3A_418 iter_args(%scan3A_679 = %scan3A_401) -> (vector<16xf32>)  : i32 {
      %mul3A_680 = arith.constant 16 : i32
      %mul3A_681 = arith.muli %scan3A_678, %mul3A_680 : i32
      %get3A = arith.index_cast %mul3A_681 : i32 to index
      %get3A_682 = tpu.vector_load %arg18[%get3A] {strides = array<i32>} : memref<8192xf32, #tpu.memory_space<vmem>>, vector<16xf32>,
      %get3A_683 = vector.shape_cast %get3A_682 : vector<16xf32> to vector<16xf32>
      %get3A_684 = arith.index_cast %mul3A_681 : i32 to index
      %get3A_685 = tpu.vector_load %arg20[%get3A_684] {strides = array<i32>} : memref<8192xf32, #tpu.memory_space<vmem>>, vector<16xf32>,
      %get3A_686 = vector.shape_cast %get3A_685 : vector<16xf32> to vector<16xf32>
      %sub3A_687 = arith.subf %get3A_683, %get3A_686 : vector<16xf32>
      %get3A_688 = arith.index_cast %mul3A_681 : i32 to index
      %get3A_689 = tpu.vector_load %arg12[%get3A_688] {strides = array<i32>} : memref<8192xf32, #tpu.memory_space<vmem>>, vector<16xf32>,
      %get3A_690 = vector.shape_cast %get3A_689 : vector<16xf32> to vector<16xf32>
      %mul3A_691 = arith.mulf %sub3A_687, %get3A_690 : vector<16xf32>
      %add3A_692 = arith.addf %scan3A_679, %mul3A_691 : vector<16xf32>
      scf.yield %add3A_692 : vector<16xf32>
    }
    %scan3A_420 = arith.constant 128 : i32
    %dma_wait3A_421 = arith.constant 6144 : i32
    %dma_wait3A_422 = tpu.memref_slice %arg18[%dma_wait3A_421] : memref<8192xf32, #tpu.memory_space<vmem>> -> memref<2048xf32, #tpu.memory_space<vmem>>
    %dma_wait3A_423 = arith.constant 6144 : i32
    %dma_wait3A_424 = tpu.memref_slice %arg14[%dma_wait3A_423] : memref<8192xi32, #tpu.memory_space<vmem>> -> memref<2048xi32, #tpu.memory_space<vmem>>
    %dma_wait3A_425 = arith.constant 0 : i32
    %dma_wait3A_426 = tpu.memref_slice %arg2[%dma_wait3A_425] : memref<100663296xf32, #tpu.memory_space<hbm>> -> memref<100663296xf32, #tpu.memory_space<hbm>>
    tpu.wait_indirect_dma semaphore(%arg25 : memref<!tpu.dma_semaphore, #tpu.memory_space<semaphore_mem>>) src(%dma_wait3A_426 : memref<100663296xf32, #tpu.memory_space<hbm>>) dst(%dma_wait3A_422 : memref<2048xf32, #tpu.memory_space<vmem>>)
    %dma_wait3A_427 = arith.constant 6144 : i32
    %dma_wait3A_428 = tpu.memref_slice %arg20[%dma_wait3A_427] : memref<8192xf32, #tpu.memory_space<vmem>> -> memref<2048xf32, #tpu.memory_space<vmem>>
    %dma_wait3A_429 = arith.constant 6144 : i32
    %dma_wait3A_430 = tpu.memref_slice %arg16[%dma_wait3A_429] : memref<8192xi32, #tpu.memory_space<vmem>> -> memref<2048xi32, #tpu.memory_space<vmem>>
    %dma_wait3A_431 = arith.constant 0 : i32
    %dma_wait3A_432 = tpu.memref_slice %arg2[%dma_wait3A_431] : memref<100663296xf32, #tpu.memory_space<hbm>> -> memref<100663296xf32, #tpu.memory_space<hbm>>
    tpu.wait_indirect_dma semaphore(%arg25 : memref<!tpu.dma_semaphore, #tpu.memory_space<semaphore_mem>>) src(%dma_wait3A_432 : memref<100663296xf32, #tpu.memory_space<hbm>>) dst(%dma_wait3A_428 : memref<2048xf32, #tpu.memory_space<vmem>>)
    %scan3A_433 = arith.constant 384 : i32
    %scan3A_434 = arith.constant 128 : i32
    %scan3A_435 = arith.addi %scan3A_433, %scan3A_434 : i32
    %scan3A_436 = arith.constant 1 : i32
    %scan3A_437 = scf.for %scan3A_678 = %scan3A_433 to %scan3A_435 step %scan3A_436 iter_args(%scan3A_679 = %scan3A_419) -> (vector<16xf32>)  : i32 {
      %mul3A_680 = arith.constant 16 : i32
      %mul3A_681 = arith.muli %scan3A_678, %mul3A_680 : i32
      %get3A = arith.index_cast %mul3A_681 : i32 to index
      %get3A_682 = tpu.vector_load %arg18[%get3A] {strides = array<i32>} : memref<8192xf32, #tpu.memory_space<vmem>>, vector<16xf32>,
      %get3A_683 = vector.shape_cast %get3A_682 : vector<16xf32> to vector<16xf32>
      %get3A_684 = arith.index_cast %mul3A_681 : i32 to index
      %get3A_685 = tpu.vector_load %arg20[%get3A_684] {strides = array<i32>} : memref<8192xf32, #tpu.memory_space<vmem>>, vector<16xf32>,
      %get3A_686 = vector.shape_cast %get3A_685 : vector<16xf32> to vector<16xf32>
      %sub3A_687 = arith.subf %get3A_683, %get3A_686 : vector<16xf32>
      %get3A_688 = arith.index_cast %mul3A_681 : i32 to index
      %get3A_689 = tpu.vector_load %arg12[%get3A_688] {strides = array<i32>} : memref<8192xf32, #tpu.memory_space<vmem>>, vector<16xf32>,
      %get3A_690 = vector.shape_cast %get3A_689 : vector<16xf32> to vector<16xf32>
      %mul3A_691 = arith.mulf %sub3A_687, %get3A_690 : vector<16xf32>
      %add3A_692 = arith.addf %scan3A_679, %mul3A_691 : vector<16xf32>
      scf.yield %add3A_692 : vector<16xf32>
    }
    %scan3A_438 = arith.constant 128 : i32
    %add3A_439 = arith.constant 24576 : i32
    %add3A_440 = arith.addi %mul3A_2, %add3A_439 : i32
    %dma_start3A_441 = tpu.memref_slice %arg3[%add3A_440] : memref<1048576xi32, #tpu.memory_space<hbm>> -> memref<8192xi32, #tpu.memory_space<hbm>>
    %dma_start3A_442 = tpu.memref_slice %arg3[%add3A_440] : memref<1048576xi32, #tpu.memory_space<hbm>> -> memref<8192xi32, #tpu.memory_space<hbm>>
    tpu.enqueue_dma source(%dma_start3A_442 : memref<8192xi32, #tpu.memory_space<hbm>>) target(%arg8 : memref<8192xi32, #tpu.memory_space<vmem>>) target_semaphore(%arg23 : memref<!tpu.dma_semaphore, #tpu.memory_space<semaphore_mem>>)
    %dma_start3A_443 = tpu.memref_slice %arg4[%add3A_440] : memref<1048576xi32, #tpu.memory_space<hbm>> -> memref<8192xi32, #tpu.memory_space<hbm>>
    %dma_start3A_444 = tpu.memref_slice %arg4[%add3A_440] : memref<1048576xi32, #tpu.memory_space<hbm>> -> memref<8192xi32, #tpu.memory_space<hbm>>
    tpu.enqueue_dma source(%dma_start3A_444 : memref<8192xi32, #tpu.memory_space<hbm>>) target(%arg10 : memref<8192xi32, #tpu.memory_space<vmem>>) target_semaphore(%arg23 : memref<!tpu.dma_semaphore, #tpu.memory_space<semaphore_mem>>)
    %dma_start3A_445 = tpu.memref_slice %arg5[%add3A_440] : memref<1048576xf32, #tpu.memory_space<hbm>> -> memref<8192xf32, #tpu.memory_space<hbm>>
    %dma_start3A_446 = tpu.memref_slice %arg5[%add3A_440] : memref<1048576xf32, #tpu.memory_space<hbm>> -> memref<8192xf32, #tpu.memory_space<hbm>>
    tpu.enqueue_dma source(%dma_start3A_446 : memref<8192xf32, #tpu.memory_space<hbm>>) target(%arg12 : memref<8192xf32, #tpu.memory_space<vmem>>) target_semaphore(%arg23 : memref<!tpu.dma_semaphore, #tpu.memory_space<semaphore_mem>>)
    %dma_wait3A_447 = tpu.memref_slice %arg3[%add3A_440] : memref<1048576xi32, #tpu.memory_space<hbm>> -> memref<8192xi32, #tpu.memory_space<hbm>>
    %dma_wait3A_448 = tpu.memref_slice %arg3[%add3A_440] : memref<1048576xi32, #tpu.memory_space<hbm>> -> memref<8192xi32, #tpu.memory_space<hbm>>
    tpu.wait_dma2 semaphore(%arg23 : memref<!tpu.dma_semaphore, #tpu.memory_space<semaphore_mem>>) src(%dma_wait3A_448 : memref<8192xi32, #tpu.memory_space<hbm>>) dst(%arg8 : memref<8192xi32, #tpu.memory_space<vmem>>)
    %dma_wait3A_449 = tpu.memref_slice %arg4[%add3A_440] : memref<1048576xi32, #tpu.memory_space<hbm>> -> memref<8192xi32, #tpu.memory_space<hbm>>
    %dma_wait3A_450 = tpu.memref_slice %arg4[%add3A_440] : memref<1048576xi32, #tpu.memory_space<hbm>> -> memref<8192xi32, #tpu.memory_space<hbm>>
    tpu.wait_dma2 semaphore(%arg23 : memref<!tpu.dma_semaphore, #tpu.memory_space<semaphore_mem>>) src(%dma_wait3A_450 : memref<8192xi32, #tpu.memory_space<hbm>>) dst(%arg10 : memref<8192xi32, #tpu.memory_space<vmem>>)
    %dma_wait3A_451 = tpu.memref_slice %arg5[%add3A_440] : memref<1048576xf32, #tpu.memory_space<hbm>> -> memref<8192xf32, #tpu.memory_space<hbm>>
    %dma_wait3A_452 = tpu.memref_slice %arg5[%add3A_440] : memref<1048576xf32, #tpu.memory_space<hbm>> -> memref<8192xf32, #tpu.memory_space<hbm>>
    tpu.wait_dma2 semaphore(%arg23 : memref<!tpu.dma_semaphore, #tpu.memory_space<semaphore_mem>>) src(%dma_wait3A_452 : memref<8192xf32, #tpu.memory_space<hbm>>) dst(%arg12 : memref<8192xf32, #tpu.memory_space<vmem>>)
    %add3A_453 = arith.constant 24576 : i32
    %add3A_454 = arith.addi %mul3A_2, %add3A_453 : i32
    %scan3A_455 = arith.constant 0 : i32
    %scan3A_456 = arith.constant 0 : i32
    %scan3A_457 = arith.constant 128 : i32
    %scan3A_458 = arith.addi %scan3A_456, %scan3A_457 : i32
    %scan3A_459 = arith.constant 1 : i32
    %scan3A_460 = scf.for %scan3A_678 = %scan3A_456 to %scan3A_458 step %scan3A_459 iter_args(%scan3A_679 = %scan3A_455) -> (i32)  : i32 {
      %mul3A_680 = arith.constant 16 : i32
      %mul3A_681 = arith.muli %scan3A_678, %mul3A_680 : i32
      %add3A_682 = arith.addi %add3A_454, %mul3A_681 : i32
      %and3A_683 = arith.constant 262143 : i32
      %and3A_684 = arith.andi %add3A_682, %and3A_683 : i32
      %add3A_685 = vector.broadcast %and3A_684 : i32 to vector<16xi32>
      %add3A_686 = arith.addi %add3A_685, %iota3A : vector<16xi32>
      %mul3A_687 = arith.constant 16 : i32
      %mul3A_688 = arith.muli %scan3A_678, %mul3A_687 : i32
      %get3A = arith.index_cast %mul3A_688 : i32 to index
      %get3A_689 = tpu.vector_load %arg8[%get3A] {strides = array<i32>} : memref<8192xi32, #tpu.memory_space<vmem>>, vector<16xi32>,
      %get3A_690 = vector.shape_cast %get3A_689 : vector<16xi32> to vector<16xi32>
      %get3A_691 = arith.index_cast %mul3A_688 : i32 to index
      %get3A_692 = tpu.vector_load %arg10[%get3A_691] {strides = array<i32>} : memref<8192xi32, #tpu.memory_space<vmem>>, vector<16xi32>,
      %get3A_693 = vector.shape_cast %get3A_692 : vector<16xi32> to vector<16xi32>
      %add3A_694 = vector.broadcast %mul3A_20 : i32 to vector<16xi32>
      %add3A_695 = arith.addi %add3A_694, %get3A_690 : vector<16xi32>
      %shift_left3A = arith.constant 18 : i32
      %shift_left3A_696 = vector.broadcast %shift_left3A : i32 to vector<16xi32>
      %shift_left3A_697 = arith.shli %add3A_695, %shift_left3A_696 : vector<16xi32>
      %add3A_698 = arith.addi %shift_left3A_697, %add3A_686 : vector<16xi32>
      %swap3A_699 = arith.index_cast %mul3A_688 : i32 to index
      %swap3A_700 = tpu.vector_load %arg14[%swap3A_699] {strides = array<i32>} : memref<8192xi32, #tpu.memory_space<vmem>>, vector<16xi32>,
      %swap3A_701 = vector.shape_cast %swap3A_700 : vector<16xi32> to vector<16xi32>
      %swap3A_702 = vector.shape_cast %add3A_698 : vector<16xi32> to vector<16xi32>
      tpu.vector_store %arg14[%swap3A_699], %swap3A_702 {strides = array<i32>} : memref<8192xi32, #tpu.memory_space<vmem>>, vector<16xi32>,
      %add3A_703 = vector.broadcast %mul3A_20 : i32 to vector<16xi32>
      %add3A_704 = arith.addi %add3A_703, %get3A_693 : vector<16xi32>
      %shift_left3A_705 = arith.constant 18 : i32
      %shift_left3A_706 = vector.broadcast %shift_left3A_705 : i32 to vector<16xi32>
      %shift_left3A_707 = arith.shli %add3A_704, %shift_left3A_706 : vector<16xi32>
      %add3A_708 = arith.addi %shift_left3A_707, %add3A_686 : vector<16xi32>
      %swap3A_709 = arith.index_cast %mul3A_688 : i32 to index
      %swap3A_710 = tpu.vector_load %arg16[%swap3A_709] {strides = array<i32>} : memref<8192xi32, #tpu.memory_space<vmem>>, vector<16xi32>,
      %swap3A_711 = vector.shape_cast %swap3A_710 : vector<16xi32> to vector<16xi32>
      %swap3A_712 = vector.shape_cast %add3A_708 : vector<16xi32> to vector<16xi32>
      tpu.vector_store %arg16[%swap3A_709], %swap3A_712 {strides = array<i32>} : memref<8192xi32, #tpu.memory_space<vmem>>, vector<16xi32>,
      %scan3A_713 = arith.constant 0 : i32
      scf.yield %scan3A_713 : i32
    }
    %scan3A_461 = arith.constant 128 : i32
    %dma_start3A_462 = arith.constant 0 : i32
    %dma_start3A_463 = tpu.memref_slice %arg18[%dma_start3A_462] : memref<8192xf32, #tpu.memory_space<vmem>> -> memref<2048xf32, #tpu.memory_space<vmem>>
    %dma_start3A_464 = arith.constant 0 : i32
    %dma_start3A_465 = tpu.memref_slice %arg14[%dma_start3A_464] : memref<8192xi32, #tpu.memory_space<vmem>> -> memref<2048xi32, #tpu.memory_space<vmem>>
    %dma_start3A_466 = arith.constant 0 : i32
    %dma_start3A_467 = tpu.memref_slice %arg2[%dma_start3A_466] : memref<100663296xf32, #tpu.memory_space<hbm>> -> memref<100663296xf32, #tpu.memory_space<hbm>>
    tpu.enqueue_indirect_dma source(%dma_start3A_467 : memref<100663296xf32, #tpu.memory_space<hbm>>) target(%dma_start3A_463 : memref<2048xf32, #tpu.memory_space<vmem>>) offsets(%dma_start3A_465 : memref<2048xi32, #tpu.memory_space<vmem>>) semaphore(%arg25 : memref<!tpu.dma_semaphore, #tpu.memory_space<semaphore_mem>>)
    %dma_start3A_468 = arith.constant 0 : i32
    %dma_start3A_469 = tpu.memref_slice %arg20[%dma_start3A_468] : memref<8192xf32, #tpu.memory_space<vmem>> -> memref<2048xf32, #tpu.memory_space<vmem>>
    %dma_start3A_470 = arith.constant 0 : i32
    %dma_start3A_471 = tpu.memref_slice %arg16[%dma_start3A_470] : memref<8192xi32, #tpu.memory_space<vmem>> -> memref<2048xi32, #tpu.memory_space<vmem>>
    %dma_start3A_472 = arith.constant 0 : i32
    %dma_start3A_473 = tpu.memref_slice %arg2[%dma_start3A_472] : memref<100663296xf32, #tpu.memory_space<hbm>> -> memref<100663296xf32, #tpu.memory_space<hbm>>
    tpu.enqueue_indirect_dma source(%dma_start3A_473 : memref<100663296xf32, #tpu.memory_space<hbm>>) target(%dma_start3A_469 : memref<2048xf32, #tpu.memory_space<vmem>>) offsets(%dma_start3A_471 : memref<2048xi32, #tpu.memory_space<vmem>>) semaphore(%arg25 : memref<!tpu.dma_semaphore, #tpu.memory_space<semaphore_mem>>)
    %scan3A_474 = arith.constant 0 : i32
    %scan3A_475 = arith.constant 128 : i32
    %scan3A_476 = arith.constant 128 : i32
    %scan3A_477 = arith.addi %scan3A_475, %scan3A_476 : i32
    %scan3A_478 = arith.constant 1 : i32
    %scan3A_479 = scf.for %scan3A_678 = %scan3A_475 to %scan3A_477 step %scan3A_478 iter_args(%scan3A_679 = %scan3A_474) -> (i32)  : i32 {
      %mul3A_680 = arith.constant 16 : i32
      %mul3A_681 = arith.muli %scan3A_678, %mul3A_680 : i32
      %add3A_682 = arith.addi %add3A_454, %mul3A_681 : i32
      %and3A_683 = arith.constant 262143 : i32
      %and3A_684 = arith.andi %add3A_682, %and3A_683 : i32
      %add3A_685 = vector.broadcast %and3A_684 : i32 to vector<16xi32>
      %add3A_686 = arith.addi %add3A_685, %iota3A : vector<16xi32>
      %mul3A_687 = arith.constant 16 : i32
      %mul3A_688 = arith.muli %scan3A_678, %mul3A_687 : i32
      %get3A = arith.index_cast %mul3A_688 : i32 to index
      %get3A_689 = tpu.vector_load %arg8[%get3A] {strides = array<i32>} : memref<8192xi32, #tpu.memory_space<vmem>>, vector<16xi32>,
      %get3A_690 = vector.shape_cast %get3A_689 : vector<16xi32> to vector<16xi32>
      %get3A_691 = arith.index_cast %mul3A_688 : i32 to index
      %get3A_692 = tpu.vector_load %arg10[%get3A_691] {strides = array<i32>} : memref<8192xi32, #tpu.memory_space<vmem>>, vector<16xi32>,
      %get3A_693 = vector.shape_cast %get3A_692 : vector<16xi32> to vector<16xi32>
      %add3A_694 = vector.broadcast %mul3A_20 : i32 to vector<16xi32>
      %add3A_695 = arith.addi %add3A_694, %get3A_690 : vector<16xi32>
      %shift_left3A = arith.constant 18 : i32
      %shift_left3A_696 = vector.broadcast %shift_left3A : i32 to vector<16xi32>
      %shift_left3A_697 = arith.shli %add3A_695, %shift_left3A_696 : vector<16xi32>
      %add3A_698 = arith.addi %shift_left3A_697, %add3A_686 : vector<16xi32>
      %swap3A_699 = arith.index_cast %mul3A_688 : i32 to index
      %swap3A_700 = tpu.vector_load %arg14[%swap3A_699] {strides = array<i32>} : memref<8192xi32, #tpu.memory_space<vmem>>, vector<16xi32>,
      %swap3A_701 = vector.shape_cast %swap3A_700 : vector<16xi32> to vector<16xi32>
      %swap3A_702 = vector.shape_cast %add3A_698 : vector<16xi32> to vector<16xi32>
      tpu.vector_store %arg14[%swap3A_699], %swap3A_702 {strides = array<i32>} : memref<8192xi32, #tpu.memory_space<vmem>>, vector<16xi32>,
      %add3A_703 = vector.broadcast %mul3A_20 : i32 to vector<16xi32>
      %add3A_704 = arith.addi %add3A_703, %get3A_693 : vector<16xi32>
      %shift_left3A_705 = arith.constant 18 : i32
      %shift_left3A_706 = vector.broadcast %shift_left3A_705 : i32 to vector<16xi32>
      %shift_left3A_707 = arith.shli %add3A_704, %shift_left3A_706 : vector<16xi32>
      %add3A_708 = arith.addi %shift_left3A_707, %add3A_686 : vector<16xi32>
      %swap3A_709 = arith.index_cast %mul3A_688 : i32 to index
      %swap3A_710 = tpu.vector_load %arg16[%swap3A_709] {strides = array<i32>} : memref<8192xi32, #tpu.memory_space<vmem>>, vector<16xi32>,
      %swap3A_711 = vector.shape_cast %swap3A_710 : vector<16xi32> to vector<16xi32>
      %swap3A_712 = vector.shape_cast %add3A_708 : vector<16xi32> to vector<16xi32>
      tpu.vector_store %arg16[%swap3A_709], %swap3A_712 {strides = array<i32>} : memref<8192xi32, #tpu.memory_space<vmem>>, vector<16xi32>,
      %scan3A_713 = arith.constant 0 : i32
      scf.yield %scan3A_713 : i32
    }
    %scan3A_480 = arith.constant 128 : i32
    %dma_start3A_481 = arith.constant 2048 : i32
    %dma_start3A_482 = tpu.memref_slice %arg18[%dma_start3A_481] : memref<8192xf32, #tpu.memory_space<vmem>> -> memref<2048xf32, #tpu.memory_space<vmem>>
    %dma_start3A_483 = arith.constant 2048 : i32
    %dma_start3A_484 = tpu.memref_slice %arg14[%dma_start3A_483] : memref<8192xi32, #tpu.memory_space<vmem>> -> memref<2048xi32, #tpu.memory_space<vmem>>
    %dma_start3A_485 = arith.constant 0 : i32
    %dma_start3A_486 = tpu.memref_slice %arg2[%dma_start3A_485] : memref<100663296xf32, #tpu.memory_space<hbm>> -> memref<100663296xf32, #tpu.memory_space<hbm>>
    tpu.enqueue_indirect_dma source(%dma_start3A_486 : memref<100663296xf32, #tpu.memory_space<hbm>>) target(%dma_start3A_482 : memref<2048xf32, #tpu.memory_space<vmem>>) offsets(%dma_start3A_484 : memref<2048xi32, #tpu.memory_space<vmem>>) semaphore(%arg25 : memref<!tpu.dma_semaphore, #tpu.memory_space<semaphore_mem>>)
    %dma_start3A_487 = arith.constant 2048 : i32
    %dma_start3A_488 = tpu.memref_slice %arg20[%dma_start3A_487] : memref<8192xf32, #tpu.memory_space<vmem>> -> memref<2048xf32, #tpu.memory_space<vmem>>
    %dma_start3A_489 = arith.constant 2048 : i32
    %dma_start3A_490 = tpu.memref_slice %arg16[%dma_start3A_489] : memref<8192xi32, #tpu.memory_space<vmem>> -> memref<2048xi32, #tpu.memory_space<vmem>>
    %dma_start3A_491 = arith.constant 0 : i32
    %dma_start3A_492 = tpu.memref_slice %arg2[%dma_start3A_491] : memref<100663296xf32, #tpu.memory_space<hbm>> -> memref<100663296xf32, #tpu.memory_space<hbm>>
    tpu.enqueue_indirect_dma source(%dma_start3A_492 : memref<100663296xf32, #tpu.memory_space<hbm>>) target(%dma_start3A_488 : memref<2048xf32, #tpu.memory_space<vmem>>) offsets(%dma_start3A_490 : memref<2048xi32, #tpu.memory_space<vmem>>) semaphore(%arg25 : memref<!tpu.dma_semaphore, #tpu.memory_space<semaphore_mem>>)
    %scan3A_493 = arith.constant 0 : i32
    %scan3A_494 = arith.constant 256 : i32
    %scan3A_495 = arith.constant 128 : i32
    %scan3A_496 = arith.addi %scan3A_494, %scan3A_495 : i32
    %scan3A_497 = arith.constant 1 : i32
    %scan3A_498 = scf.for %scan3A_678 = %scan3A_494 to %scan3A_496 step %scan3A_497 iter_args(%scan3A_679 = %scan3A_493) -> (i32)  : i32 {
      %mul3A_680 = arith.constant 16 : i32
      %mul3A_681 = arith.muli %scan3A_678, %mul3A_680 : i32
      %add3A_682 = arith.addi %add3A_454, %mul3A_681 : i32
      %and3A_683 = arith.constant 262143 : i32
      %and3A_684 = arith.andi %add3A_682, %and3A_683 : i32
      %add3A_685 = vector.broadcast %and3A_684 : i32 to vector<16xi32>
      %add3A_686 = arith.addi %add3A_685, %iota3A : vector<16xi32>
      %mul3A_687 = arith.constant 16 : i32
      %mul3A_688 = arith.muli %scan3A_678, %mul3A_687 : i32
      %get3A = arith.index_cast %mul3A_688 : i32 to index
      %get3A_689 = tpu.vector_load %arg8[%get3A] {strides = array<i32>} : memref<8192xi32, #tpu.memory_space<vmem>>, vector<16xi32>,
      %get3A_690 = vector.shape_cast %get3A_689 : vector<16xi32> to vector<16xi32>
      %get3A_691 = arith.index_cast %mul3A_688 : i32 to index
      %get3A_692 = tpu.vector_load %arg10[%get3A_691] {strides = array<i32>} : memref<8192xi32, #tpu.memory_space<vmem>>, vector<16xi32>,
      %get3A_693 = vector.shape_cast %get3A_692 : vector<16xi32> to vector<16xi32>
      %add3A_694 = vector.broadcast %mul3A_20 : i32 to vector<16xi32>
      %add3A_695 = arith.addi %add3A_694, %get3A_690 : vector<16xi32>
      %shift_left3A = arith.constant 18 : i32
      %shift_left3A_696 = vector.broadcast %shift_left3A : i32 to vector<16xi32>
      %shift_left3A_697 = arith.shli %add3A_695, %shift_left3A_696 : vector<16xi32>
      %add3A_698 = arith.addi %shift_left3A_697, %add3A_686 : vector<16xi32>
      %swap3A_699 = arith.index_cast %mul3A_688 : i32 to index
      %swap3A_700 = tpu.vector_load %arg14[%swap3A_699] {strides = array<i32>} : memref<8192xi32, #tpu.memory_space<vmem>>, vector<16xi32>,
      %swap3A_701 = vector.shape_cast %swap3A_700 : vector<16xi32> to vector<16xi32>
      %swap3A_702 = vector.shape_cast %add3A_698 : vector<16xi32> to vector<16xi32>
      tpu.vector_store %arg14[%swap3A_699], %swap3A_702 {strides = array<i32>} : memref<8192xi32, #tpu.memory_space<vmem>>, vector<16xi32>,
      %add3A_703 = vector.broadcast %mul3A_20 : i32 to vector<16xi32>
      %add3A_704 = arith.addi %add3A_703, %get3A_693 : vector<16xi32>
      %shift_left3A_705 = arith.constant 18 : i32
      %shift_left3A_706 = vector.broadcast %shift_left3A_705 : i32 to vector<16xi32>
      %shift_left3A_707 = arith.shli %add3A_704, %shift_left3A_706 : vector<16xi32>
      %add3A_708 = arith.addi %shift_left3A_707, %add3A_686 : vector<16xi32>
      %swap3A_709 = arith.index_cast %mul3A_688 : i32 to index
      %swap3A_710 = tpu.vector_load %arg16[%swap3A_709] {strides = array<i32>} : memref<8192xi32, #tpu.memory_space<vmem>>, vector<16xi32>,
      %swap3A_711 = vector.shape_cast %swap3A_710 : vector<16xi32> to vector<16xi32>
      %swap3A_712 = vector.shape_cast %add3A_708 : vector<16xi32> to vector<16xi32>
      tpu.vector_store %arg16[%swap3A_709], %swap3A_712 {strides = array<i32>} : memref<8192xi32, #tpu.memory_space<vmem>>, vector<16xi32>,
      %scan3A_713 = arith.constant 0 : i32
      scf.yield %scan3A_713 : i32
    }
    %scan3A_499 = arith.constant 128 : i32
    %dma_start3A_500 = arith.constant 4096 : i32
    %dma_start3A_501 = tpu.memref_slice %arg18[%dma_start3A_500] : memref<8192xf32, #tpu.memory_space<vmem>> -> memref<2048xf32, #tpu.memory_space<vmem>>
    %dma_start3A_502 = arith.constant 4096 : i32
    %dma_start3A_503 = tpu.memref_slice %arg14[%dma_start3A_502] : memref<8192xi32, #tpu.memory_space<vmem>> -> memref<2048xi32, #tpu.memory_space<vmem>>
    %dma_start3A_504 = arith.constant 0 : i32
    %dma_start3A_505 = tpu.memref_slice %arg2[%dma_start3A_504] : memref<100663296xf32, #tpu.memory_space<hbm>> -> memref<100663296xf32, #tpu.memory_space<hbm>>
    tpu.enqueue_indirect_dma source(%dma_start3A_505 : memref<100663296xf32, #tpu.memory_space<hbm>>) target(%dma_start3A_501 : memref<2048xf32, #tpu.memory_space<vmem>>) offsets(%dma_start3A_503 : memref<2048xi32, #tpu.memory_space<vmem>>) semaphore(%arg25 : memref<!tpu.dma_semaphore, #tpu.memory_space<semaphore_mem>>)
    %dma_start3A_506 = arith.constant 4096 : i32
    %dma_start3A_507 = tpu.memref_slice %arg20[%dma_start3A_506] : memref<8192xf32, #tpu.memory_space<vmem>> -> memref<2048xf32, #tpu.memory_space<vmem>>
    %dma_start3A_508 = arith.constant 4096 : i32
    %dma_start3A_509 = tpu.memref_slice %arg16[%dma_start3A_508] : memref<8192xi32, #tpu.memory_space<vmem>> -> memref<2048xi32, #tpu.memory_space<vmem>>
    %dma_start3A_510 = arith.constant 0 : i32
    %dma_start3A_511 = tpu.memref_slice %arg2[%dma_start3A_510] : memref<100663296xf32, #tpu.memory_space<hbm>> -> memref<100663296xf32, #tpu.memory_space<hbm>>
    tpu.enqueue_indirect_dma source(%dma_start3A_511 : memref<100663296xf32, #tpu.memory_space<hbm>>) target(%dma_start3A_507 : memref<2048xf32, #tpu.memory_space<vmem>>) offsets(%dma_start3A_509 : memref<2048xi32, #tpu.memory_space<vmem>>) semaphore(%arg25 : memref<!tpu.dma_semaphore, #tpu.memory_space<semaphore_mem>>)
    %scan3A_512 = arith.constant 0 : i32
    %scan3A_513 = arith.constant 384 : i32
    %scan3A_514 = arith.constant 128 : i32
    %scan3A_515 = arith.addi %scan3A_513, %scan3A_514 : i32
    %scan3A_516 = arith.constant 1 : i32
    %scan3A_517 = scf.for %scan3A_678 = %scan3A_513 to %scan3A_515 step %scan3A_516 iter_args(%scan3A_679 = %scan3A_512) -> (i32)  : i32 {
      %mul3A_680 = arith.constant 16 : i32
      %mul3A_681 = arith.muli %scan3A_678, %mul3A_680 : i32
      %add3A_682 = arith.addi %add3A_454, %mul3A_681 : i32
      %and3A_683 = arith.constant 262143 : i32
      %and3A_684 = arith.andi %add3A_682, %and3A_683 : i32
      %add3A_685 = vector.broadcast %and3A_684 : i32 to vector<16xi32>
      %add3A_686 = arith.addi %add3A_685, %iota3A : vector<16xi32>
      %mul3A_687 = arith.constant 16 : i32
      %mul3A_688 = arith.muli %scan3A_678, %mul3A_687 : i32
      %get3A = arith.index_cast %mul3A_688 : i32 to index
      %get3A_689 = tpu.vector_load %arg8[%get3A] {strides = array<i32>} : memref<8192xi32, #tpu.memory_space<vmem>>, vector<16xi32>,
      %get3A_690 = vector.shape_cast %get3A_689 : vector<16xi32> to vector<16xi32>
      %get3A_691 = arith.index_cast %mul3A_688 : i32 to index
      %get3A_692 = tpu.vector_load %arg10[%get3A_691] {strides = array<i32>} : memref<8192xi32, #tpu.memory_space<vmem>>, vector<16xi32>,
      %get3A_693 = vector.shape_cast %get3A_692 : vector<16xi32> to vector<16xi32>
      %add3A_694 = vector.broadcast %mul3A_20 : i32 to vector<16xi32>
      %add3A_695 = arith.addi %add3A_694, %get3A_690 : vector<16xi32>
      %shift_left3A = arith.constant 18 : i32
      %shift_left3A_696 = vector.broadcast %shift_left3A : i32 to vector<16xi32>
      %shift_left3A_697 = arith.shli %add3A_695, %shift_left3A_696 : vector<16xi32>
      %add3A_698 = arith.addi %shift_left3A_697, %add3A_686 : vector<16xi32>
      %swap3A_699 = arith.index_cast %mul3A_688 : i32 to index
      %swap3A_700 = tpu.vector_load %arg14[%swap3A_699] {strides = array<i32>} : memref<8192xi32, #tpu.memory_space<vmem>>, vector<16xi32>,
      %swap3A_701 = vector.shape_cast %swap3A_700 : vector<16xi32> to vector<16xi32>
      %swap3A_702 = vector.shape_cast %add3A_698 : vector<16xi32> to vector<16xi32>
      tpu.vector_store %arg14[%swap3A_699], %swap3A_702 {strides = array<i32>} : memref<8192xi32, #tpu.memory_space<vmem>>, vector<16xi32>,
      %add3A_703 = vector.broadcast %mul3A_20 : i32 to vector<16xi32>
      %add3A_704 = arith.addi %add3A_703, %get3A_693 : vector<16xi32>
      %shift_left3A_705 = arith.constant 18 : i32
      %shift_left3A_706 = vector.broadcast %shift_left3A_705 : i32 to vector<16xi32>
      %shift_left3A_707 = arith.shli %add3A_704, %shift_left3A_706 : vector<16xi32>
      %add3A_708 = arith.addi %shift_left3A_707, %add3A_686 : vector<16xi32>
      %swap3A_709 = arith.index_cast %mul3A_688 : i32 to index
      %swap3A_710 = tpu.vector_load %arg16[%swap3A_709] {strides = array<i32>} : memref<8192xi32, #tpu.memory_space<vmem>>, vector<16xi32>,
      %swap3A_711 = vector.shape_cast %swap3A_710 : vector<16xi32> to vector<16xi32>
      %swap3A_712 = vector.shape_cast %add3A_708 : vector<16xi32> to vector<16xi32>
      tpu.vector_store %arg16[%swap3A_709], %swap3A_712 {strides = array<i32>} : memref<8192xi32, #tpu.memory_space<vmem>>, vector<16xi32>,
      %scan3A_713 = arith.constant 0 : i32
      scf.yield %scan3A_713 : i32
    }
    %scan3A_518 = arith.constant 128 : i32
    %dma_start3A_519 = arith.constant 6144 : i32
    %dma_start3A_520 = tpu.memref_slice %arg18[%dma_start3A_519] : memref<8192xf32, #tpu.memory_space<vmem>> -> memref<2048xf32, #tpu.memory_space<vmem>>
    %dma_start3A_521 = arith.constant 6144 : i32
    %dma_start3A_522 = tpu.memref_slice %arg14[%dma_start3A_521] : memref<8192xi32, #tpu.memory_space<vmem>> -> memref<2048xi32, #tpu.memory_space<vmem>>
    %dma_start3A_523 = arith.constant 0 : i32
    %dma_start3A_524 = tpu.memref_slice %arg2[%dma_start3A_523] : memref<100663296xf32, #tpu.memory_space<hbm>> -> memref<100663296xf32, #tpu.memory_space<hbm>>
    tpu.enqueue_indirect_dma source(%dma_start3A_524 : memref<100663296xf32, #tpu.memory_space<hbm>>) target(%dma_start3A_520 : memref<2048xf32, #tpu.memory_space<vmem>>) offsets(%dma_start3A_522 : memref<2048xi32, #tpu.memory_space<vmem>>) semaphore(%arg25 : memref<!tpu.dma_semaphore, #tpu.memory_space<semaphore_mem>>)
    %dma_start3A_525 = arith.constant 6144 : i32
    %dma_start3A_526 = tpu.memref_slice %arg20[%dma_start3A_525] : memref<8192xf32, #tpu.memory_space<vmem>> -> memref<2048xf32, #tpu.memory_space<vmem>>
    %dma_start3A_527 = arith.constant 6144 : i32
    %dma_start3A_528 = tpu.memref_slice %arg16[%dma_start3A_527] : memref<8192xi32, #tpu.memory_space<vmem>> -> memref<2048xi32, #tpu.memory_space<vmem>>
    %dma_start3A_529 = arith.constant 0 : i32
    %dma_start3A_530 = tpu.memref_slice %arg2[%dma_start3A_529] : memref<100663296xf32, #tpu.memory_space<hbm>> -> memref<100663296xf32, #tpu.memory_space<hbm>>
    tpu.enqueue_indirect_dma source(%dma_start3A_530 : memref<100663296xf32, #tpu.memory_space<hbm>>) target(%dma_start3A_526 : memref<2048xf32, #tpu.memory_space<vmem>>) offsets(%dma_start3A_528 : memref<2048xi32, #tpu.memory_space<vmem>>) semaphore(%arg25 : memref<!tpu.dma_semaphore, #tpu.memory_space<semaphore_mem>>)
    %dma_wait3A_531 = arith.constant 0 : i32
    %dma_wait3A_532 = tpu.memref_slice %arg17[%dma_wait3A_531] : memref<8192xf32, #tpu.memory_space<vmem>> -> memref<2048xf32, #tpu.memory_space<vmem>>
    %dma_wait3A_533 = arith.constant 0 : i32
    %dma_wait3A_534 = tpu.memref_slice %arg13[%dma_wait3A_533] : memref<8192xi32, #tpu.memory_space<vmem>> -> memref<2048xi32, #tpu.memory_space<vmem>>
    %dma_wait3A_535 = arith.constant 0 : i32
    %dma_wait3A_536 = tpu.memref_slice %arg2[%dma_wait3A_535] : memref<100663296xf32, #tpu.memory_space<hbm>> -> memref<100663296xf32, #tpu.memory_space<hbm>>
    tpu.wait_indirect_dma semaphore(%arg24 : memref<!tpu.dma_semaphore, #tpu.memory_space<semaphore_mem>>) src(%dma_wait3A_536 : memref<100663296xf32, #tpu.memory_space<hbm>>) dst(%dma_wait3A_532 : memref<2048xf32, #tpu.memory_space<vmem>>)
    %dma_wait3A_537 = arith.constant 0 : i32
    %dma_wait3A_538 = tpu.memref_slice %arg19[%dma_wait3A_537] : memref<8192xf32, #tpu.memory_space<vmem>> -> memref<2048xf32, #tpu.memory_space<vmem>>
    %dma_wait3A_539 = arith.constant 0 : i32
    %dma_wait3A_540 = tpu.memref_slice %arg15[%dma_wait3A_539] : memref<8192xi32, #tpu.memory_space<vmem>> -> memref<2048xi32, #tpu.memory_space<vmem>>
    %dma_wait3A_541 = arith.constant 0 : i32
    %dma_wait3A_542 = tpu.memref_slice %arg2[%dma_wait3A_541] : memref<100663296xf32, #tpu.memory_space<hbm>> -> memref<100663296xf32, #tpu.memory_space<hbm>>
    tpu.wait_indirect_dma semaphore(%arg24 : memref<!tpu.dma_semaphore, #tpu.memory_space<semaphore_mem>>) src(%dma_wait3A_542 : memref<100663296xf32, #tpu.memory_space<hbm>>) dst(%dma_wait3A_538 : memref<2048xf32, #tpu.memory_space<vmem>>)
    %scan3A_543 = arith.constant 0 : i32
    %scan3A_544 = arith.constant 128 : i32
    %scan3A_545 = arith.addi %scan3A_543, %scan3A_544 : i32
    %scan3A_546 = arith.constant 1 : i32
    %scan3A_547 = scf.for %scan3A_678 = %scan3A_543 to %scan3A_545 step %scan3A_546 iter_args(%scan3A_679 = %scan3A_437) -> (vector<16xf32>)  : i32 {
      %mul3A_680 = arith.constant 16 : i32
      %mul3A_681 = arith.muli %scan3A_678, %mul3A_680 : i32
      %get3A = arith.index_cast %mul3A_681 : i32 to index
      %get3A_682 = tpu.vector_load %arg17[%get3A] {strides = array<i32>} : memref<8192xf32, #tpu.memory_space<vmem>>, vector<16xf32>,
      %get3A_683 = vector.shape_cast %get3A_682 : vector<16xf32> to vector<16xf32>
      %get3A_684 = arith.index_cast %mul3A_681 : i32 to index
      %get3A_685 = tpu.vector_load %arg19[%get3A_684] {strides = array<i32>} : memref<8192xf32, #tpu.memory_space<vmem>>, vector<16xf32>,
      %get3A_686 = vector.shape_cast %get3A_685 : vector<16xf32> to vector<16xf32>
      %sub3A_687 = arith.subf %get3A_683, %get3A_686 : vector<16xf32>
      %get3A_688 = arith.index_cast %mul3A_681 : i32 to index
      %get3A_689 = tpu.vector_load %arg11[%get3A_688] {strides = array<i32>} : memref<8192xf32, #tpu.memory_space<vmem>>, vector<16xf32>,
      %get3A_690 = vector.shape_cast %get3A_689 : vector<16xf32> to vector<16xf32>
      %mul3A_691 = arith.mulf %sub3A_687, %get3A_690 : vector<16xf32>
      %add3A_692 = arith.addf %scan3A_679, %mul3A_691 : vector<16xf32>
      scf.yield %add3A_692 : vector<16xf32>
    }
    %scan3A_548 = arith.constant 128 : i32
    %dma_wait3A_549 = arith.constant 2048 : i32
    %dma_wait3A_550 = tpu.memref_slice %arg17[%dma_wait3A_549] : memref<8192xf32, #tpu.memory_space<vmem>> -> memref<2048xf32, #tpu.memory_space<vmem>>
    %dma_wait3A_551 = arith.constant 2048 : i32
    %dma_wait3A_552 = tpu.memref_slice %arg13[%dma_wait3A_551] : memref<8192xi32, #tpu.memory_space<vmem>> -> memref<2048xi32, #tpu.memory_space<vmem>>
    %dma_wait3A_553 = arith.constant 0 : i32
    %dma_wait3A_554 = tpu.memref_slice %arg2[%dma_wait3A_553] : memref<100663296xf32, #tpu.memory_space<hbm>> -> memref<100663296xf32, #tpu.memory_space<hbm>>
    tpu.wait_indirect_dma semaphore(%arg24 : memref<!tpu.dma_semaphore, #tpu.memory_space<semaphore_mem>>) src(%dma_wait3A_554 : memref<100663296xf32, #tpu.memory_space<hbm>>) dst(%dma_wait3A_550 : memref<2048xf32, #tpu.memory_space<vmem>>)
    %dma_wait3A_555 = arith.constant 2048 : i32
    %dma_wait3A_556 = tpu.memref_slice %arg19[%dma_wait3A_555] : memref<8192xf32, #tpu.memory_space<vmem>> -> memref<2048xf32, #tpu.memory_space<vmem>>
    %dma_wait3A_557 = arith.constant 2048 : i32
    %dma_wait3A_558 = tpu.memref_slice %arg15[%dma_wait3A_557] : memref<8192xi32, #tpu.memory_space<vmem>> -> memref<2048xi32, #tpu.memory_space<vmem>>
    %dma_wait3A_559 = arith.constant 0 : i32
    %dma_wait3A_560 = tpu.memref_slice %arg2[%dma_wait3A_559] : memref<100663296xf32, #tpu.memory_space<hbm>> -> memref<100663296xf32, #tpu.memory_space<hbm>>
    tpu.wait_indirect_dma semaphore(%arg24 : memref<!tpu.dma_semaphore, #tpu.memory_space<semaphore_mem>>) src(%dma_wait3A_560 : memref<100663296xf32, #tpu.memory_space<hbm>>) dst(%dma_wait3A_556 : memref<2048xf32, #tpu.memory_space<vmem>>)
    %scan3A_561 = arith.constant 128 : i32
    %scan3A_562 = arith.constant 128 : i32
    %scan3A_563 = arith.addi %scan3A_561, %scan3A_562 : i32
    %scan3A_564 = arith.constant 1 : i32
    %scan3A_565 = scf.for %scan3A_678 = %scan3A_561 to %scan3A_563 step %scan3A_564 iter_args(%scan3A_679 = %scan3A_547) -> (vector<16xf32>)  : i32 {
      %mul3A_680 = arith.constant 16 : i32
      %mul3A_681 = arith.muli %scan3A_678, %mul3A_680 : i32
      %get3A = arith.index_cast %mul3A_681 : i32 to index
      %get3A_682 = tpu.vector_load %arg17[%get3A] {strides = array<i32>} : memref<8192xf32, #tpu.memory_space<vmem>>, vector<16xf32>,
      %get3A_683 = vector.shape_cast %get3A_682 : vector<16xf32> to vector<16xf32>
      %get3A_684 = arith.index_cast %mul3A_681 : i32 to index
      %get3A_685 = tpu.vector_load %arg19[%get3A_684] {strides = array<i32>} : memref<8192xf32, #tpu.memory_space<vmem>>, vector<16xf32>,
      %get3A_686 = vector.shape_cast %get3A_685 : vector<16xf32> to vector<16xf32>
      %sub3A_687 = arith.subf %get3A_683, %get3A_686 : vector<16xf32>
      %get3A_688 = arith.index_cast %mul3A_681 : i32 to index
      %get3A_689 = tpu.vector_load %arg11[%get3A_688] {strides = array<i32>} : memref<8192xf32, #tpu.memory_space<vmem>>, vector<16xf32>,
      %get3A_690 = vector.shape_cast %get3A_689 : vector<16xf32> to vector<16xf32>
      %mul3A_691 = arith.mulf %sub3A_687, %get3A_690 : vector<16xf32>
      %add3A_692 = arith.addf %scan3A_679, %mul3A_691 : vector<16xf32>
      scf.yield %add3A_692 : vector<16xf32>
    }
    %scan3A_566 = arith.constant 128 : i32
    %dma_wait3A_567 = arith.constant 4096 : i32
    %dma_wait3A_568 = tpu.memref_slice %arg17[%dma_wait3A_567] : memref<8192xf32, #tpu.memory_space<vmem>> -> memref<2048xf32, #tpu.memory_space<vmem>>
    %dma_wait3A_569 = arith.constant 4096 : i32
    %dma_wait3A_570 = tpu.memref_slice %arg13[%dma_wait3A_569] : memref<8192xi32, #tpu.memory_space<vmem>> -> memref<2048xi32, #tpu.memory_space<vmem>>
    %dma_wait3A_571 = arith.constant 0 : i32
    %dma_wait3A_572 = tpu.memref_slice %arg2[%dma_wait3A_571] : memref<100663296xf32, #tpu.memory_space<hbm>> -> memref<100663296xf32, #tpu.memory_space<hbm>>
    tpu.wait_indirect_dma semaphore(%arg24 : memref<!tpu.dma_semaphore, #tpu.memory_space<semaphore_mem>>) src(%dma_wait3A_572 : memref<100663296xf32, #tpu.memory_space<hbm>>) dst(%dma_wait3A_568 : memref<2048xf32, #tpu.memory_space<vmem>>)
    %dma_wait3A_573 = arith.constant 4096 : i32
    %dma_wait3A_574 = tpu.memref_slice %arg19[%dma_wait3A_573] : memref<8192xf32, #tpu.memory_space<vmem>> -> memref<2048xf32, #tpu.memory_space<vmem>>
    %dma_wait3A_575 = arith.constant 4096 : i32
    %dma_wait3A_576 = tpu.memref_slice %arg15[%dma_wait3A_575] : memref<8192xi32, #tpu.memory_space<vmem>> -> memref<2048xi32, #tpu.memory_space<vmem>>
    %dma_wait3A_577 = arith.constant 0 : i32
    %dma_wait3A_578 = tpu.memref_slice %arg2[%dma_wait3A_577] : memref<100663296xf32, #tpu.memory_space<hbm>> -> memref<100663296xf32, #tpu.memory_space<hbm>>
    tpu.wait_indirect_dma semaphore(%arg24 : memref<!tpu.dma_semaphore, #tpu.memory_space<semaphore_mem>>) src(%dma_wait3A_578 : memref<100663296xf32, #tpu.memory_space<hbm>>) dst(%dma_wait3A_574 : memref<2048xf32, #tpu.memory_space<vmem>>)
    %scan3A_579 = arith.constant 256 : i32
    %scan3A_580 = arith.constant 128 : i32
    %scan3A_581 = arith.addi %scan3A_579, %scan3A_580 : i32
    %scan3A_582 = arith.constant 1 : i32
    %scan3A_583 = scf.for %scan3A_678 = %scan3A_579 to %scan3A_581 step %scan3A_582 iter_args(%scan3A_679 = %scan3A_565) -> (vector<16xf32>)  : i32 {
      %mul3A_680 = arith.constant 16 : i32
      %mul3A_681 = arith.muli %scan3A_678, %mul3A_680 : i32
      %get3A = arith.index_cast %mul3A_681 : i32 to index
      %get3A_682 = tpu.vector_load %arg17[%get3A] {strides = array<i32>} : memref<8192xf32, #tpu.memory_space<vmem>>, vector<16xf32>,
      %get3A_683 = vector.shape_cast %get3A_682 : vector<16xf32> to vector<16xf32>
      %get3A_684 = arith.index_cast %mul3A_681 : i32 to index
      %get3A_685 = tpu.vector_load %arg19[%get3A_684] {strides = array<i32>} : memref<8192xf32, #tpu.memory_space<vmem>>, vector<16xf32>,
      %get3A_686 = vector.shape_cast %get3A_685 : vector<16xf32> to vector<16xf32>
      %sub3A_687 = arith.subf %get3A_683, %get3A_686 : vector<16xf32>
      %get3A_688 = arith.index_cast %mul3A_681 : i32 to index
      %get3A_689 = tpu.vector_load %arg11[%get3A_688] {strides = array<i32>} : memref<8192xf32, #tpu.memory_space<vmem>>, vector<16xf32>,
      %get3A_690 = vector.shape_cast %get3A_689 : vector<16xf32> to vector<16xf32>
      %mul3A_691 = arith.mulf %sub3A_687, %get3A_690 : vector<16xf32>
      %add3A_692 = arith.addf %scan3A_679, %mul3A_691 : vector<16xf32>
      scf.yield %add3A_692 : vector<16xf32>
    }
    %scan3A_584 = arith.constant 128 : i32
    %dma_wait3A_585 = arith.constant 6144 : i32
    %dma_wait3A_586 = tpu.memref_slice %arg17[%dma_wait3A_585] : memref<8192xf32, #tpu.memory_space<vmem>> -> memref<2048xf32, #tpu.memory_space<vmem>>
    %dma_wait3A_587 = arith.constant 6144 : i32
    %dma_wait3A_588 = tpu.memref_slice %arg13[%dma_wait3A_587] : memref<8192xi32, #tpu.memory_space<vmem>> -> memref<2048xi32, #tpu.memory_space<vmem>>
    %dma_wait3A_589 = arith.constant 0 : i32
    %dma_wait3A_590 = tpu.memref_slice %arg2[%dma_wait3A_589] : memref<100663296xf32, #tpu.memory_space<hbm>> -> memref<100663296xf32, #tpu.memory_space<hbm>>
    tpu.wait_indirect_dma semaphore(%arg24 : memref<!tpu.dma_semaphore, #tpu.memory_space<semaphore_mem>>) src(%dma_wait3A_590 : memref<100663296xf32, #tpu.memory_space<hbm>>) dst(%dma_wait3A_586 : memref<2048xf32, #tpu.memory_space<vmem>>)
    %dma_wait3A_591 = arith.constant 6144 : i32
    %dma_wait3A_592 = tpu.memref_slice %arg19[%dma_wait3A_591] : memref<8192xf32, #tpu.memory_space<vmem>> -> memref<2048xf32, #tpu.memory_space<vmem>>
    %dma_wait3A_593 = arith.constant 6144 : i32
    %dma_wait3A_594 = tpu.memref_slice %arg15[%dma_wait3A_593] : memref<8192xi32, #tpu.memory_space<vmem>> -> memref<2048xi32, #tpu.memory_space<vmem>>
    %dma_wait3A_595 = arith.constant 0 : i32
    %dma_wait3A_596 = tpu.memref_slice %arg2[%dma_wait3A_595] : memref<100663296xf32, #tpu.memory_space<hbm>> -> memref<100663296xf32, #tpu.memory_space<hbm>>
    tpu.wait_indirect_dma semaphore(%arg24 : memref<!tpu.dma_semaphore, #tpu.memory_space<semaphore_mem>>) src(%dma_wait3A_596 : memref<100663296xf32, #tpu.memory_space<hbm>>) dst(%dma_wait3A_592 : memref<2048xf32, #tpu.memory_space<vmem>>)
    %scan3A_597 = arith.constant 384 : i32
    %scan3A_598 = arith.constant 128 : i32
    %scan3A_599 = arith.addi %scan3A_597, %scan3A_598 : i32
    %scan3A_600 = arith.constant 1 : i32
    %scan3A_601 = scf.for %scan3A_678 = %scan3A_597 to %scan3A_599 step %scan3A_600 iter_args(%scan3A_679 = %scan3A_583) -> (vector<16xf32>)  : i32 {
      %mul3A_680 = arith.constant 16 : i32
      %mul3A_681 = arith.muli %scan3A_678, %mul3A_680 : i32
      %get3A = arith.index_cast %mul3A_681 : i32 to index
      %get3A_682 = tpu.vector_load %arg17[%get3A] {strides = array<i32>} : memref<8192xf32, #tpu.memory_space<vmem>>, vector<16xf32>,
      %get3A_683 = vector.shape_cast %get3A_682 : vector<16xf32> to vector<16xf32>
      %get3A_684 = arith.index_cast %mul3A_681 : i32 to index
      %get3A_685 = tpu.vector_load %arg19[%get3A_684] {strides = array<i32>} : memref<8192xf32, #tpu.memory_space<vmem>>, vector<16xf32>,
      %get3A_686 = vector.shape_cast %get3A_685 : vector<16xf32> to vector<16xf32>
      %sub3A_687 = arith.subf %get3A_683, %get3A_686 : vector<16xf32>
      %get3A_688 = arith.index_cast %mul3A_681 : i32 to index
      %get3A_689 = tpu.vector_load %arg11[%get3A_688] {strides = array<i32>} : memref<8192xf32, #tpu.memory_space<vmem>>, vector<16xf32>,
      %get3A_690 = vector.shape_cast %get3A_689 : vector<16xf32> to vector<16xf32>
      %mul3A_691 = arith.mulf %sub3A_687, %get3A_690 : vector<16xf32>
      %add3A_692 = arith.addf %scan3A_679, %mul3A_691 : vector<16xf32>
      scf.yield %add3A_692 : vector<16xf32>
    }
    %scan3A_602 = arith.constant 128 : i32
    %dma_wait3A_603 = arith.constant 0 : i32
    %dma_wait3A_604 = tpu.memref_slice %arg18[%dma_wait3A_603] : memref<8192xf32, #tpu.memory_space<vmem>> -> memref<2048xf32, #tpu.memory_space<vmem>>
    %dma_wait3A_605 = arith.constant 0 : i32
    %dma_wait3A_606 = tpu.memref_slice %arg14[%dma_wait3A_605] : memref<8192xi32, #tpu.memory_space<vmem>> -> memref<2048xi32, #tpu.memory_space<vmem>>
    %dma_wait3A_607 = arith.constant 0 : i32
    %dma_wait3A_608 = tpu.memref_slice %arg2[%dma_wait3A_607] : memref<100663296xf32, #tpu.memory_space<hbm>> -> memref<100663296xf32, #tpu.memory_space<hbm>>
    tpu.wait_indirect_dma semaphore(%arg25 : memref<!tpu.dma_semaphore, #tpu.memory_space<semaphore_mem>>) src(%dma_wait3A_608 : memref<100663296xf32, #tpu.memory_space<hbm>>) dst(%dma_wait3A_604 : memref<2048xf32, #tpu.memory_space<vmem>>)
    %dma_wait3A_609 = arith.constant 0 : i32
    %dma_wait3A_610 = tpu.memref_slice %arg20[%dma_wait3A_609] : memref<8192xf32, #tpu.memory_space<vmem>> -> memref<2048xf32, #tpu.memory_space<vmem>>
    %dma_wait3A_611 = arith.constant 0 : i32
    %dma_wait3A_612 = tpu.memref_slice %arg16[%dma_wait3A_611] : memref<8192xi32, #tpu.memory_space<vmem>> -> memref<2048xi32, #tpu.memory_space<vmem>>
    %dma_wait3A_613 = arith.constant 0 : i32
    %dma_wait3A_614 = tpu.memref_slice %arg2[%dma_wait3A_613] : memref<100663296xf32, #tpu.memory_space<hbm>> -> memref<100663296xf32, #tpu.memory_space<hbm>>
    tpu.wait_indirect_dma semaphore(%arg25 : memref<!tpu.dma_semaphore, #tpu.memory_space<semaphore_mem>>) src(%dma_wait3A_614 : memref<100663296xf32, #tpu.memory_space<hbm>>) dst(%dma_wait3A_610 : memref<2048xf32, #tpu.memory_space<vmem>>)
    %scan3A_615 = arith.constant 0 : i32
    %scan3A_616 = arith.constant 128 : i32
    %scan3A_617 = arith.addi %scan3A_615, %scan3A_616 : i32
    %scan3A_618 = arith.constant 1 : i32
    %scan3A_619 = scf.for %scan3A_678 = %scan3A_615 to %scan3A_617 step %scan3A_618 iter_args(%scan3A_679 = %scan3A_601) -> (vector<16xf32>)  : i32 {
      %mul3A_680 = arith.constant 16 : i32
      %mul3A_681 = arith.muli %scan3A_678, %mul3A_680 : i32
      %get3A = arith.index_cast %mul3A_681 : i32 to index
      %get3A_682 = tpu.vector_load %arg18[%get3A] {strides = array<i32>} : memref<8192xf32, #tpu.memory_space<vmem>>, vector<16xf32>,
      %get3A_683 = vector.shape_cast %get3A_682 : vector<16xf32> to vector<16xf32>
      %get3A_684 = arith.index_cast %mul3A_681 : i32 to index
      %get3A_685 = tpu.vector_load %arg20[%get3A_684] {strides = array<i32>} : memref<8192xf32, #tpu.memory_space<vmem>>, vector<16xf32>,
      %get3A_686 = vector.shape_cast %get3A_685 : vector<16xf32> to vector<16xf32>
      %sub3A_687 = arith.subf %get3A_683, %get3A_686 : vector<16xf32>
      %get3A_688 = arith.index_cast %mul3A_681 : i32 to index
      %get3A_689 = tpu.vector_load %arg12[%get3A_688] {strides = array<i32>} : memref<8192xf32, #tpu.memory_space<vmem>>, vector<16xf32>,
      %get3A_690 = vector.shape_cast %get3A_689 : vector<16xf32> to vector<16xf32>
      %mul3A_691 = arith.mulf %sub3A_687, %get3A_690 : vector<16xf32>
      %add3A_692 = arith.addf %scan3A_679, %mul3A_691 : vector<16xf32>
      scf.yield %add3A_692 : vector<16xf32>
    }
    %scan3A_620 = arith.constant 128 : i32
    %dma_wait3A_621 = arith.constant 2048 : i32
    %dma_wait3A_622 = tpu.memref_slice %arg18[%dma_wait3A_621] : memref<8192xf32, #tpu.memory_space<vmem>> -> memref<2048xf32, #tpu.memory_space<vmem>>
    %dma_wait3A_623 = arith.constant 2048 : i32
    %dma_wait3A_624 = tpu.memref_slice %arg14[%dma_wait3A_623] : memref<8192xi32, #tpu.memory_space<vmem>> -> memref<2048xi32, #tpu.memory_space<vmem>>
    %dma_wait3A_625 = arith.constant 0 : i32
    %dma_wait3A_626 = tpu.memref_slice %arg2[%dma_wait3A_625] : memref<100663296xf32, #tpu.memory_space<hbm>> -> memref<100663296xf32, #tpu.memory_space<hbm>>
    tpu.wait_indirect_dma semaphore(%arg25 : memref<!tpu.dma_semaphore, #tpu.memory_space<semaphore_mem>>) src(%dma_wait3A_626 : memref<100663296xf32, #tpu.memory_space<hbm>>) dst(%dma_wait3A_622 : memref<2048xf32, #tpu.memory_space<vmem>>)
    %dma_wait3A_627 = arith.constant 2048 : i32
    %dma_wait3A_628 = tpu.memref_slice %arg20[%dma_wait3A_627] : memref<8192xf32, #tpu.memory_space<vmem>> -> memref<2048xf32, #tpu.memory_space<vmem>>
    %dma_wait3A_629 = arith.constant 2048 : i32
    %dma_wait3A_630 = tpu.memref_slice %arg16[%dma_wait3A_629] : memref<8192xi32, #tpu.memory_space<vmem>> -> memref<2048xi32, #tpu.memory_space<vmem>>
    %dma_wait3A_631 = arith.constant 0 : i32
    %dma_wait3A_632 = tpu.memref_slice %arg2[%dma_wait3A_631] : memref<100663296xf32, #tpu.memory_space<hbm>> -> memref<100663296xf32, #tpu.memory_space<hbm>>
    tpu.wait_indirect_dma semaphore(%arg25 : memref<!tpu.dma_semaphore, #tpu.memory_space<semaphore_mem>>) src(%dma_wait3A_632 : memref<100663296xf32, #tpu.memory_space<hbm>>) dst(%dma_wait3A_628 : memref<2048xf32, #tpu.memory_space<vmem>>)
    %scan3A_633 = arith.constant 128 : i32
    %scan3A_634 = arith.constant 128 : i32
    %scan3A_635 = arith.addi %scan3A_633, %scan3A_634 : i32
    %scan3A_636 = arith.constant 1 : i32
    %scan3A_637 = scf.for %scan3A_678 = %scan3A_633 to %scan3A_635 step %scan3A_636 iter_args(%scan3A_679 = %scan3A_619) -> (vector<16xf32>)  : i32 {
      %mul3A_680 = arith.constant 16 : i32
      %mul3A_681 = arith.muli %scan3A_678, %mul3A_680 : i32
      %get3A = arith.index_cast %mul3A_681 : i32 to index
      %get3A_682 = tpu.vector_load %arg18[%get3A] {strides = array<i32>} : memref<8192xf32, #tpu.memory_space<vmem>>, vector<16xf32>,
      %get3A_683 = vector.shape_cast %get3A_682 : vector<16xf32> to vector<16xf32>
      %get3A_684 = arith.index_cast %mul3A_681 : i32 to index
      %get3A_685 = tpu.vector_load %arg20[%get3A_684] {strides = array<i32>} : memref<8192xf32, #tpu.memory_space<vmem>>, vector<16xf32>,
      %get3A_686 = vector.shape_cast %get3A_685 : vector<16xf32> to vector<16xf32>
      %sub3A_687 = arith.subf %get3A_683, %get3A_686 : vector<16xf32>
      %get3A_688 = arith.index_cast %mul3A_681 : i32 to index
      %get3A_689 = tpu.vector_load %arg12[%get3A_688] {strides = array<i32>} : memref<8192xf32, #tpu.memory_space<vmem>>, vector<16xf32>,
      %get3A_690 = vector.shape_cast %get3A_689 : vector<16xf32> to vector<16xf32>
      %mul3A_691 = arith.mulf %sub3A_687, %get3A_690 : vector<16xf32>
      %add3A_692 = arith.addf %scan3A_679, %mul3A_691 : vector<16xf32>
      scf.yield %add3A_692 : vector<16xf32>
    }
    %scan3A_638 = arith.constant 128 : i32
    %dma_wait3A_639 = arith.constant 4096 : i32
    %dma_wait3A_640 = tpu.memref_slice %arg18[%dma_wait3A_639] : memref<8192xf32, #tpu.memory_space<vmem>> -> memref<2048xf32, #tpu.memory_space<vmem>>
    %dma_wait3A_641 = arith.constant 4096 : i32
    %dma_wait3A_642 = tpu.memref_slice %arg14[%dma_wait3A_641] : memref<8192xi32, #tpu.memory_space<vmem>> -> memref<2048xi32, #tpu.memory_space<vmem>>
    %dma_wait3A_643 = arith.constant 0 : i32
    %dma_wait3A_644 = tpu.memref_slice %arg2[%dma_wait3A_643] : memref<100663296xf32, #tpu.memory_space<hbm>> -> memref<100663296xf32, #tpu.memory_space<hbm>>
    tpu.wait_indirect_dma semaphore(%arg25 : memref<!tpu.dma_semaphore, #tpu.memory_space<semaphore_mem>>) src(%dma_wait3A_644 : memref<100663296xf32, #tpu.memory_space<hbm>>) dst(%dma_wait3A_640 : memref<2048xf32, #tpu.memory_space<vmem>>)
    %dma_wait3A_645 = arith.constant 4096 : i32
    %dma_wait3A_646 = tpu.memref_slice %arg20[%dma_wait3A_645] : memref<8192xf32, #tpu.memory_space<vmem>> -> memref<2048xf32, #tpu.memory_space<vmem>>
    %dma_wait3A_647 = arith.constant 4096 : i32
    %dma_wait3A_648 = tpu.memref_slice %arg16[%dma_wait3A_647] : memref<8192xi32, #tpu.memory_space<vmem>> -> memref<2048xi32, #tpu.memory_space<vmem>>
    %dma_wait3A_649 = arith.constant 0 : i32
    %dma_wait3A_650 = tpu.memref_slice %arg2[%dma_wait3A_649] : memref<100663296xf32, #tpu.memory_space<hbm>> -> memref<100663296xf32, #tpu.memory_space<hbm>>
    tpu.wait_indirect_dma semaphore(%arg25 : memref<!tpu.dma_semaphore, #tpu.memory_space<semaphore_mem>>) src(%dma_wait3A_650 : memref<100663296xf32, #tpu.memory_space<hbm>>) dst(%dma_wait3A_646 : memref<2048xf32, #tpu.memory_space<vmem>>)
    %scan3A_651 = arith.constant 256 : i32
    %scan3A_652 = arith.constant 128 : i32
    %scan3A_653 = arith.addi %scan3A_651, %scan3A_652 : i32
    %scan3A_654 = arith.constant 1 : i32
    %scan3A_655 = scf.for %scan3A_678 = %scan3A_651 to %scan3A_653 step %scan3A_654 iter_args(%scan3A_679 = %scan3A_637) -> (vector<16xf32>)  : i32 {
      %mul3A_680 = arith.constant 16 : i32
      %mul3A_681 = arith.muli %scan3A_678, %mul3A_680 : i32
      %get3A = arith.index_cast %mul3A_681 : i32 to index
      %get3A_682 = tpu.vector_load %arg18[%get3A] {strides = array<i32>} : memref<8192xf32, #tpu.memory_space<vmem>>, vector<16xf32>,
      %get3A_683 = vector.shape_cast %get3A_682 : vector<16xf32> to vector<16xf32>
      %get3A_684 = arith.index_cast %mul3A_681 : i32 to index
      %get3A_685 = tpu.vector_load %arg20[%get3A_684] {strides = array<i32>} : memref<8192xf32, #tpu.memory_space<vmem>>, vector<16xf32>,
      %get3A_686 = vector.shape_cast %get3A_685 : vector<16xf32> to vector<16xf32>
      %sub3A_687 = arith.subf %get3A_683, %get3A_686 : vector<16xf32>
      %get3A_688 = arith.index_cast %mul3A_681 : i32 to index
      %get3A_689 = tpu.vector_load %arg12[%get3A_688] {strides = array<i32>} : memref<8192xf32, #tpu.memory_space<vmem>>, vector<16xf32>,
      %get3A_690 = vector.shape_cast %get3A_689 : vector<16xf32> to vector<16xf32>
      %mul3A_691 = arith.mulf %sub3A_687, %get3A_690 : vector<16xf32>
      %add3A_692 = arith.addf %scan3A_679, %mul3A_691 : vector<16xf32>
      scf.yield %add3A_692 : vector<16xf32>
    }
    %scan3A_656 = arith.constant 128 : i32
    %dma_wait3A_657 = arith.constant 6144 : i32
    %dma_wait3A_658 = tpu.memref_slice %arg18[%dma_wait3A_657] : memref<8192xf32, #tpu.memory_space<vmem>> -> memref<2048xf32, #tpu.memory_space<vmem>>
    %dma_wait3A_659 = arith.constant 6144 : i32
    %dma_wait3A_660 = tpu.memref_slice %arg14[%dma_wait3A_659] : memref<8192xi32, #tpu.memory_space<vmem>> -> memref<2048xi32, #tpu.memory_space<vmem>>
    %dma_wait3A_661 = arith.constant 0 : i32
    %dma_wait3A_662 = tpu.memref_slice %arg2[%dma_wait3A_661] : memref<100663296xf32, #tpu.memory_space<hbm>> -> memref<100663296xf32, #tpu.memory_space<hbm>>
    tpu.wait_indirect_dma semaphore(%arg25 : memref<!tpu.dma_semaphore, #tpu.memory_space<semaphore_mem>>) src(%dma_wait3A_662 : memref<100663296xf32, #tpu.memory_space<hbm>>) dst(%dma_wait3A_658 : memref<2048xf32, #tpu.memory_space<vmem>>)
    %dma_wait3A_663 = arith.constant 6144 : i32
    %dma_wait3A_664 = tpu.memref_slice %arg20[%dma_wait3A_663] : memref<8192xf32, #tpu.memory_space<vmem>> -> memref<2048xf32, #tpu.memory_space<vmem>>
    %dma_wait3A_665 = arith.constant 6144 : i32
    %dma_wait3A_666 = tpu.memref_slice %arg16[%dma_wait3A_665] : memref<8192xi32, #tpu.memory_space<vmem>> -> memref<2048xi32, #tpu.memory_space<vmem>>
    %dma_wait3A_667 = arith.constant 0 : i32
    %dma_wait3A_668 = tpu.memref_slice %arg2[%dma_wait3A_667] : memref<100663296xf32, #tpu.memory_space<hbm>> -> memref<100663296xf32, #tpu.memory_space<hbm>>
    tpu.wait_indirect_dma semaphore(%arg25 : memref<!tpu.dma_semaphore, #tpu.memory_space<semaphore_mem>>) src(%dma_wait3A_668 : memref<100663296xf32, #tpu.memory_space<hbm>>) dst(%dma_wait3A_664 : memref<2048xf32, #tpu.memory_space<vmem>>)
    %scan3A_669 = arith.constant 384 : i32
    %scan3A_670 = arith.constant 128 : i32
    %scan3A_671 = arith.addi %scan3A_669, %scan3A_670 : i32
    %scan3A_672 = arith.constant 1 : i32
    %scan3A_673 = scf.for %scan3A_678 = %scan3A_669 to %scan3A_671 step %scan3A_672 iter_args(%scan3A_679 = %scan3A_655) -> (vector<16xf32>)  : i32 {
      %mul3A_680 = arith.constant 16 : i32
      %mul3A_681 = arith.muli %scan3A_678, %mul3A_680 : i32
      %get3A = arith.index_cast %mul3A_681 : i32 to index
      %get3A_682 = tpu.vector_load %arg18[%get3A] {strides = array<i32>} : memref<8192xf32, #tpu.memory_space<vmem>>, vector<16xf32>,
      %get3A_683 = vector.shape_cast %get3A_682 : vector<16xf32> to vector<16xf32>
      %get3A_684 = arith.index_cast %mul3A_681 : i32 to index
      %get3A_685 = tpu.vector_load %arg20[%get3A_684] {strides = array<i32>} : memref<8192xf32, #tpu.memory_space<vmem>>, vector<16xf32>,
      %get3A_686 = vector.shape_cast %get3A_685 : vector<16xf32> to vector<16xf32>
      %sub3A_687 = arith.subf %get3A_683, %get3A_686 : vector<16xf32>
      %get3A_688 = arith.index_cast %mul3A_681 : i32 to index
      %get3A_689 = tpu.vector_load %arg12[%get3A_688] {strides = array<i32>} : memref<8192xf32, #tpu.memory_space<vmem>>, vector<16xf32>,
      %get3A_690 = vector.shape_cast %get3A_689 : vector<16xf32> to vector<16xf32>
      %mul3A_691 = arith.mulf %sub3A_687, %get3A_690 : vector<16xf32>
      %add3A_692 = arith.addf %scan3A_679, %mul3A_691 : vector<16xf32>
      scf.yield %add3A_692 : vector<16xf32>
    }
    %scan3A_674 = arith.constant 128 : i32
    %swap3A = arith.constant 0 : index
    %swap3A_675 = tpu.vector_load %arg21[%swap3A] {strides = array<i32>} : memref<16xf32, #tpu.memory_space<vmem>>, vector<16xf32>,
    %swap3A_676 = vector.shape_cast %swap3A_675 : vector<16xf32> to vector<16xf32>
    %swap3A_677 = vector.shape_cast %scan3A_673 : vector<16xf32> to vector<16xf32>
    tpu.vector_store %arg21[%swap3A], %swap3A_677 {strides = array<i32>} : memref<16xf32, #tpu.memory_space<vmem>>, vector<16xf32>,
    "tpu.region"() ({
      %run_scoped3A = tpu.sem_alloc : memref<!tpu.dma_semaphore, #tpu.memory_space<semaphore_mem>>
      %dma_start3A_678 = arith.constant 0 : i32
      %dma_start3A_679 = tpu.memref_slice %arg6[%add3A, %dma_start3A_678] : memref<32x16xf32, #tpu.memory_space<hbm>> -> memref<1x16xf32, #tpu.memory_space<hbm>>
      %dma_start3A_680 = tpu.memref_squeeze %dma_start3A_679 : memref<1x16xf32, #tpu.memory_space<hbm>> -> memref<16xf32, #tpu.memory_space<hbm>>
      %dma_start3A_681 = arith.constant 0 : i32
      %dma_start3A_682 = tpu.memref_slice %arg6[%add3A, %dma_start3A_681] : memref<32x16xf32, #tpu.memory_space<hbm>> -> memref<1x16xf32, #tpu.memory_space<hbm>>
      %dma_start3A_683 = tpu.memref_squeeze %dma_start3A_682 : memref<1x16xf32, #tpu.memory_space<hbm>> -> memref<16xf32, #tpu.memory_space<hbm>>
      tpu.enqueue_dma source(%arg21 : memref<16xf32, #tpu.memory_space<vmem>>) target(%dma_start3A_683 : memref<16xf32, #tpu.memory_space<hbm>>) target_semaphore(%run_scoped3A : memref<!tpu.dma_semaphore, #tpu.memory_space<semaphore_mem>>)
      %dma_wait3A_684 = arith.constant 0 : i32
      %dma_wait3A_685 = tpu.memref_slice %arg6[%add3A, %dma_wait3A_684] : memref<32x16xf32, #tpu.memory_space<hbm>> -> memref<1x16xf32, #tpu.memory_space<hbm>>
      %dma_wait3A_686 = tpu.memref_squeeze %dma_wait3A_685 : memref<1x16xf32, #tpu.memory_space<hbm>> -> memref<16xf32, #tpu.memory_space<hbm>>
      %dma_wait3A_687 = arith.constant 0 : i32
      %dma_wait3A_688 = tpu.memref_slice %arg6[%add3A, %dma_wait3A_687] : memref<32x16xf32, #tpu.memory_space<hbm>> -> memref<1x16xf32, #tpu.memory_space<hbm>>
      %dma_wait3A_689 = tpu.memref_squeeze %dma_wait3A_688 : memref<1x16xf32, #tpu.memory_space<hbm>> -> memref<16xf32, #tpu.memory_space<hbm>>
      tpu.wait_dma2 semaphore(%run_scoped3A : memref<!tpu.dma_semaphore, #tpu.memory_space<semaphore_mem>>) src(%arg21 : memref<16xf32, #tpu.memory_space<vmem>>) dst(%dma_wait3A_689 : memref<16xf32, #tpu.memory_space<hbm>>)
      tpu.yield
    }) : () -> ()
    return
  }
}

</mosaic_0001>

<sc_bundles>
// kernel: kernel.3.cloned.1.call-start
scs
__scs_entry_jumppad:
0x0: {  	(pc) =	sbr.rel $0x88, $3  }
0x1: {  	(tag) =	ssettag $0x0;
	lr =	simm.s32 $0x1  }
0x2: {  	[smem:$0x3F9D] =	sst lr;
	_ =	strace $0xD0000000  }
0x3: {  	_ = 	snop  }
0x4: {  	_ = 	snop  }
0x5: {  	_ = 	snop  }
0x6: {  	_ = 	snop  }
0x7: {  	_ = 	snop  }
__scs_overlays_trampoline_lowered:
0x8: {  	[smem:$0x3FAC] =	sst s0  }
0x9: {  	[smem:$0x3FAD] =	sst s1  }
0xa: {  	[smem:$0x3FAE] =	sst s2  }
0xb: {  	[smem:$0x3FAF] =	sst s3  }
0xc: {  	[smem:$0x3FB0] =	sst s4  }
0xd: {  	[smem:$0x3FB1] =	sst s5  }
0xe: {  	[smem:$0x3FB2] =	sst s6  }
0xf: {  	[smem:$0x3FB3] =	sst s7  }
0x10: {  	[smem:$0x3FB4] =	sst s8  }
0x11: {  	[smem:$0x3FB5] =	sst s9;
	s0 =	simm.s32 @!p0 $0x0  }
0x12: {  	s1 =	sld [smem:$0x3F9B];
	s0 =	simm.s32 @p0 $0x1  }
0x13: {  	[smem:$0x3FB6] =	sst s0;
	s0 =	simm.s32 @!p1 $0x0  }
0x14: {  	s2 =	sld [smem:$0x3F9A];
	s0 =	simm.s32 @p1 $0x1  }
0x15: {  	[smem:$0x3FB7] =	sst s0;
	s0 =	simm.s32 @!p2 $0x0  }
0x16: {  	s3 =	sld [smem:$0x3FDB];
	s0 =	simm.s32 @p2 $0x1  }
0x17: {  	s4 =	simm.s32 $0x1BF5;
	[smem:$0x3FB9] =	sst s0  }
0x18: {  	s0 =	sld [smem:$0x3F9C];
	_ =	swait.ge [sflag:s4], $0x0  }
0x19: {  	s7 =	sld [smem:$0x3F9D]  }
0x1a: {  	s8 =	sadd.s32 $0xFFFFE003, lr  }
0x1b: {  	s9 =	sadd.s32 $0xFFFFFEF7, lr;
	s5 =	simm.s32 $0xFFFFFFFF;
	p2 =	slt.u32 s8, $0xFFFFF086  }
0x1c: {  	p1 =	slt.u32 s9, $0xF7A;
	s5 =	simm.s32 @!p2 $0x0  }
0x1d: {  	s5 =	simm.s32 @p1 $0x1;
	p0 =	seq.s32 s7, s2  }
0x1e: {  	s7 =	smul.u32 @!p0 $0xF7A, s2;
	p2 =	seq.s32 @!p0 s5, $0x0  }
0x1f: {  	s9 =	smul.u32 $0xF7A, s1;
	s8 =	simm.s32 @!p0 $0x1BF5;
	p2 =	por !p2, p0  }
0x20: {  	[sflag:s8] =	ssyncset.s32 @!p0 $0xFFFFF086;
	s6 =	sadd.s32 @!p0 s3, s7;
	s7 =	simm.s32 @!p0 $0x108  }
0x21: {  	s3 =	sadd.s32 s3, s9;
	s6 =	sadd.s32 @!p0 $0x88, s6;
	s7 =	simm.s32 @p2 $0x1082  }
0x22: {  	[simem:s7], [sflag:s8] =	dma.local @!p0 [hbm:s6], $0xF7A  }
0x23: {  	s9 =	sor.u32 $0xD0000000, s2;
	s6 =	simm.s32 $0x108;
	_ =	swait.ge @!p0 [sflag:s8], $0x0  }
0x24: {  	s3 =	sadd.s32 $0x88, s3;
	s6 =	simm.s32 @!p1 $0x1082;
	[sflag:s4] =	ssyncset.s32 $0xFFFFF086  }
0x25: {  	[simem:s6], [sflag:s4] =	dma.local [hbm:s3], $0xF7A  }
0x26: {  	[smem:$0x3F9D] =	sst s1;
	(tag) =	ssettag s2;
	_ =	strace s9  }
0x27: {  	s1 =	sld [smem:$0x3FAD]  }
0x28: {  	s2 =	sld [smem:$0x3FAE]  }
0x29: {  	s4 =	sld [smem:$0x3FB0]  }
0x2a: {  	p0 =	seq.s32 s5, $0x0;
	s5 =	sld [smem:$0x3FB1]  }
0x2b: {  	s6 =	sld [smem:$0x3FB2]  }
0x2c: {  	s7 =	sld [smem:$0x3FB3]  }
0x2d: {  	s3 =	simm.s32 $0x108;
	s8 =	sld [smem:$0x3FB4]  }
0x2e: {  	s3 =	simm.s32 @!p0 $0x1082;
	s9 =	sld [smem:$0x3FB5]  }
0x2f: {  	lr =	sadd.s32 s0, s3;
	s0 =	sld [smem:$0x3FAC]  }
0x30: {  	s3 =	sld [smem:$0x3FAF]  }
0x31: {  	[smem:$0x3FB8] =	sst s10  }
0x32: {  	s10 =	sld [smem:$0x3FB6];
	_ =	sdelay $0x3  }
0x33: {  	p0 =	seq.s32 s10, $0x1;
	s10 =	sld [smem:$0x3FB8];
	_ =	sdelay $0x3  }
0x34: {  	[smem:$0x3FB8] =	sst s10  }
0x35: {  	s10 =	sld [smem:$0x3FB7];
	_ =	sdelay $0x3  }
0x36: {  	p1 =	seq.s32 s10, $0x1;
	s10 =	sld [smem:$0x3FB8];
	_ =	sdelay $0x3  }
0x37: {  	[smem:$0x3FB8] =	sst s10  }
0x38: {  	s10 =	sld [smem:$0x3FB9]  }
0x39: {  	_ = 	snop;
	(pc) =	sbr.ind lr, $3  }
0x3a: {  	_ = 	snop  }
0x3b: {  	_ = 	snop  }
0x3c: {  	p2 =	seq.s32 s10, $0x1;
	s10 =	sld [smem:$0x3FB8]  }
0x3d: {  	_ =	shalt  }
0x3e: {  	_ =	shalt  }
0x3f: {  	_ =	shalt  }
0x40: {  	_ =	shalt  }
0x41: {  	_ =	shalt  }
0x42: {  	_ =	shalt  }
0x43: {  	_ =	shalt  }
0x44: {  	_ =	shalt  }
0x45: {  	_ =	shalt  }
0x46: {  	_ =	shalt  }
0x47: {  	_ =	shalt  }
0x48: {  	_ =	shalt  }
0x49: {  	_ =	shalt  }
0x4a: {  	_ =	shalt  }
0x4b: {  	_ =	shalt  }
0x4c: {  	_ =	shalt  }
0x4d: {  	_ =	shalt  }
0x4e: {  	_ =	shalt  }
0x4f: {  	_ =	shalt  }
0x50: {  	_ =	shalt  }
0x51: {  	_ =	shalt  }
0x52: {  	_ =	shalt  }
0x53: {  	_ =	shalt  }
0x54: {  	_ =	shalt  }
0x55: {  	_ =	shalt  }
0x56: {  	_ =	shalt  }
0x57: {  	_ =	shalt  }
0x58: {  	_ =	shalt  }
0x59: {  	_ =	shalt  }
0x5a: {  	_ =	shalt  }
0x5b: {  	_ =	shalt  }
0x5c: {  	_ =	shalt  }
0x5d: {  	_ =	shalt  }
0x5e: {  	_ =	shalt  }
0x5f: {  	_ =	shalt  }
0x60: {  	_ =	shalt  }
0x61: {  	_ =	shalt  }
0x62: {  	_ =	shalt  }
0x63: {  	_ =	shalt  }
0x64: {  	_ =	shalt  }
0x65: {  	_ =	shalt  }
0x66: {  	_ =	shalt  }
0x67: {  	_ =	shalt  }
0x68: {  	_ =	shalt  }
0x69: {  	_ =	shalt  }
0x6a: {  	_ =	shalt  }
0x6b: {  	_ =	shalt  }
0x6c: {  	_ =	shalt  }
0x6d: {  	_ =	shalt  }
0x6e: {  	_ =	shalt  }
0x6f: {  	_ =	shalt  }
0x70: {  	_ =	shalt  }
0x71: {  	_ =	shalt  }
0x72: {  	_ =	shalt  }
0x73: {  	_ =	shalt  }
0x74: {  	_ =	shalt  }
0x75: {  	_ =	shalt  }
0x76: {  	_ =	shalt  }
0x77: {  	_ =	shalt  }
0x78: {  	_ =	shalt  }
0x79: {  	_ =	shalt  }
0x7a: {  	_ =	shalt  }
0x7b: {  	_ =	shalt  }
0x7c: {  	_ =	shalt  }
0x7d: {  	_ =	shalt  }
0x7e: {  	_ =	shalt  }
0x7f: {  	_ =	shalt  }
0x80: {  	_ =	shalt  }
0x81: {  	_ =	shalt  }
0x82: {  	_ =	shalt  }
0x83: {  	_ =	shalt  }
0x84: {  	_ =	shalt  }
0x85: {  	_ =	shalt  }
0x86: {  	_ =	shalt  }
0x87: {  	_ =	shalt  }
.Lfunc_end0:
.L_simem_size_0:
called_computation_lowered:
.L_overlay_start_0:
0x88: {  	s2 =	sld [smem:$0x3FD9]  }
0x89: {  	s3 =	sld [smem:$0x3FFE];
	_ =	sdelay $0x1  }
0x8a: {  	s1 =	srdreg.scid  }
0x8b: {  	s0 =	sand.u32 $0x1, s1  }
0x8c: {  	s17 =	sshll.u32 s0, $0xA;
	s2 =	sadd.s32 s3, s2  }
0x8d: {  	s2 =	sadd.s32 s2, s17  }
0x8e: {  	[smem:$0x3FC4] =	sst s2  }
0x8f: {  	_ = 	snop  }
0x90: {  	s2 =	sld [smem:$0x3FC9]  }
0x91: {  	s18 =	sld [smem:$0x3FC7]  }
0x92: {  	s4 =	sld [smem:$0x3FC6];
	(tm) =	ssettm $0x1  }
0x93: {  	s5 =	sld [smem:$0x3FFB];
	_ =	sdelay $0x3  }
0x94: {  	_ =	strace s5  }
0x95: {  	s5 =	sld [smem:$0x3FFC];
	_ =	sdelay $0x3  }
0x96: {  	_ =	strace s5  }
0x97: {  	s5 =	sld [smem:$0x3FFD];
	_ =	sdelay $0x3  }
0x98: {  	_ =	strace s5  }
0x99: {  	_ =	strace $0x8FFFFFFF  }
0x9a: {  	s19 =	sld [smem:$0x3FDB];
	_ =	sdelay $0x1  }
0x9b: {  	s6 =	simm.s32 $_scs_section_size  }
0x9c: {  	s7 =	simm.s32 $_size__tile_overlayer_lowered;
	s8 =	simm.s32 $_tile_overlayer_lowered  }
0x9d: {  	s22 =	simm.s32 $0x1BFF;
	s21 =	sshll.u32 s8, $0x1;
	s5 =	sadd.s32 s6, s19  }
0x9e: {  	s9 =	simm.s32 $0x0;
	s20 =	sshll.u32 s7, $0x1;
	s7 =	sadd.s32 s21, s5  }
0x9f: {  	[timem:s9], [sflag:s22] =	dma.local [hbm:s7], s20  }
0xa0: {  	_ =	swait.ge [sflag:s22], s20  }
0xa1: {  	s6 =	ssub.s32 $0x0, s20;
	[sflag:s22] =	ssyncset.done $0x0  }
0xa2: {  	[sflag:s22] =	ssyncadd.s32 s6;
	_ =	sdelay $0x1  }
0xa3: {  	s23 =	simm.s32 $0x1B8B  }
0xa4: {  	_ =	swait.ge [sflag:s23], $0x1  }
0xa5: {  	[sflag:s23] =	ssyncset.done $0x0  }
0xa6: {  	s25 =	simm.s32 $0x1B8E;
	s24 =	sld [smem:$0x3FFE];
	[sflag:s23] =	ssyncadd.s32 $0xFFFFFFFF  }
0xa7: {  	s26 =	simm.s32 $execute0_lowered;
	[smem:$0x3FD2] =	sst s25  }
0xa8: {  	s7 =	sshll.u32 s26, $0x1;
	_ =	strace $0x80000046;
	[dreg:$0x1] =	wrdreg $0xFFFFFFFF  }
0xa9: {  	s28 =	simm.s32 $_size_execute0_lowered;
	s5 =	sadd.s32 s5, s7;
	[dreg:$0x0] =	wrdreg $0x0  }
0xaa: {  	s7 =	sshll.u32 s28, $0x1;
	[dreg:$0x2] =	wrdreg s5  }
0xab: {  	[dreg:$0x3] =	wrdreg s7  }
0xac: {  	[dreg:$0x4] =	wrdreg $0xC0  }
0xad: {  	_ =	task [dreg:s9], $0x5FFFF  }
0xae: {  	[dreg:$0x1] =	wrdreg $0xFFFFFFFF  }
0xaf: {  	[dreg:$0x0] =	wrdreg $0x60  }
0xb0: {  	[dreg:$0x2] =	wrdreg s2  }
0xb1: {  	[dreg:$0x3] =	wrdreg s18  }
0xb2: {  	[dreg:$0x4] =	wrdreg s4  }
0xb3: {  	[dreg:$0x5] =	wrdreg s24  }
0xb4: {  	[dreg:$0x6] =	wrdreg $0x9  }
0xb5: {  	_ =	task.clear_ibuf [dreg:s9], $0x7FFFF;
	_ =	strace $0x90000046  }
0xb6: {  	s29 =	simm.s32 $0x9;
	_ =	strace $0x80000048  }
0xb7: {  	_ =	swait.ge [sflag:s29], $0x1  }
0xb8: {  	[sflag:s29] =	ssyncadd.s32 $0xFFFFFFFF  }
0xb9: {  	_ =	strace $0x90000048  }
0xba: {  	_ =	sfence  }
0xbb: {  	s30 =	sld [smem:$0x0];
	_ =	sdelay $0x2  }
0xbc: {  	s31 =	sshll.u32 s1, $0xD;
	s1 =	sshrl.u32 s1, $0x2  }
0xbd: {  	s3 =	sand.u32 $0x4000, s31;
	s1 =	sadd.s32 s1, s30  }
0xbe: {  	s0 =	sor.u32 s3, s0;
	s1 =	sshll.u32 s1, $0x11  }
0xbf: {  	s0 =	sor.u32 s1, s0  }
0xc0: {  	s0 =	sadd.s32 $0x8F2B, s0  }
0xc1: {  	[sflag:s0] =	ssyncadd.remote.s32 $0x1  }
0xc2: {  	_ =	sfence.sel $0xFFFF  }
0xc3: {  	[dreg:$0x0] =	wrdreg $0xFFFFFFFF;
	(pc) =	sbr.abs _section_cstart, $3  }
0xc4: {  	[dreg:$0x1] =	wrdreg $0xFFFFFFFF  }
0xc5: {  	_ =	task.clear_ibuf [dreg:s9], $0x2FFFF;
	_ =	strace $0x9FFFFFFF  }
0xc6: {  	(tm) =	ssettm $0x7FFFFFFF  }
0xc7: {  	_ =	shalt  }
tec
execute0_lowered:
.L_overlay_start_1:
0x0: {  	(tag) =	ssettag $0x1  }
0x1: {  	s1 =	rddreg [dreg:$0x0]  }
0x2: {  	s0 =	rddreg [dreg:$0x1]  }
0x3: {  	s2 =	rddreg [dreg:$0x2]  }
0x4: {  	s4 =	rddreg [dreg:$0x3];
	s5 =	srdreg.scid  }
0x5: {  	s11 =	stileid.u32;
	s3 =	simm.s32 $0x0;
	s28 =	simm.s32 $0x5  }
0x6: {  	s5 =	sand.u32 $0x1, s5;
	s6 =	sshll.u32 s11, $0x1;
	[smem:$0x7FF] =	sst s3  }
0x7: {  	s10 =	sshrl.u32 s11, $0x2;
	s11 =	sshll.u32 s11, $0x10;
	s6 =	sor.u32 s5, s6  }
0x8: {  	_ =	strace $0x80000047;
	s7 =	sshll.u32 s6, $0x4;
	s6 =	sshll.u32 s6, $0xC  }
0x9: {  	s8 =	ssub.s32 $0x2, s5;
	s19 =	smul.u32 $0x60, s10;
	s21 =	sadd.s32 s0, s6  }
0xa: {  	s5 =	sshll.u32 s5, $0xF;
	s22 =	sadd.s32 s2, s6;
	[dreg:$0x5] =	wrdreg s21  }
0xb: {  	s23 =	sor.u32 $0x400, s6;
	s24 =	sadd.s32 s4, s6;
	[dreg:$0x6] =	wrdreg s22  }
0xc: {  	s9 =	sshrl.u32 s8, $0x1;
	[dreg:$0x7] =	wrdreg s24;
	s25 =	sadd.s32 s0, s23  }
0xd: {  	s8 =	ssub.s32 s8, s9;
	s12 =	sadd.s32 s2, s23;
	[dreg:$0x8] =	wrdreg s25  }
0xe: {  	s26 =	sor.u32 $0x800, s6;
	s9 =	sadd.s32 s4, s23;
	[dreg:$0x9] =	wrdreg s12  }
0xf: {  	s7 =	sadd.s32 s7, s4;
	s29 =	sadd.s32 s0, s26;
	[dreg:$0xa] =	wrdreg s9  }
0x10: {  	s6 =	sor.u32 $0xC00, s6;
	s30 =	sadd.s32 s2, s26;
	[dreg:$0xb] =	wrdreg s29  }
0x11: {  	v0 =	vmov s19;
	s19 =	simm.s32 $0x0;
	s10 =	sadd.s32 s4, s26;
	[dreg:$0xc] =	wrdreg s30  }
0x12: {  	s0 =	sadd.s32 s0, s6;
	s2 =	sadd.s32 s2, s6;
	[dreg:$0xd] =	wrdreg s10  }
0x13: {  	s13 =	sadd.s32 $0x20000, s7;
	s14 =	smax.u32 s8, $0x1;
	[dreg:$0xe] =	wrdreg s0  }
0x14: {  	s7 =	simm.s32 $0x1;
	s8 =	simm.s32 $0x800;
	[dreg:$0xf] =	wrdreg s2  }
0x15: {  	s12 =	sadd.s32 s4, s6;
	s0 =	sor.u32 s5, s11;
	[dreg:$0x11] =	wrdreg s13  }
0x16: {  	[dreg:$0x12] =	wrdreg s14;
	s5 =	simm.s32 $0x2;
	s11 =	simm.s32 $0x12800  }
0x17: {  	s13 =	simm.s32 $0x17000;
	s14 =	simm.s32 $0x13000;
	s6 =	simm.s32 $0x1B800  }
0x18: {  	s9 =	simm.s32 $0x4;
	[dreg:$0x10] =	wrdreg s12;
	s10 =	sand.u32 $0x38000, s0  }
0x19: {  	s18 =	sor.u32 $0x2000, s0;
	s20 =	sor.u32 $0x4000, s0;
	s0 =	sor.u32 $0x6000, s0  }
0x1a: {  	s12 =	simm.s32 $0xF000;
	s15 =	sor.u32 $0x800, s10;
	s16 =	sor.u32 $0x1000, s10  }
0x1b: {  	s17 =	sor.u32 $0x1800, s10;
	s22 =	sand.u32 $0x3A000, s18;
	[dreg:$0x13] =	wrdreg s15  }
0x1c: {  	s23 =	sand.u32 $0x3C000, s20;
	s24 =	sand.u32 $0x3E000, s0;
	[dreg:$0x14] =	wrdreg s16  }
0x1d: {  	[dreg:$0x15] =	wrdreg s17;
	s21 =	sor.u32 $0x800, s22;
	s25 =	sor.u32 $0x1000, s22  }
0x1e: {  	s26 =	sor.u32 $0x1800, s22;
	s29 =	sor.u32 $0x800, s23;
	[dreg:$0x16] =	wrdreg s21  }
0x1f: {  	s30 =	sor.u32 $0x1000, s23;
	s31 =	sor.u32 $0x1800, s23;
	[dreg:$0x17] =	wrdreg s25  }
0x20: {  	s0 =	sor.u32 $0x800, s24;
	s2 =	sor.u32 $0x1000, s24;
	[dreg:$0x18] =	wrdreg s26  }
0x21: {  	s4 =	sor.u32 $0x1800, s24;
	s15 =	simm.s32 $0x1B000;
	[dreg:$0x19] =	wrdreg s29  }
0x22: {  	s16 =	simm.s32 $0xF800;
	s17 =	simm.s32 $0x17800;
	[dreg:$0x1a] =	wrdreg s30  }
0x23: {  	v1 =	vlaneseq.u32;
	s21 =	simm.s32 $0x1A800;
	s25 =	simm.s32 $0x13800;
	s26 =	simm.s32 $0x3  }
.LBB2_1:
0x24: {  	s18 =	rddreg [dreg:$0x5]  }
0x25: {  	[tilespmem:s3], [sflag:$0x1] =	stream.linear.gather [hbm4b:s18+s3], $0x2000, $0x38;
	[tilespmem:$0x1C080] =	vst v63  }
0x26: {  	s20 =	simm.s32 $0x4000;
	s18 =	rddreg [dreg:$0x6]  }
0x27: {  	[tilespmem:s20], [sflag:$0x1] =	stream.linear.gather [hbm4b:s18+s3], $0x2000, $0x38;
	[tilespmem:$0x1C080] =	vst v63  }
0x28: {  	s18 =	rddreg [dreg:$0x7];
	s20 =	simm.s32 $0x8000  }
0x29: {  	[tilespmem:s20], [sflag:$0x1] =	stream.linear.gather [hbm4b:s18+s3], $0x2000, $0x38;
	[tilespmem:$0x1C080] =	vst v63  }
0x2a: {  	_ =	swait.ge [sflag:s7], $0x2000  }
0x2b: {  	[sflag:s7] =	ssyncset.done $0x0  }
0x2c: {  	[sflag:s7] =	ssyncadd.s32 $0xFFFFE000  }
0x2d: {  	_ =	swait.ge [sflag:s7], $0x2000  }
0x2e: {  	[sflag:s7] =	ssyncset.done $0x0  }
0x2f: {  	[sflag:s7] =	ssyncadd.s32 $0xFFFFE000  }
0x30: {  	_ =	swait.ge [sflag:s7], $0x2000  }
0x31: {  	[sflag:s7] =	ssyncset.done $0x0  }
0x32: {  	s29 =	simm.s32 $0x0;
	[sflag:s7] =	ssyncadd.s32 $0xFFFFE000  }
0x33: {  	v2 =	vld [tilespmem:s29+$0x4000]  }
0x34: {  	v3 =	vld [tilespmem:s29+$0x0];
	_ =	sdelay $0x2  }
0x35: {  	s30 =	simm.s32 $0x40;
	s18 =	smov.u32 s10  }
.LBB2_2:
0x36: {  	s20 =	sshra.s32 s30, $0x2;
	p0 =	sne.s32 s30, $0x1FC0;
	s30 =	sadd.s32 $0x40, s30;
	v4 =	vadd.s32 v0, v2  }
.Ltmp0:
0x37: {  	v5 =	vor.u32 s18, v1;
	v2 =	vld [tilespmem:s20+$0x4000];
	v6 =	vadd.s32 v0, v3;
	v4 =	vshll.u32 v4, $0x12;
	(pc) =	sbr.rel @p0 .LBB2_2-.Ltmp0, $4  }
0x38: {  	v3 =	vld [tilespmem:s20+$0x0];
	v6 =	vshll.u32 v6, $0x12;
	v4 =	vadd.s32 v5, v4  }
0x39: {  	v5 =	vadd.s32 v5, v6;
	[tilespmem:s29+$0x10000] =	vst v4  }
0x3a: {  	[tilespmem:s29+$0xC000] =	vst v5;
	s29 =	smov.u32 s20  }
0x3b: {  	s18 =	sadd.s32 $0x10, s18  }
0x3c: {  	v2 =	vadd.s32 v0, v2  }
0x3d: {  	v4 =	vor.u32 s18, v1;
	v3 =	vadd.s32 v0, v3;
	v2 =	vshll.u32 v2, $0x12  }
0x3e: {  	v3 =	vshll.u32 v3, $0x12;
	v2 =	vadd.s32 v4, v2  }
0x3f: {  	v3 =	vadd.s32 v4, v3;
	[tilespmem:s29+$0x10000] =	vst v2  }
0x40: {  	s18 =	simm.s32 $0xC000;
	s20 =	simm.s32 $0x14000;
	[tilespmem:s29+$0xC000] =	vst v3  }
0x41: {  	[tilespmem:s20], [sflag:$0x3] =	stream.indirect.gather [hbm4b:s1+s8], $0x1, s18, s8, $0xb8;
	[tilespmem:$0x1C080] =	vst v63  }
0x42: {  	s29 =	simm.s32 $0x0;
	s18 =	simm.s32 $0x10000;
	s20 =	simm.s32 $0x18000  }
0x43: {  	[tilespmem:s20], [sflag:$0x3] =	stream.indirect.gather [hbm4b:s1+s8], $0x1, s18, s8, $0xb8;
	[tilespmem:$0x1C080] =	vst v63  }
0x44: {  	v2 =	vld [tilespmem:s29+$0x4800]  }
0x45: {  	v3 =	vld [tilespmem:s29+$0x800];
	_ =	sdelay $0x2  }
0x46: {  	s30 =	simm.s32 $0x40;
	s18 =	rddreg [dreg:$0x13]  }
.LBB2_4:
0x47: {  	s20 =	sshra.s32 s30, $0x2;
	p0 =	sne.s32 s30, $0x1FC0;
	s30 =	sadd.s32 $0x40, s30;
	v4 =	vadd.s32 v0, v2  }
.Ltmp1:
0x48: {  	v5 =	vor.u32 s18, v1;
	v2 =	vld [tilespmem:s20+$0x4800];
	v6 =	vadd.s32 v0, v3;
	v4 =	vshll.u32 v4, $0x12;
	(pc) =	sbr.rel @p0 .LBB2_4-.Ltmp1, $4  }
0x49: {  	v3 =	vld [tilespmem:s20+$0x800];
	v6 =	vshll.u32 v6, $0x12;
	v4 =	vadd.s32 v5, v4  }
0x4a: {  	v5 =	vadd.s32 v5, v6;
	[tilespmem:s29+$0x10800] =	vst v4  }
0x4b: {  	[tilespmem:s29+$0xC800] =	vst v5;
	s29 =	smov.u32 s20  }
0x4c: {  	s18 =	sadd.s32 $0x10, s18  }
0x4d: {  	v2 =	vadd.s32 v0, v2  }
0x4e: {  	v4 =	vor.u32 s18, v1;
	v3 =	vadd.s32 v0, v3;
	v2 =	vshll.u32 v2, $0x12  }
0x4f: {  	v3 =	vshll.u32 v3, $0x12;
	v2 =	vadd.s32 v4, v2  }
0x50: {  	v3 =	vadd.s32 v4, v3;
	[tilespmem:s29+$0x10800] =	vst v2  }
0x51: {  	s18 =	simm.s32 $0xC800;
	s20 =	simm.s32 $0x14800;
	[tilespmem:s29+$0xC800] =	vst v3  }
0x52: {  	[tilespmem:s20], [sflag:$0x3] =	stream.indirect.gather [hbm4b:s1+s8], $0x1, s18, s8, $0xb8;
	[tilespmem:$0x1C080] =	vst v63  }
0x53: {  	s29 =	simm.s32 $0x0;
	s18 =	simm.s32 $0x10800;
	s20 =	simm.s32 $0x18800  }
0x54: {  	[tilespmem:s20], [sflag:$0x3] =	stream.indirect.gather [hbm4b:s1+s8], $0x1, s18, s8, $0xb8;
	[tilespmem:$0x1C080] =	vst v63  }
0x55: {  	v2 =	vld [tilespmem:s29+$0x5000]  }
0x56: {  	v3 =	vld [tilespmem:s29+$0x1000];
	_ =	sdelay $0x2  }
0x57: {  	s30 =	simm.s32 $0x40;
	s18 =	rddreg [dreg:$0x14]  }
.LBB2_6:
0x58: {  	s20 =	sshra.s32 s30, $0x2;
	p0 =	sne.s32 s30, $0x1FC0;
	s30 =	sadd.s32 $0x40, s30;
	v4 =	vadd.s32 v0, v2  }
.Ltmp2:
0x59: {  	v5 =	vor.u32 s18, v1;
	v2 =	vld [tilespmem:s20+$0x5000];
	v6 =	vadd.s32 v0, v3;
	v4 =	vshll.u32 v4, $0x12;
	(pc) =	sbr.rel @p0 .LBB2_6-.Ltmp2, $4  }
0x5a: {  	v3 =	vld [tilespmem:s20+$0x1000];
	v6 =	vshll.u32 v6, $0x12;
	v4 =	vadd.s32 v5, v4  }
0x5b: {  	v5 =	vadd.s32 v5, v6;
	[tilespmem:s29+$0x11000] =	vst v4  }
0x5c: {  	[tilespmem:s29+$0xD000] =	vst v5;
	s29 =	smov.u32 s20  }
0x5d: {  	s18 =	sadd.s32 $0x10, s18  }
0x5e: {  	v2 =	vadd.s32 v0, v2  }
0x5f: {  	v4 =	vor.u32 s18, v1;
	v3 =	vadd.s32 v0, v3;
	v2 =	vshll.u32 v2, $0x12  }
0x60: {  	v3 =	vshll.u32 v3, $0x12;
	v2 =	vadd.s32 v4, v2  }
0x61: {  	v3 =	vadd.s32 v4, v3;
	[tilespmem:s29+$0x11000] =	vst v2  }
0x62: {  	s18 =	simm.s32 $0xD000;
	s20 =	simm.s32 $0x15000;
	[tilespmem:s29+$0xD000] =	vst v3  }
0x63: {  	[tilespmem:s20], [sflag:$0x3] =	stream.indirect.gather [hbm4b:s1+s8], $0x1, s18, s8, $0xb8;
	[tilespmem:$0x1C080] =	vst v63  }
0x64: {  	s29 =	simm.s32 $0x0;
	s18 =	simm.s32 $0x11000;
	s20 =	simm.s32 $0x19000  }
0x65: {  	[tilespmem:s20], [sflag:$0x3] =	stream.indirect.gather [hbm4b:s1+s8], $0x1, s18, s8, $0xb8;
	[tilespmem:$0x1C080] =	vst v63  }
0x66: {  	v2 =	vld [tilespmem:s29+$0x5800]  }
0x67: {  	v3 =	vld [tilespmem:s29+$0x1800];
	_ =	sdelay $0x2  }
0x68: {  	s30 =	simm.s32 $0x40;
	s18 =	rddreg [dreg:$0x15]  }
.LBB2_8:
0x69: {  	s20 =	sshra.s32 s30, $0x2;
	p0 =	sne.s32 s30, $0x1FC0;
	s30 =	sadd.s32 $0x40, s30;
	v4 =	vadd.s32 v0, v2  }
.Ltmp3:
0x6a: {  	v5 =	vor.u32 s18, v1;
	v2 =	vld [tilespmem:s20+$0x5800];
	v6 =	vadd.s32 v0, v3;
	v4 =	vshll.u32 v4, $0x12;
	(pc) =	sbr.rel @p0 .LBB2_8-.Ltmp3, $4  }
0x6b: {  	v3 =	vld [tilespmem:s20+$0x1800];
	v6 =	vshll.u32 v6, $0x12;
	v4 =	vadd.s32 v5, v4  }
0x6c: {  	v5 =	vadd.s32 v5, v6;
	[tilespmem:s29+$0x11800] =	vst v4  }
0x6d: {  	[tilespmem:s29+$0xD800] =	vst v5;
	s29 =	smov.u32 s20  }
0x6e: {  	s18 =	sadd.s32 $0x10, s18  }
0x6f: {  	v2 =	vadd.s32 v0, v2  }
0x70: {  	v4 =	vor.u32 s18, v1;
	v3 =	vadd.s32 v0, v3;
	v2 =	vshll.u32 v2, $0x12  }
0x71: {  	v3 =	vshll.u32 v3, $0x12;
	v2 =	vadd.s32 v4, v2  }
0x72: {  	v3 =	vadd.s32 v4, v3;
	[tilespmem:s29+$0x11800] =	vst v2  }
0x73: {  	s18 =	simm.s32 $0xD800;
	s20 =	simm.s32 $0x15800;
	[tilespmem:s29+$0xD800] =	vst v3  }
0x74: {  	[tilespmem:s20], [sflag:$0x3] =	stream.indirect.gather [hbm4b:s1+s8], $0x1, s18, s8, $0xb8;
	[tilespmem:$0x1C080] =	vst v63  }
0x75: {  	s18 =	simm.s32 $0x11800;
	s20 =	simm.s32 $0x19800  }
0x76: {  	[tilespmem:s20], [sflag:$0x3] =	stream.indirect.gather [hbm4b:s1+s8], $0x1, s18, s8, $0xb8;
	[tilespmem:$0x1C080] =	vst v63  }
0x77: {  	s29 =	simm.s32 $0x2000;
	s18 =	simm.s32 $0x0;
	s20 =	rddreg [dreg:$0x8]  }
0x78: {  	[tilespmem:s29], [sflag:$0x2] =	stream.linear.gather [hbm4b:s20+s18], $0x2000, $0x38;
	[tilespmem:$0x1C080] =	vst v63  }
0x79: {  	s20 =	rddreg [dreg:$0x9];
	s29 =	simm.s32 $0x6000  }
0x7a: {  	[tilespmem:s29], [sflag:$0x2] =	stream.linear.gather [hbm4b:s20+s18], $0x2000, $0x38;
	[tilespmem:$0x1C080] =	vst v63  }
0x7b: {  	s20 =	rddreg [dreg:$0xa];
	s29 =	simm.s32 $0xA000  }
0x7c: {  	[tilespmem:s29], [sflag:$0x2] =	stream.linear.gather [hbm4b:s20+s18], $0x2000, $0x38;
	[tilespmem:$0x1C080] =	vst v63  }
0x7d: {  	_ =	swait.ge [sflag:s5], $0x2000  }
0x7e: {  	[sflag:s5] =	ssyncset.done $0x0  }
0x7f: {  	[sflag:s5] =	ssyncadd.s32 $0xFFFFE000  }
0x80: {  	_ =	swait.ge [sflag:s5], $0x2000  }
0x81: {  	[sflag:s5] =	ssyncset.done $0x0  }
0x82: {  	[sflag:s5] =	ssyncadd.s32 $0xFFFFE000  }
0x83: {  	_ =	swait.ge [sflag:s5], $0x2000  }
0x84: {  	[sflag:s5] =	ssyncset.done $0x0  }
0x85: {  	s29 =	simm.s32 $0x0;
	[sflag:s5] =	ssyncadd.s32 $0xFFFFE000  }
0x86: {  	v2 =	vld [tilespmem:s29+$0x6000]  }
0x87: {  	v3 =	vld [tilespmem:s29+$0x2000];
	_ =	sdelay $0x2  }
0x88: {  	s30 =	simm.s32 $0x40;
	s18 =	smov.u32 s22  }
.LBB2_10:
0x89: {  	s20 =	sshra.s32 s30, $0x2;
	p0 =	sne.s32 s30, $0x1FC0;
	s30 =	sadd.s32 $0x40, s30;
	v4 =	vadd.s32 v0, v2  }
.Ltmp4:
0x8a: {  	v5 =	vor.u32 s18, v1;
	v2 =	vld [tilespmem:s20+$0x6000];
	v6 =	vadd.s32 v0, v3;
	v4 =	vshll.u32 v4, $0x12;
	(pc) =	sbr.rel @p0 .LBB2_10-.Ltmp4, $4  }
0x8b: {  	v3 =	vld [tilespmem:s20+$0x2000];
	v6 =	vshll.u32 v6, $0x12;
	v4 =	vadd.s32 v5, v4  }
0x8c: {  	v5 =	vadd.s32 v5, v6;
	[tilespmem:s29+$0x12000] =	vst v4  }
0x8d: {  	[tilespmem:s29+$0xE000] =	vst v5;
	s29 =	smov.u32 s20  }
0x8e: {  	s18 =	sadd.s32 $0x10, s18  }
0x8f: {  	v2 =	vadd.s32 v0, v2  }
0x90: {  	v4 =	vor.u32 s18, v1;
	v3 =	vadd.s32 v0, v3;
	v2 =	vshll.u32 v2, $0x12  }
0x91: {  	v3 =	vshll.u32 v3, $0x12;
	v2 =	vadd.s32 v4, v2  }
0x92: {  	v3 =	vadd.s32 v4, v3;
	[tilespmem:s29+$0x12000] =	vst v2  }
0x93: {  	s18 =	simm.s32 $0xE000;
	s20 =	simm.s32 $0x16000;
	[tilespmem:s29+$0xE000] =	vst v3  }
0x94: {  	[tilespmem:s20], [sflag:$0x4] =	stream.indirect.gather [hbm4b:s1+s8], $0x1, s18, s8, $0xb8;
	[tilespmem:$0x1C080] =	vst v63  }
0x95: {  	s29 =	simm.s32 $0x0;
	s18 =	simm.s32 $0x12000;
	s20 =	simm.s32 $0x1A000  }
0x96: {  	[tilespmem:s20], [sflag:$0x4] =	stream.indirect.gather [hbm4b:s1+s8], $0x1, s18, s8, $0xb8;
	[tilespmem:$0x1C080] =	vst v63  }
0x97: {  	v2 =	vld [tilespmem:s29+$0x6800]  }
0x98: {  	v3 =	vld [tilespmem:s29+$0x2800];
	_ =	sdelay $0x2  }
0x99: {  	s30 =	simm.s32 $0x40;
	s18 =	rddreg [dreg:$0x16]  }
.LBB2_12:
0x9a: {  	s20 =	sshra.s32 s30, $0x2;
	p0 =	sne.s32 s30, $0x1FC0;
	s30 =	sadd.s32 $0x40, s30;
	v4 =	vadd.s32 v0, v2  }
.Ltmp5:
0x9b: {  	v5 =	vor.u32 s18, v1;
	v2 =	vld [tilespmem:s20+$0x6800];
	v6 =	vadd.s32 v0, v3;
	v4 =	vshll.u32 v4, $0x12;
	(pc) =	sbr.rel @p0 .LBB2_12-.Ltmp5, $4  }
0x9c: {  	v3 =	vld [tilespmem:s20+$0x2800];
	v6 =	vshll.u32 v6, $0x12;
	v4 =	vadd.s32 v5, v4  }
0x9d: {  	v5 =	vadd.s32 v5, v6;
	[tilespmem:s29+$0x12800] =	vst v4  }
0x9e: {  	[tilespmem:s29+$0xE800] =	vst v5;
	s29 =	smov.u32 s20  }
0x9f: {  	s18 =	sadd.s32 $0x10, s18  }
0xa0: {  	v2 =	vadd.s32 v0, v2  }
0xa1: {  	v4 =	vor.u32 s18, v1;
	v3 =	vadd.s32 v0, v3;
	v2 =	vshll.u32 v2, $0x12  }
0xa2: {  	v3 =	vshll.u32 v3, $0x12;
	v2 =	vadd.s32 v4, v2  }
0xa3: {  	v3 =	vadd.s32 v4, v3;
	[tilespmem:s29+$0x12800] =	vst v2  }
0xa4: {  	s18 =	simm.s32 $0xE800;
	s20 =	simm.s32 $0x16800;
	[tilespmem:s29+$0xE800] =	vst v3  }
0xa5: {  	[tilespmem:s20], [sflag:$0x4] =	stream.indirect.gather [hbm4b:s1+s8], $0x1, s18, s8, $0xb8;
	[tilespmem:$0x1C080] =	vst v63  }
0xa6: {  	s29 =	simm.s32 $0x0  }
0xa7: {  	[tilespmem:s21], [sflag:$0x4] =	stream.indirect.gather [hbm4b:s1+s8], $0x1, s11, s8, $0xb8;
	[tilespmem:$0x1C080] =	vst v63  }
0xa8: {  	v2 =	vld [tilespmem:s29+$0x7000]  }
0xa9: {  	v3 =	vld [tilespmem:s29+$0x3000];
	_ =	sdelay $0x2  }
0xaa: {  	s30 =	simm.s32 $0x40;
	s18 =	rddreg [dreg:$0x17]  }
.LBB2_14:
0xab: {  	s20 =	sshra.s32 s30, $0x2;
	p0 =	sne.s32 s30, $0x1FC0;
	s30 =	sadd.s32 $0x40, s30;
	v4 =	vadd.s32 v0, v2  }
.Ltmp6:
0xac: {  	v5 =	vor.u32 s18, v1;
	v2 =	vld [tilespmem:s20+$0x7000];
	v6 =	vadd.s32 v0, v3;
	v4 =	vshll.u32 v4, $0x12;
	(pc) =	sbr.rel @p0 .LBB2_14-.Ltmp6, $4  }
0xad: {  	v3 =	vld [tilespmem:s20+$0x3000];
	v6 =	vshll.u32 v6, $0x12;
	v4 =	vadd.s32 v5, v4  }
0xae: {  	v5 =	vadd.s32 v5, v6;
	[tilespmem:s29+$0x13000] =	vst v4  }
0xaf: {  	[tilespmem:s29+$0xF000] =	vst v5;
	s29 =	smov.u32 s20  }
0xb0: {  	s18 =	sadd.s32 $0x10, s18  }
0xb1: {  	v2 =	vadd.s32 v0, v2  }
0xb2: {  	v4 =	vor.u32 s18, v1;
	v3 =	vadd.s32 v0, v3;
	v2 =	vshll.u32 v2, $0x12  }
0xb3: {  	v3 =	vshll.u32 v3, $0x12;
	v2 =	vadd.s32 v4, v2  }
0xb4: {  	v3 =	vadd.s32 v4, v3;
	[tilespmem:s29+$0x13000] =	vst v2  }
0xb5: {  	[tilespmem:s29+$0xF000] =	vst v3  }
0xb6: {  	[tilespmem:s13], [sflag:$0x4] =	stream.indirect.gather [hbm4b:s1+s8], $0x1, s12, s8, $0xb8;
	[tilespmem:$0x1C080] =	vst v63  }
0xb7: {  	s29 =	simm.s32 $0x0  }
0xb8: {  	[tilespmem:s15], [sflag:$0x4] =	stream.indirect.gather [hbm4b:s1+s8], $0x1, s14, s8, $0xb8;
	[tilespmem:$0x1C080] =	vst v63  }
0xb9: {  	v2 =	vld [tilespmem:s29+$0x7800]  }
0xba: {  	v3 =	vld [tilespmem:s29+$0x3800];
	_ =	sdelay $0x2  }
0xbb: {  	s30 =	simm.s32 $0x40;
	s18 =	rddreg [dreg:$0x18]  }
.LBB2_16:
0xbc: {  	s20 =	sshra.s32 s30, $0x2;
	p0 =	sne.s32 s30, $0x1FC0;
	s30 =	sadd.s32 $0x40, s30;
	v4 =	vadd.s32 v0, v2  }
.Ltmp7:
0xbd: {  	v5 =	vor.u32 s18, v1;
	v2 =	vld [tilespmem:s20+$0x7800];
	v6 =	vadd.s32 v0, v3;
	v4 =	vshll.u32 v4, $0x12;
	(pc) =	sbr.rel @p0 .LBB2_16-.Ltmp7, $4  }
0xbe: {  	v3 =	vld [tilespmem:s20+$0x3800];
	v6 =	vshll.u32 v6, $0x12;
	v4 =	vadd.s32 v5, v4  }
0xbf: {  	v5 =	vadd.s32 v5, v6;
	[tilespmem:s29+$0x13800] =	vst v4  }
0xc0: {  	[tilespmem:s29+$0xF800] =	vst v5;
	s29 =	smov.u32 s20  }
0xc1: {  	s18 =	sadd.s32 $0x10, s18  }
0xc2: {  	v2 =	vadd.s32 v0, v2  }
0xc3: {  	v4 =	vor.u32 s18, v1;
	v3 =	vadd.s32 v0, v3;
	v2 =	vshll.u32 v2, $0x12  }
0xc4: {  	v3 =	vshll.u32 v3, $0x12;
	v2 =	vadd.s32 v4, v2  }
0xc5: {  	v3 =	vadd.s32 v4, v3;
	[tilespmem:s29+$0x13800] =	vst v2  }
0xc6: {  	[tilespmem:s29+$0xF800] =	vst v3  }
0xc7: {  	[tilespmem:s17], [sflag:$0x4] =	stream.indirect.gather [hbm4b:s1+s8], $0x1, s16, s8, $0xb8;
	[tilespmem:$0x1C080] =	vst v63  }
0xc8: {  	_ = 	snop  }
0xc9: {  	[tilespmem:s6], [sflag:$0x4] =	stream.indirect.gather [hbm4b:s1+s8], $0x1, s25, s8, $0xb8;
	[tilespmem:$0x1C080] =	vst v63  }
0xca: {  	_ =	swait.ge [sflag:s26], $0x800  }
0xcb: {  	[sflag:s26] =	ssyncset.done $0x0  }
0xcc: {  	[sflag:s26] =	ssyncadd.s32 $0xFFFFF800  }
0xcd: {  	_ =	swait.ge [sflag:s26], $0x800  }
0xce: {  	[sflag:s26] =	ssyncset.done $0x0  }
0xcf: {  	s20 =	simm.s32 $0x0;
	[sflag:s26] =	ssyncadd.s32 $0xFFFFF800  }
0xd0: {  	v3 =	vld [tilespmem:s20+$0x14000]  }
0xd1: {  	v5 =	vld [tilespmem:s20+$0x18000];
	_ =	sdelay $0x1  }
0xd2: {  	v4 =	vld [tilespmem:s20+$0x8000]  }
0xd3: {  	s18 =	simm.s32 $0x40;
	v2 =	vimm.f32 $0.0e+00  }
.LBB2_18:
0xd4: {  	s20 =	sshra.s32 s18, $0x2;
	p0 =	sne.s32 s18, $0x1FC0  }
.Ltmp8:
0xd5: {  	s18 =	sadd.s32 $0x40, s18;
	v6 =	vsub.f32 v3, v5;
	v3 =	vld [tilespmem:s20+$0x14000];
	(pc) =	sbr.rel @p0 .LBB2_18-.Ltmp8, $4  }
0xd6: {  	v5 =	vld [tilespmem:s20+$0x18000]  }
0xd7: {  	v6 =	vmul.f32 v4, v6  }
0xd8: {  	v4 =	vld [tilespmem:s20+$0x8000]  }
0xd9: {  	v2 =	vadd.f32 v6, v2  }
0xda: {  	_ =	swait.ge [sflag:s26], $0x800  }
0xdb: {  	[sflag:s26] =	ssyncset.done $0x0  }
0xdc: {  	[sflag:s26] =	ssyncadd.s32 $0xFFFFF800  }
0xdd: {  	_ =	swait.ge [sflag:s26], $0x800  }
0xde: {  	v3 =	vsub.f32 v3, v5;
	[sflag:s26] =	ssyncset.done $0x0  }
0xdf: {  	s20 =	simm.s32 $0x0;
	[sflag:s26] =	ssyncadd.s32 $0xFFFFF800  }
0xe0: {  	v4 =	vmul.f32 v4, v3;
	v3 =	vld [tilespmem:s20+$0x14800]  }
0xe1: {  	v5 =	vld [tilespmem:s20+$0x18800];
	_ =	sdelay $0x1  }
0xe2: {  	v2 =	vadd.f32 v4, v2;
	v4 =	vld [tilespmem:s20+$0x8800]  }
0xe3: {  	s18 =	simm.s32 $0x40  }
.LBB2_20:
0xe4: {  	s20 =	sshra.s32 s18, $0x2;
	p0 =	sne.s32 s18, $0x1FC0  }
.Ltmp9:
0xe5: {  	s18 =	sadd.s32 $0x40, s18;
	v6 =	vsub.f32 v3, v5;
	v3 =	vld [tilespmem:s20+$0x14800];
	(pc) =	sbr.rel @p0 .LBB2_20-.Ltmp9, $4  }
0xe6: {  	v5 =	vld [tilespmem:s20+$0x18800]  }
0xe7: {  	v6 =	vmul.f32 v4, v6  }
0xe8: {  	v4 =	vld [tilespmem:s20+$0x8800]  }
0xe9: {  	v2 =	vadd.f32 v6, v2  }
0xea: {  	_ =	swait.ge [sflag:s26], $0x800  }
0xeb: {  	[sflag:s26] =	ssyncset.done $0x0  }
0xec: {  	[sflag:s26] =	ssyncadd.s32 $0xFFFFF800  }
0xed: {  	_ =	swait.ge [sflag:s26], $0x800  }
0xee: {  	v3 =	vsub.f32 v3, v5;
	[sflag:s26] =	ssyncset.done $0x0  }
0xef: {  	s20 =	simm.s32 $0x0;
	[sflag:s26] =	ssyncadd.s32 $0xFFFFF800  }
0xf0: {  	v4 =	vmul.f32 v4, v3;
	v3 =	vld [tilespmem:s20+$0x15000]  }
0xf1: {  	v5 =	vld [tilespmem:s20+$0x19000];
	_ =	sdelay $0x1  }
0xf2: {  	v2 =	vadd.f32 v4, v2;
	v4 =	vld [tilespmem:s20+$0x9000]  }
0xf3: {  	s18 =	simm.s32 $0x40  }
.LBB2_22:
0xf4: {  	s20 =	sshra.s32 s18, $0x2;
	p0 =	sne.s32 s18, $0x1FC0  }
.Ltmp10:
0xf5: {  	s18 =	sadd.s32 $0x40, s18;
	v6 =	vsub.f32 v3, v5;
	v3 =	vld [tilespmem:s20+$0x15000];
	(pc) =	sbr.rel @p0 .LBB2_22-.Ltmp10, $4  }
0xf6: {  	v5 =	vld [tilespmem:s20+$0x19000]  }
0xf7: {  	v6 =	vmul.f32 v4, v6  }
0xf8: {  	v4 =	vld [tilespmem:s20+$0x9000]  }
0xf9: {  	v2 =	vadd.f32 v6, v2  }
0xfa: {  	_ =	swait.ge [sflag:s26], $0x800  }
0xfb: {  	[sflag:s26] =	ssyncset.done $0x0  }
0xfc: {  	[sflag:s26] =	ssyncadd.s32 $0xFFFFF800  }
0xfd: {  	_ =	swait.ge [sflag:s26], $0x800  }
0xfe: {  	v3 =	vsub.f32 v3, v5;
	[sflag:s26] =	ssyncset.done $0x0  }
0xff: {  	s20 =	simm.s32 $0x0;
	[sflag:s26] =	ssyncadd.s32 $0xFFFFF800  }
0x100: {  	v4 =	vmul.f32 v4, v3;
	v3 =	vld [tilespmem:s20+$0x15800]  }
0x101: {  	v5 =	vld [tilespmem:s20+$0x19800];
	_ =	sdelay $0x1  }
0x102: {  	v2 =	vadd.f32 v4, v2;
	v4 =	vld [tilespmem:s20+$0x9800]  }
0x103: {  	s18 =	simm.s32 $0x40  }
.LBB2_24:
0x104: {  	s20 =	sshra.s32 s18, $0x2;
	p0 =	sne.s32 s18, $0x1FC0  }
.Ltmp11:
0x105: {  	s18 =	sadd.s32 $0x40, s18;
	v6 =	vsub.f32 v3, v5;
	v3 =	vld [tilespmem:s20+$0x15800];
	(pc) =	sbr.rel @p0 .LBB2_24-.Ltmp11, $4  }
0x106: {  	v5 =	vld [tilespmem:s20+$0x19800]  }
0x107: {  	v6 =	vmul.f32 v4, v6  }
0x108: {  	v4 =	vld [tilespmem:s20+$0x9800]  }
0x109: {  	v2 =	vadd.f32 v6, v2  }
0x10a: {  	s18 =	simm.s32 $0x0;
	s20 =	rddreg [dreg:$0xb]  }
0x10b: {  	[tilespmem:s18], [sflag:$0x1] =	stream.linear.gather [hbm4b:s20+s18], $0x2000, $0x38;
	[tilespmem:$0x1C080] =	vst v63  }
0x10c: {  	s29 =	simm.s32 $0x4000;
	s20 =	rddreg [dreg:$0xc]  }
0x10d: {  	[tilespmem:s29], [sflag:$0x1] =	stream.linear.gather [hbm4b:s20+s18], $0x2000, $0x38;
	[tilespmem:$0x1C080] =	vst v63  }
0x10e: {  	s20 =	rddreg [dreg:$0xd];
	s29 =	simm.s32 $0x8000  }
0x10f: {  	[tilespmem:s29], [sflag:$0x1] =	stream.linear.gather [hbm4b:s20+s18], $0x2000, $0x38;
	[tilespmem:$0x1C080] =	vst v63  }
0x110: {  	_ =	swait.ge [sflag:s7], $0x2000  }
0x111: {  	[sflag:s7] =	ssyncset.done $0x0  }
0x112: {  	[sflag:s7] =	ssyncadd.s32 $0xFFFFE000  }
0x113: {  	_ =	swait.ge [sflag:s7], $0x2000  }
0x114: {  	[sflag:s7] =	ssyncset.done $0x0  }
0x115: {  	[sflag:s7] =	ssyncadd.s32 $0xFFFFE000  }
0x116: {  	v3 =	vsub.f32 v3, v5;
	_ =	swait.ge [sflag:s7], $0x2000  }
0x117: {  	[sflag:s7] =	ssyncset.done $0x0  }
0x118: {  	v4 =	vmul.f32 v4, v3;
	s29 =	simm.s32 $0x0;
	[sflag:s7] =	ssyncadd.s32 $0xFFFFE000  }
0x119: {  	v3 =	vld [tilespmem:s29+$0x4000]  }
0x11a: {  	v2 =	vadd.f32 v4, v2;
	v4 =	vld [tilespmem:s29+$0x0];
	_ =	sdelay $0x2  }
0x11b: {  	s30 =	simm.s32 $0x40;
	s18 =	smov.u32 s23  }
.LBB2_26:
0x11c: {  	s20 =	sshra.s32 s30, $0x2;
	p0 =	sne.s32 s30, $0x1FC0;
	s30 =	sadd.s32 $0x40, s30;
	v5 =	vadd.s32 v0, v3  }
.Ltmp12:
0x11d: {  	v6 =	vor.u32 s18, v1;
	v3 =	vld [tilespmem:s20+$0x4000];
	v7 =	vadd.s32 v0, v4;
	v5 =	vshll.u32 v5, $0x12;
	(pc) =	sbr.rel @p0 .LBB2_26-.Ltmp12, $4  }
0x11e: {  	v4 =	vld [tilespmem:s20+$0x0];
	v7 =	vshll.u32 v7, $0x12;
	v5 =	vadd.s32 v6, v5  }
0x11f: {  	v6 =	vadd.s32 v6, v7;
	[tilespmem:s29+$0x10000] =	vst v5  }
0x120: {  	[tilespmem:s29+$0xC000] =	vst v6;
	s29 =	smov.u32 s20  }
0x121: {  	s18 =	sadd.s32 $0x10, s18  }
0x122: {  	v3 =	vadd.s32 v0, v3  }
0x123: {  	v5 =	vor.u32 s18, v1;
	v4 =	vadd.s32 v0, v4;
	v3 =	vshll.u32 v3, $0x12  }
0x124: {  	v4 =	vshll.u32 v4, $0x12;
	v3 =	vadd.s32 v5, v3  }
0x125: {  	v4 =	vadd.s32 v5, v4;
	[tilespmem:s29+$0x10000] =	vst v3  }
0x126: {  	s18 =	simm.s32 $0xC000;
	s20 =	simm.s32 $0x14000;
	[tilespmem:s29+$0xC000] =	vst v4  }
0x127: {  	[tilespmem:s20], [sflag:$0x3] =	stream.indirect.gather [hbm4b:s1+s8], $0x1, s18, s8, $0xb8;
	[tilespmem:$0x1C080] =	vst v63  }
0x128: {  	s29 =	simm.s32 $0x0;
	s18 =	simm.s32 $0x10000;
	s20 =	simm.s32 $0x18000  }
0x129: {  	[tilespmem:s20], [sflag:$0x3] =	stream.indirect.gather [hbm4b:s1+s8], $0x1, s18, s8, $0xb8;
	[tilespmem:$0x1C080] =	vst v63  }
0x12a: {  	v3 =	vld [tilespmem:s29+$0x4800]  }
0x12b: {  	v4 =	vld [tilespmem:s29+$0x800];
	_ =	sdelay $0x2  }
0x12c: {  	s30 =	simm.s32 $0x40;
	s18 =	rddreg [dreg:$0x19]  }
.LBB2_28:
0x12d: {  	s20 =	sshra.s32 s30, $0x2;
	p0 =	sne.s32 s30, $0x1FC0;
	s30 =	sadd.s32 $0x40, s30;
	v5 =	vadd.s32 v0, v3  }
.Ltmp13:
0x12e: {  	v6 =	vor.u32 s18, v1;
	v3 =	vld [tilespmem:s20+$0x4800];
	v7 =	vadd.s32 v0, v4;
	v5 =	vshll.u32 v5, $0x12;
	(pc) =	sbr.rel @p0 .LBB2_28-.Ltmp13, $4  }
0x12f: {  	v4 =	vld [tilespmem:s20+$0x800];
	v7 =	vshll.u32 v7, $0x12;
	v5 =	vadd.s32 v6, v5  }
0x130: {  	v6 =	vadd.s32 v6, v7;
	[tilespmem:s29+$0x10800] =	vst v5  }
0x131: {  	[tilespmem:s29+$0xC800] =	vst v6;
	s29 =	smov.u32 s20  }
0x132: {  	s18 =	sadd.s32 $0x10, s18  }
0x133: {  	v3 =	vadd.s32 v0, v3  }
0x134: {  	v5 =	vor.u32 s18, v1;
	v4 =	vadd.s32 v0, v4;
	v3 =	vshll.u32 v3, $0x12  }
0x135: {  	v4 =	vshll.u32 v4, $0x12;
	v3 =	vadd.s32 v5, v3  }
0x136: {  	v4 =	vadd.s32 v5, v4;
	[tilespmem:s29+$0x10800] =	vst v3  }
0x137: {  	s18 =	simm.s32 $0xC800;
	s20 =	simm.s32 $0x14800;
	[tilespmem:s29+$0xC800] =	vst v4  }
0x138: {  	[tilespmem:s20], [sflag:$0x3] =	stream.indirect.gather [hbm4b:s1+s8], $0x1, s18, s8, $0xb8;
	[tilespmem:$0x1C080] =	vst v63  }
0x139: {  	s29 =	simm.s32 $0x0;
	s18 =	simm.s32 $0x10800;
	s20 =	simm.s32 $0x18800  }
0x13a: {  	[tilespmem:s20], [sflag:$0x3] =	stream.indirect.gather [hbm4b:s1+s8], $0x1, s18, s8, $0xb8;
	[tilespmem:$0x1C080] =	vst v63  }
0x13b: {  	v3 =	vld [tilespmem:s29+$0x5000]  }
0x13c: {  	v4 =	vld [tilespmem:s29+$0x1000];
	_ =	sdelay $0x2  }
0x13d: {  	s30 =	simm.s32 $0x40;
	s18 =	rddreg [dreg:$0x1a]  }
.LBB2_30:
0x13e: {  	s20 =	sshra.s32 s30, $0x2;
	p0 =	sne.s32 s30, $0x1FC0;
	s30 =	sadd.s32 $0x40, s30;
	v5 =	vadd.s32 v0, v3  }
.Ltmp14:
0x13f: {  	v6 =	vor.u32 s18, v1;
	v3 =	vld [tilespmem:s20+$0x5000];
	v7 =	vadd.s32 v0, v4;
	v5 =	vshll.u32 v5, $0x12;
	(pc) =	sbr.rel @p0 .LBB2_30-.Ltmp14, $4  }
0x140: {  	v4 =	vld [tilespmem:s20+$0x1000];
	v7 =	vshll.u32 v7, $0x12;
	v5 =	vadd.s32 v6, v5  }
0x141: {  	v6 =	vadd.s32 v6, v7;
	[tilespmem:s29+$0x11000] =	vst v5  }
0x142: {  	[tilespmem:s29+$0xD000] =	vst v6;
	s29 =	smov.u32 s20  }
0x143: {  	s18 =	sadd.s32 $0x10, s18  }
0x144: {  	v3 =	vadd.s32 v0, v3  }
0x145: {  	v5 =	vor.u32 s18, v1;
	v4 =	vadd.s32 v0, v4;
	v3 =	vshll.u32 v3, $0x12  }
0x146: {  	v4 =	vshll.u32 v4, $0x12;
	v3 =	vadd.s32 v5, v3  }
0x147: {  	v4 =	vadd.s32 v5, v4;
	[tilespmem:s29+$0x11000] =	vst v3  }
0x148: {  	s18 =	simm.s32 $0xD000;
	s20 =	simm.s32 $0x15000;
	[tilespmem:s29+$0xD000] =	vst v4  }
0x149: {  	[tilespmem:s20], [sflag:$0x3] =	stream.indirect.gather [hbm4b:s1+s8], $0x1, s18, s8, $0xb8;
	[tilespmem:$0x1C080] =	vst v63  }
0x14a: {  	s29 =	simm.s32 $0x0;
	s18 =	simm.s32 $0x11000;
	s20 =	simm.s32 $0x19000  }
0x14b: {  	[tilespmem:s20], [sflag:$0x3] =	stream.indirect.gather [hbm4b:s1+s8], $0x1, s18, s8, $0xb8;
	[tilespmem:$0x1C080] =	vst v63  }
0x14c: {  	v3 =	vld [tilespmem:s29+$0x5800]  }
0x14d: {  	v4 =	vld [tilespmem:s29+$0x1800];
	_ =	sdelay $0x2  }
0x14e: {  	s30 =	simm.s32 $0x40;
	s18 =	smov.u32 s31  }
.LBB2_32:
0x14f: {  	s20 =	sshra.s32 s30, $0x2;
	p0 =	sne.s32 s30, $0x1FC0;
	s30 =	sadd.s32 $0x40, s30;
	v5 =	vadd.s32 v0, v3  }
.Ltmp15:
0x150: {  	v6 =	vor.u32 s18, v1;
	v3 =	vld [tilespmem:s20+$0x5800];
	v7 =	vadd.s32 v0, v4;
	v5 =	vshll.u32 v5, $0x12;
	(pc) =	sbr.rel @p0 .LBB2_32-.Ltmp15, $4  }
0x151: {  	v4 =	vld [tilespmem:s20+$0x1800];
	v7 =	vshll.u32 v7, $0x12;
	v5 =	vadd.s32 v6, v5  }
0x152: {  	v6 =	vadd.s32 v6, v7;
	[tilespmem:s29+$0x11800] =	vst v5  }
0x153: {  	[tilespmem:s29+$0xD800] =	vst v6;
	s29 =	smov.u32 s20  }
0x154: {  	s18 =	sadd.s32 $0x10, s18  }
0x155: {  	v3 =	vadd.s32 v0, v3  }
0x156: {  	v5 =	vor.u32 s18, v1;
	v4 =	vadd.s32 v0, v4;
	v3 =	vshll.u32 v3, $0x12  }
0x157: {  	v4 =	vshll.u32 v4, $0x12;
	v3 =	vadd.s32 v5, v3  }
0x158: {  	v4 =	vadd.s32 v5, v4;
	[tilespmem:s29+$0x11800] =	vst v3  }
0x159: {  	s30 =	simm.s32 $0xD800;
	s20 =	simm.s32 $0x15800;
	[tilespmem:s29+$0xD800] =	vst v4  }
0x15a: {  	[tilespmem:s20], [sflag:$0x3] =	stream.indirect.gather [hbm4b:s1+s8], $0x1, s30, s8, $0xb8;
	[tilespmem:$0x1C080] =	vst v63  }
0x15b: {  	s29 =	simm.s32 $0x19800;
	s20 =	simm.s32 $0x11800  }
0x15c: {  	[tilespmem:s29], [sflag:$0x3] =	stream.indirect.gather [hbm4b:s1+s8], $0x1, s20, s8, $0xb8;
	[tilespmem:$0x1C080] =	vst v63  }
0x15d: {  	_ =	swait.ge [sflag:s9], $0x800  }
0x15e: {  	[sflag:s9] =	ssyncset.done $0x0  }
0x15f: {  	[sflag:s9] =	ssyncadd.s32 $0xFFFFF800  }
0x160: {  	_ =	swait.ge [sflag:s9], $0x800  }
0x161: {  	[sflag:s9] =	ssyncset.done $0x0  }
0x162: {  	s30 =	simm.s32 $0x0;
	[sflag:s9] =	ssyncadd.s32 $0xFFFFF800  }
0x163: {  	v3 =	vld [tilespmem:s30+$0x16000]  }
0x164: {  	v5 =	vld [tilespmem:s30+$0x1A000];
	_ =	sdelay $0x1  }
0x165: {  	v4 =	vld [tilespmem:s30+$0xA000]  }
0x166: {  	s18 =	simm.s32 $0x40  }
.LBB2_34:
0x167: {  	s20 =	sshra.s32 s18, $0x2;
	p0 =	sne.s32 s18, $0x1FC0  }
.Ltmp16:
0x168: {  	s18 =	sadd.s32 $0x40, s18;
	v6 =	vsub.f32 v3, v5;
	v3 =	vld [tilespmem:s20+$0x16000];
	(pc) =	sbr.rel @p0 .LBB2_34-.Ltmp16, $4  }
0x169: {  	v5 =	vld [tilespmem:s20+$0x1A000]  }
0x16a: {  	v6 =	vmul.f32 v4, v6  }
0x16b: {  	v4 =	vld [tilespmem:s20+$0xA000]  }
0x16c: {  	v2 =	vadd.f32 v6, v2  }
0x16d: {  	_ =	swait.ge [sflag:s9], $0x800  }
0x16e: {  	[sflag:s9] =	ssyncset.done $0x0  }
0x16f: {  	[sflag:s9] =	ssyncadd.s32 $0xFFFFF800  }
0x170: {  	_ =	swait.ge [sflag:s9], $0x800  }
0x171: {  	v3 =	vsub.f32 v3, v5;
	[sflag:s9] =	ssyncset.done $0x0  }
0x172: {  	s20 =	simm.s32 $0x0;
	[sflag:s9] =	ssyncadd.s32 $0xFFFFF800  }
0x173: {  	v4 =	vmul.f32 v4, v3;
	v3 =	vld [tilespmem:s20+$0x16800]  }
0x174: {  	v5 =	vld [tilespmem:s20+$0x1A800];
	_ =	sdelay $0x1  }
0x175: {  	v2 =	vadd.f32 v4, v2;
	v4 =	vld [tilespmem:s20+$0xA800]  }
0x176: {  	s18 =	simm.s32 $0x40  }
.LBB2_36:
0x177: {  	s20 =	sshra.s32 s18, $0x2;
	p0 =	sne.s32 s18, $0x1FC0  }
.Ltmp17:
0x178: {  	s18 =	sadd.s32 $0x40, s18;
	v6 =	vsub.f32 v3, v5;
	v3 =	vld [tilespmem:s20+$0x16800];
	(pc) =	sbr.rel @p0 .LBB2_36-.Ltmp17, $4  }
0x179: {  	v5 =	vld [tilespmem:s20+$0x1A800]  }
0x17a: {  	v6 =	vmul.f32 v4, v6  }
0x17b: {  	v4 =	vld [tilespmem:s20+$0xA800]  }
0x17c: {  	v2 =	vadd.f32 v6, v2  }
0x17d: {  	_ =	swait.ge [sflag:s9], $0x800  }
0x17e: {  	[sflag:s9] =	ssyncset.done $0x0  }
0x17f: {  	[sflag:s9] =	ssyncadd.s32 $0xFFFFF800  }
0x180: {  	_ =	swait.ge [sflag:s9], $0x800  }
0x181: {  	v3 =	vsub.f32 v3, v5;
	[sflag:s9] =	ssyncset.done $0x0  }
0x182: {  	s20 =	simm.s32 $0x0;
	[sflag:s9] =	ssyncadd.s32 $0xFFFFF800  }
0x183: {  	v4 =	vmul.f32 v4, v3;
	v3 =	vld [tilespmem:s20+$0x17000]  }
0x184: {  	v5 =	vld [tilespmem:s20+$0x1B000];
	_ =	sdelay $0x1  }
0x185: {  	v2 =	vadd.f32 v4, v2;
	v4 =	vld [tilespmem:s20+$0xB000]  }
0x186: {  	s18 =	simm.s32 $0x40  }
.LBB2_38:
0x187: {  	s20 =	sshra.s32 s18, $0x2;
	p0 =	sne.s32 s18, $0x1FC0  }
.Ltmp18:
0x188: {  	s18 =	sadd.s32 $0x40, s18;
	v6 =	vsub.f32 v3, v5;
	v3 =	vld [tilespmem:s20+$0x17000];
	(pc) =	sbr.rel @p0 .LBB2_38-.Ltmp18, $4  }
0x189: {  	v5 =	vld [tilespmem:s20+$0x1B000]  }
0x18a: {  	v6 =	vmul.f32 v4, v6  }
0x18b: {  	v4 =	vld [tilespmem:s20+$0xB000]  }
0x18c: {  	v2 =	vadd.f32 v6, v2  }
0x18d: {  	_ =	swait.ge [sflag:s9], $0x800  }
0x18e: {  	[sflag:s9] =	ssyncset.done $0x0  }
0x18f: {  	[sflag:s9] =	ssyncadd.s32 $0xFFFFF800  }
0x190: {  	_ =	swait.ge [sflag:s9], $0x800  }
0x191: {  	v3 =	vsub.f32 v3, v5;
	[sflag:s9] =	ssyncset.done $0x0  }
0x192: {  	s20 =	simm.s32 $0x0;
	[sflag:s9] =	ssyncadd.s32 $0xFFFFF800  }
0x193: {  	v4 =	vmul.f32 v4, v3;
	v3 =	vld [tilespmem:s20+$0x17800]  }
0x194: {  	v5 =	vld [tilespmem:s20+$0x1B800];
	_ =	sdelay $0x1  }
0x195: {  	v2 =	vadd.f32 v4, v2;
	v4 =	vld [tilespmem:s20+$0xB800]  }
0x196: {  	s18 =	simm.s32 $0x40  }
.LBB2_40:
0x197: {  	s20 =	sshra.s32 s18, $0x2;
	p0 =	sne.s32 s18, $0x1FC0  }
.Ltmp19:
0x198: {  	s18 =	sadd.s32 $0x40, s18;
	v6 =	vsub.f32 v3, v5;
	v3 =	vld [tilespmem:s20+$0x17800];
	(pc) =	sbr.rel @p0 .LBB2_40-.Ltmp19, $4  }
0x199: {  	v5 =	vld [tilespmem:s20+$0x1B800]  }
0x19a: {  	v6 =	vmul.f32 v4, v6  }
0x19b: {  	v4 =	vld [tilespmem:s20+$0xB800]  }
0x19c: {  	v2 =	vadd.f32 v6, v2  }
0x19d: {  	s18 =	simm.s32 $0x0;
	s20 =	rddreg [dreg:$0xe];
	s29 =	simm.s32 $0x2000  }
0x19e: {  	[tilespmem:s29], [sflag:$0x2] =	stream.linear.gather [hbm4b:s20+s18], $0x2000, $0x38;
	[tilespmem:$0x1C080] =	vst v63  }
0x19f: {  	s20 =	rddreg [dreg:$0xf];
	s29 =	simm.s32 $0x6000  }
0x1a0: {  	[tilespmem:s29], [sflag:$0x2] =	stream.linear.gather [hbm4b:s20+s18], $0x2000, $0x38;
	[tilespmem:$0x1C080] =	vst v63  }
0x1a1: {  	s20 =	rddreg [dreg:$0x10];
	s29 =	simm.s32 $0xA000  }
0x1a2: {  	[tilespmem:s29], [sflag:$0x2] =	stream.linear.gather [hbm4b:s20+s18], $0x2000, $0x38;
	[tilespmem:$0x1C080] =	vst v63  }
0x1a3: {  	_ =	swait.ge [sflag:s5], $0x2000  }
0x1a4: {  	[sflag:s5] =	ssyncset.done $0x0  }
0x1a5: {  	[sflag:s5] =	ssyncadd.s32 $0xFFFFE000  }
0x1a6: {  	_ =	swait.ge [sflag:s5], $0x2000  }
0x1a7: {  	[sflag:s5] =	ssyncset.done $0x0  }
0x1a8: {  	[sflag:s5] =	ssyncadd.s32 $0xFFFFE000  }
0x1a9: {  	v3 =	vsub.f32 v3, v5;
	_ =	swait.ge [sflag:s5], $0x2000  }
0x1aa: {  	[sflag:s5] =	ssyncset.done $0x0  }
0x1ab: {  	v4 =	vmul.f32 v4, v3;
	s29 =	simm.s32 $0x0;
	[sflag:s5] =	ssyncadd.s32 $0xFFFFE000  }
0x1ac: {  	v3 =	vld [tilespmem:s29+$0x6000]  }
0x1ad: {  	v2 =	vadd.f32 v4, v2;
	v4 =	vld [tilespmem:s29+$0x2000];
	_ =	sdelay $0x2  }
0x1ae: {  	s30 =	simm.s32 $0x40;
	s18 =	smov.u32 s24  }
.LBB2_42:
0x1af: {  	s20 =	sshra.s32 s30, $0x2;
	p0 =	sne.s32 s30, $0x1FC0;
	s30 =	sadd.s32 $0x40, s30;
	v5 =	vadd.s32 v0, v3  }
.Ltmp20:
0x1b0: {  	v6 =	vor.u32 s18, v1;
	v3 =	vld [tilespmem:s20+$0x6000];
	v7 =	vadd.s32 v0, v4;
	v5 =	vshll.u32 v5, $0x12;
	(pc) =	sbr.rel @p0 .LBB2_42-.Ltmp20, $4  }
0x1b1: {  	v4 =	vld [tilespmem:s20+$0x2000];
	v7 =	vshll.u32 v7, $0x12;
	v5 =	vadd.s32 v6, v5  }
0x1b2: {  	v6 =	vadd.s32 v6, v7;
	[tilespmem:s29+$0x12000] =	vst v5  }
0x1b3: {  	[tilespmem:s29+$0xE000] =	vst v6;
	s29 =	smov.u32 s20  }
0x1b4: {  	s18 =	sadd.s32 $0x10, s18  }
0x1b5: {  	v3 =	vadd.s32 v0, v3  }
0x1b6: {  	v5 =	vor.u32 s18, v1;
	v4 =	vadd.s32 v0, v4;
	v3 =	vshll.u32 v3, $0x12  }
0x1b7: {  	v4 =	vshll.u32 v4, $0x12;
	v3 =	vadd.s32 v5, v3  }
0x1b8: {  	v4 =	vadd.s32 v5, v4;
	[tilespmem:s29+$0x12000] =	vst v3  }
0x1b9: {  	s18 =	simm.s32 $0xE000;
	s20 =	simm.s32 $0x16000;
	[tilespmem:s29+$0xE000] =	vst v4  }
0x1ba: {  	[tilespmem:s20], [sflag:$0x4] =	stream.indirect.gather [hbm4b:s1+s8], $0x1, s18, s8, $0xb8;
	[tilespmem:$0x1C080] =	vst v63  }
0x1bb: {  	s29 =	simm.s32 $0x0;
	s18 =	simm.s32 $0x12000;
	s20 =	simm.s32 $0x1A000  }
0x1bc: {  	[tilespmem:s20], [sflag:$0x4] =	stream.indirect.gather [hbm4b:s1+s8], $0x1, s18, s8, $0xb8;
	[tilespmem:$0x1C080] =	vst v63  }
0x1bd: {  	v3 =	vld [tilespmem:s29+$0x6800]  }
0x1be: {  	v4 =	vld [tilespmem:s29+$0x2800];
	_ =	sdelay $0x2  }
0x1bf: {  	s30 =	simm.s32 $0x40;
	s18 =	smov.u32 s0  }
.LBB2_44:
0x1c0: {  	s20 =	sshra.s32 s30, $0x2;
	p0 =	sne.s32 s30, $0x1FC0;
	s30 =	sadd.s32 $0x40, s30;
	v5 =	vadd.s32 v0, v3  }
.Ltmp21:
0x1c1: {  	v6 =	vor.u32 s18, v1;
	v3 =	vld [tilespmem:s20+$0x6800];
	v7 =	vadd.s32 v0, v4;
	v5 =	vshll.u32 v5, $0x12;
	(pc) =	sbr.rel @p0 .LBB2_44-.Ltmp21, $4  }
0x1c2: {  	v4 =	vld [tilespmem:s20+$0x2800];
	v7 =	vshll.u32 v7, $0x12;
	v5 =	vadd.s32 v6, v5  }
0x1c3: {  	v6 =	vadd.s32 v6, v7;
	[tilespmem:s29+$0x12800] =	vst v5  }
0x1c4: {  	[tilespmem:s29+$0xE800] =	vst v6;
	s29 =	smov.u32 s20  }
0x1c5: {  	s18 =	sadd.s32 $0x10, s18  }
0x1c6: {  	v3 =	vadd.s32 v0, v3  }
0x1c7: {  	v5 =	vor.u32 s18, v1;
	v4 =	vadd.s32 v0, v4;
	v3 =	vshll.u32 v3, $0x12  }
0x1c8: {  	v4 =	vshll.u32 v4, $0x12;
	v3 =	vadd.s32 v5, v3  }
0x1c9: {  	v4 =	vadd.s32 v5, v4;
	[tilespmem:s29+$0x12800] =	vst v3  }
0x1ca: {  	s18 =	simm.s32 $0xE800;
	s20 =	simm.s32 $0x16800;
	[tilespmem:s29+$0xE800] =	vst v4  }
0x1cb: {  	[tilespmem:s20], [sflag:$0x4] =	stream.indirect.gather [hbm4b:s1+s8], $0x1, s18, s8, $0xb8;
	[tilespmem:$0x1C080] =	vst v63  }
0x1cc: {  	s29 =	simm.s32 $0x0  }
0x1cd: {  	[tilespmem:s21], [sflag:$0x4] =	stream.indirect.gather [hbm4b:s1+s8], $0x1, s11, s8, $0xb8;
	[tilespmem:$0x1C080] =	vst v63  }
0x1ce: {  	v3 =	vld [tilespmem:s29+$0x7000]  }
0x1cf: {  	v4 =	vld [tilespmem:s29+$0x3000];
	_ =	sdelay $0x2  }
0x1d0: {  	s30 =	simm.s32 $0x40;
	s18 =	smov.u32 s2  }
.LBB2_46:
0x1d1: {  	s20 =	sshra.s32 s30, $0x2;
	p0 =	sne.s32 s30, $0x1FC0;
	s30 =	sadd.s32 $0x40, s30;
	v5 =	vadd.s32 v0, v3  }
.Ltmp22:
0x1d2: {  	v6 =	vor.u32 s18, v1;
	v3 =	vld [tilespmem:s20+$0x7000];
	v7 =	vadd.s32 v0, v4;
	v5 =	vshll.u32 v5, $0x12;
	(pc) =	sbr.rel @p0 .LBB2_46-.Ltmp22, $4  }
0x1d3: {  	v4 =	vld [tilespmem:s20+$0x3000];
	v7 =	vshll.u32 v7, $0x12;
	v5 =	vadd.s32 v6, v5  }
0x1d4: {  	v6 =	vadd.s32 v6, v7;
	[tilespmem:s29+$0x13000] =	vst v5  }
0x1d5: {  	[tilespmem:s29+$0xF000] =	vst v6;
	s29 =	smov.u32 s20  }
0x1d6: {  	s18 =	sadd.s32 $0x10, s18  }
0x1d7: {  	v3 =	vadd.s32 v0, v3  }
0x1d8: {  	v5 =	vor.u32 s18, v1;
	v4 =	vadd.s32 v0, v4;
	v3 =	vshll.u32 v3, $0x12  }
0x1d9: {  	v4 =	vshll.u32 v4, $0x12;
	v3 =	vadd.s32 v5, v3  }
0x1da: {  	v4 =	vadd.s32 v5, v4;
	[tilespmem:s29+$0x13000] =	vst v3  }
0x1db: {  	[tilespmem:s29+$0xF000] =	vst v4  }
0x1dc: {  	[tilespmem:s13], [sflag:$0x4] =	stream.indirect.gather [hbm4b:s1+s8], $0x1, s12, s8, $0xb8;
	[tilespmem:$0x1C080] =	vst v63  }
0x1dd: {  	s29 =	simm.s32 $0x0  }
0x1de: {  	[tilespmem:s15], [sflag:$0x4] =	stream.indirect.gather [hbm4b:s1+s8], $0x1, s14, s8, $0xb8;
	[tilespmem:$0x1C080] =	vst v63  }
0x1df: {  	v3 =	vld [tilespmem:s29+$0x7800]  }
0x1e0: {  	v4 =	vld [tilespmem:s29+$0x3800];
	_ =	sdelay $0x2  }
0x1e1: {  	s30 =	simm.s32 $0x40;
	s18 =	smov.u32 s4  }
.LBB2_48:
0x1e2: {  	s20 =	sshra.s32 s30, $0x2;
	p0 =	sne.s32 s30, $0x1FC0;
	s30 =	sadd.s32 $0x40, s30;
	v5 =	vadd.s32 v0, v3  }
.Ltmp23:
0x1e3: {  	v6 =	vor.u32 s18, v1;
	v3 =	vld [tilespmem:s20+$0x7800];
	v7 =	vadd.s32 v0, v4;
	v5 =	vshll.u32 v5, $0x12;
	(pc) =	sbr.rel @p0 .LBB2_48-.Ltmp23, $4  }
0x1e4: {  	v4 =	vld [tilespmem:s20+$0x3800];
	v7 =	vshll.u32 v7, $0x12;
	v5 =	vadd.s32 v6, v5  }
0x1e5: {  	v6 =	vadd.s32 v6, v7;
	[tilespmem:s29+$0x13800] =	vst v5  }
0x1e6: {  	[tilespmem:s29+$0xF800] =	vst v6;
	s29 =	smov.u32 s20  }
0x1e7: {  	s18 =	sadd.s32 $0x10, s18  }
0x1e8: {  	v3 =	vadd.s32 v0, v3  }
0x1e9: {  	v5 =	vor.u32 s18, v1;
	v4 =	vadd.s32 v0, v4;
	v3 =	vshll.u32 v3, $0x12  }
0x1ea: {  	v4 =	vshll.u32 v4, $0x12;
	v3 =	vadd.s32 v5, v3  }
0x1eb: {  	v4 =	vadd.s32 v5, v4;
	[tilespmem:s29+$0x13800] =	vst v3  }
0x1ec: {  	[tilespmem:s29+$0xF800] =	vst v4  }
0x1ed: {  	[tilespmem:s17], [sflag:$0x4] =	stream.indirect.gather [hbm4b:s1+s8], $0x1, s16, s8, $0xb8;
	[tilespmem:$0x1C080] =	vst v63  }
0x1ee: {  	_ = 	snop  }
0x1ef: {  	[tilespmem:s6], [sflag:$0x4] =	stream.indirect.gather [hbm4b:s1+s8], $0x1, s25, s8, $0xb8;
	[tilespmem:$0x1C080] =	vst v63  }
0x1f0: {  	_ =	swait.ge [sflag:s26], $0x800  }
0x1f1: {  	[sflag:s26] =	ssyncset.done $0x0  }
0x1f2: {  	[sflag:s26] =	ssyncadd.s32 $0xFFFFF800  }
0x1f3: {  	_ =	swait.ge [sflag:s26], $0x800  }
0x1f4: {  	[sflag:s26] =	ssyncset.done $0x0  }
0x1f5: {  	s20 =	simm.s32 $0x0;
	[sflag:s26] =	ssyncadd.s32 $0xFFFFF800  }
0x1f6: {  	v3 =	vld [tilespmem:s20+$0x14000]  }
0x1f7: {  	v5 =	vld [tilespmem:s20+$0x18000];
	_ =	sdelay $0x1  }
0x1f8: {  	v4 =	vld [tilespmem:s20+$0x8000]  }
0x1f9: {  	s18 =	simm.s32 $0x40  }
.LBB2_50:
0x1fa: {  	s20 =	sshra.s32 s18, $0x2;
	p0 =	sne.s32 s18, $0x1FC0  }
.Ltmp24:
0x1fb: {  	s18 =	sadd.s32 $0x40, s18;
	v6 =	vsub.f32 v3, v5;
	v3 =	vld [tilespmem:s20+$0x14000];
	(pc) =	sbr.rel @p0 .LBB2_50-.Ltmp24, $4  }
0x1fc: {  	v5 =	vld [tilespmem:s20+$0x18000]  }
0x1fd: {  	v6 =	vmul.f32 v4, v6  }
0x1fe: {  	v4 =	vld [tilespmem:s20+$0x8000]  }
0x1ff: {  	v2 =	vadd.f32 v6, v2  }
0x200: {  	_ =	swait.ge [sflag:s26], $0x800  }
0x201: {  	[sflag:s26] =	ssyncset.done $0x0  }
0x202: {  	[sflag:s26] =	ssyncadd.s32 $0xFFFFF800  }
0x203: {  	_ =	swait.ge [sflag:s26], $0x800  }
0x204: {  	v3 =	vsub.f32 v3, v5;
	[sflag:s26] =	ssyncset.done $0x0  }
0x205: {  	s20 =	simm.s32 $0x0;
	[sflag:s26] =	ssyncadd.s32 $0xFFFFF800  }
0x206: {  	v4 =	vmul.f32 v4, v3;
	v3 =	vld [tilespmem:s20+$0x14800]  }
0x207: {  	v5 =	vld [tilespmem:s20+$0x18800];
	_ =	sdelay $0x1  }
0x208: {  	v2 =	vadd.f32 v4, v2;
	v4 =	vld [tilespmem:s20+$0x8800]  }
0x209: {  	s18 =	simm.s32 $0x40  }
.LBB2_52:
0x20a: {  	s20 =	sshra.s32 s18, $0x2;
	p0 =	sne.s32 s18, $0x1FC0  }
.Ltmp25:
0x20b: {  	s18 =	sadd.s32 $0x40, s18;
	v6 =	vsub.f32 v3, v5;
	v3 =	vld [tilespmem:s20+$0x14800];
	(pc) =	sbr.rel @p0 .LBB2_52-.Ltmp25, $4  }
0x20c: {  	v5 =	vld [tilespmem:s20+$0x18800]  }
0x20d: {  	v6 =	vmul.f32 v4, v6  }
0x20e: {  	v4 =	vld [tilespmem:s20+$0x8800]  }
0x20f: {  	v2 =	vadd.f32 v6, v2  }
0x210: {  	_ =	swait.ge [sflag:s26], $0x800  }
0x211: {  	[sflag:s26] =	ssyncset.done $0x0  }
0x212: {  	[sflag:s26] =	ssyncadd.s32 $0xFFFFF800  }
0x213: {  	_ =	swait.ge [sflag:s26], $0x800  }
0x214: {  	v3 =	vsub.f32 v3, v5;
	[sflag:s26] =	ssyncset.done $0x0  }
0x215: {  	s20 =	simm.s32 $0x0;
	[sflag:s26] =	ssyncadd.s32 $0xFFFFF800  }
0x216: {  	v4 =	vmul.f32 v4, v3;
	v3 =	vld [tilespmem:s20+$0x15000]  }
0x217: {  	v5 =	vld [tilespmem:s20+$0x19000];
	_ =	sdelay $0x1  }
0x218: {  	v2 =	vadd.f32 v4, v2;
	v4 =	vld [tilespmem:s20+$0x9000]  }
0x219: {  	s18 =	simm.s32 $0x40  }
.LBB2_54:
0x21a: {  	s20 =	sshra.s32 s18, $0x2;
	p0 =	sne.s32 s18, $0x1FC0  }
.Ltmp26:
0x21b: {  	s18 =	sadd.s32 $0x40, s18;
	v6 =	vsub.f32 v3, v5;
	v3 =	vld [tilespmem:s20+$0x15000];
	(pc) =	sbr.rel @p0 .LBB2_54-.Ltmp26, $4  }
0x21c: {  	v5 =	vld [tilespmem:s20+$0x19000]  }
0x21d: {  	v6 =	vmul.f32 v4, v6  }
0x21e: {  	v4 =	vld [tilespmem:s20+$0x9000]  }
0x21f: {  	v2 =	vadd.f32 v6, v2  }
0x220: {  	_ =	swait.ge [sflag:s26], $0x800  }
0x221: {  	[sflag:s26] =	ssyncset.done $0x0  }
0x222: {  	[sflag:s26] =	ssyncadd.s32 $0xFFFFF800  }
0x223: {  	_ =	swait.ge [sflag:s26], $0x800  }
0x224: {  	v3 =	vsub.f32 v3, v5;
	[sflag:s26] =	ssyncset.done $0x0  }
0x225: {  	s20 =	simm.s32 $0x0;
	[sflag:s26] =	ssyncadd.s32 $0xFFFFF800  }
0x226: {  	v4 =	vmul.f32 v4, v3;
	v3 =	vld [tilespmem:s20+$0x15800]  }
0x227: {  	v5 =	vld [tilespmem:s20+$0x19800];
	_ =	sdelay $0x1  }
0x228: {  	v2 =	vadd.f32 v4, v2;
	v4 =	vld [tilespmem:s20+$0x9800]  }
0x229: {  	s18 =	simm.s32 $0x40  }
.LBB2_56:
0x22a: {  	s20 =	sshra.s32 s18, $0x2;
	p0 =	sne.s32 s18, $0x1FC0  }
.Ltmp27:
0x22b: {  	s18 =	sadd.s32 $0x40, s18;
	v6 =	vsub.f32 v3, v5;
	v3 =	vld [tilespmem:s20+$0x15800];
	(pc) =	sbr.rel @p0 .LBB2_56-.Ltmp27, $4  }
0x22c: {  	v5 =	vld [tilespmem:s20+$0x19800]  }
0x22d: {  	v6 =	vmul.f32 v4, v6  }
0x22e: {  	v4 =	vld [tilespmem:s20+$0x9800]  }
0x22f: {  	v2 =	vadd.f32 v6, v2  }
0x230: {  	_ =	swait.ge [sflag:s9], $0x800  }
0x231: {  	[sflag:s9] =	ssyncset.done $0x0  }
0x232: {  	[sflag:s9] =	ssyncadd.s32 $0xFFFFF800  }
0x233: {  	_ =	swait.ge [sflag:s9], $0x800  }
0x234: {  	v3 =	vsub.f32 v3, v5;
	[sflag:s9] =	ssyncset.done $0x0  }
0x235: {  	s20 =	simm.s32 $0x0;
	[sflag:s9] =	ssyncadd.s32 $0xFFFFF800  }
0x236: {  	v4 =	vmul.f32 v4, v3;
	v3 =	vld [tilespmem:s20+$0x16000]  }
0x237: {  	v5 =	vld [tilespmem:s20+$0x1A000];
	_ =	sdelay $0x1  }
0x238: {  	v2 =	vadd.f32 v4, v2;
	v4 =	vld [tilespmem:s20+$0xA000]  }
0x239: {  	s18 =	simm.s32 $0x40  }
.LBB2_58:
0x23a: {  	s20 =	sshra.s32 s18, $0x2;
	p0 =	sne.s32 s18, $0x1FC0  }
.Ltmp28:
0x23b: {  	s18 =	sadd.s32 $0x40, s18;
	v6 =	vsub.f32 v3, v5;
	v3 =	vld [tilespmem:s20+$0x16000];
	(pc) =	sbr.rel @p0 .LBB2_58-.Ltmp28, $4  }
0x23c: {  	v5 =	vld [tilespmem:s20+$0x1A000]  }
0x23d: {  	v6 =	vmul.f32 v4, v6  }
0x23e: {  	v4 =	vld [tilespmem:s20+$0xA000]  }
0x23f: {  	v2 =	vadd.f32 v6, v2  }
0x240: {  	_ =	swait.ge [sflag:s9], $0x800  }
0x241: {  	[sflag:s9] =	ssyncset.done $0x0  }
0x242: {  	[sflag:s9] =	ssyncadd.s32 $0xFFFFF800  }
0x243: {  	_ =	swait.ge [sflag:s9], $0x800  }
0x244: {  	v3 =	vsub.f32 v3, v5;
	[sflag:s9] =	ssyncset.done $0x0  }
0x245: {  	s20 =	simm.s32 $0x0;
	[sflag:s9] =	ssyncadd.s32 $0xFFFFF800  }
0x246: {  	v4 =	vmul.f32 v4, v3;
	v3 =	vld [tilespmem:s20+$0x16800]  }
0x247: {  	v5 =	vld [tilespmem:s20+$0x1A800];
	_ =	sdelay $0x1  }
0x248: {  	v2 =	vadd.f32 v4, v2;
	v4 =	vld [tilespmem:s20+$0xA800]  }
0x249: {  	s18 =	simm.s32 $0x40  }
.LBB2_60:
0x24a: {  	s20 =	sshra.s32 s18, $0x2;
	p0 =	sne.s32 s18, $0x1FC0  }
.Ltmp29:
0x24b: {  	s18 =	sadd.s32 $0x40, s18;
	v6 =	vsub.f32 v3, v5;
	v3 =	vld [tilespmem:s20+$0x16800];
	(pc) =	sbr.rel @p0 .LBB2_60-.Ltmp29, $4  }
0x24c: {  	v5 =	vld [tilespmem:s20+$0x1A800]  }
0x24d: {  	v6 =	vmul.f32 v4, v6  }
0x24e: {  	v4 =	vld [tilespmem:s20+$0xA800]  }
0x24f: {  	v2 =	vadd.f32 v6, v2  }
0x250: {  	_ =	swait.ge [sflag:s9], $0x800  }
0x251: {  	[sflag:s9] =	ssyncset.done $0x0  }
0x252: {  	[sflag:s9] =	ssyncadd.s32 $0xFFFFF800  }
0x253: {  	_ =	swait.ge [sflag:s9], $0x800  }
0x254: {  	v3 =	vsub.f32 v3, v5;
	[sflag:s9] =	ssyncset.done $0x0  }
0x255: {  	s20 =	simm.s32 $0x0;
	[sflag:s9] =	ssyncadd.s32 $0xFFFFF800  }
0x256: {  	v4 =	vmul.f32 v4, v3;
	v3 =	vld [tilespmem:s20+$0x17000]  }
0x257: {  	v5 =	vld [tilespmem:s20+$0x1B000];
	_ =	sdelay $0x1  }
0x258: {  	v2 =	vadd.f32 v4, v2;
	v4 =	vld [tilespmem:s20+$0xB000]  }
0x259: {  	s18 =	simm.s32 $0x40  }
.LBB2_62:
0x25a: {  	s20 =	sshra.s32 s18, $0x2;
	p0 =	sne.s32 s18, $0x1FC0  }
.Ltmp30:
0x25b: {  	s18 =	sadd.s32 $0x40, s18;
	v6 =	vsub.f32 v3, v5;
	v3 =	vld [tilespmem:s20+$0x17000];
	(pc) =	sbr.rel @p0 .LBB2_62-.Ltmp30, $4  }
0x25c: {  	v5 =	vld [tilespmem:s20+$0x1B000]  }
0x25d: {  	v6 =	vmul.f32 v4, v6  }
0x25e: {  	v4 =	vld [tilespmem:s20+$0xB000]  }
0x25f: {  	v2 =	vadd.f32 v6, v2  }
0x260: {  	_ =	swait.ge [sflag:s9], $0x800  }
0x261: {  	[sflag:s9] =	ssyncset.done $0x0  }
0x262: {  	[sflag:s9] =	ssyncadd.s32 $0xFFFFF800  }
0x263: {  	_ =	swait.ge [sflag:s9], $0x800  }
0x264: {  	v3 =	vsub.f32 v3, v5;
	[sflag:s9] =	ssyncset.done $0x0  }
0x265: {  	s20 =	simm.s32 $0x0;
	[sflag:s9] =	ssyncadd.s32 $0xFFFFF800  }
0x266: {  	v5 =	vmul.f32 v4, v3;
	v3 =	vld [tilespmem:s20+$0x17800]  }
0x267: {  	v4 =	vld [tilespmem:s20+$0x1B800];
	_ =	sdelay $0x1  }
0x268: {  	v2 =	vadd.f32 v5, v2;
	v5 =	vld [tilespmem:s20+$0xB800]  }
0x269: {  	s18 =	simm.s32 $0x40  }
.LBB2_64:
0x26a: {  	s20 =	sshra.s32 s18, $0x2;
	p0 =	sne.s32 s18, $0x1FC0  }
.Ltmp31:
0x26b: {  	s18 =	sadd.s32 $0x40, s18;
	v6 =	vsub.f32 v3, v4;
	v3 =	vld [tilespmem:s20+$0x17800];
	(pc) =	sbr.rel @p0 .LBB2_64-.Ltmp31, $4  }
0x26c: {  	v4 =	vld [tilespmem:s20+$0x1B800]  }
0x26d: {  	v6 =	vmul.f32 v5, v6  }
0x26e: {  	v5 =	vld [tilespmem:s20+$0xB800]  }
0x26f: {  	v2 =	vadd.f32 v6, v2  }
0x270: {  	_ = 	snop  }
0x271: {  	v3 =	vsub.f32 v3, v4;
	_ =	sdelay $0x1  }
0x272: {  	v3 =	vmul.f32 v5, v3;
	_ =	sdelay $0x1  }
0x273: {  	v2 =	vadd.f32 v3, v2;
	_ =	sdelay $0x1  }
0x274: {  	s18 =	rddreg [dreg:$0x11];
	s20 =	simm.s32 $0x1C000;
	[tilespmem:$0x1C000] =	vst v2  }
0x275: {  	[hbm4b:s18+s3] =	stream.linear.scatter [tilespmem:s20], [sflag:$0x5], $0x80, $0x38;
	[tilespmem:$0x1C080] =	vst v63  }
0x276: {  	_ =	swait.ge [sflag:s28], $0x80  }
0x277: {  	s19 =	sadd.s32 $0x1, s19;
	s30 =	rddreg [dreg:$0x12]  }
0x278: {  	p0 =	sne.s32 s19, s30  }
.Ltmp32:
0x279: {  	_ = 	snop;
	(pc) =	sbr.rel @p0 .LBB2_1-.Ltmp32, $3  }
0x27a: {  	_ =	sdelay $0x1  }
0x27b: {  	[sflag:s28] =	ssyncset.done $0x0  }
0x27c: {  	[sflag:s28] =	ssyncadd.s32 $0xFFFFFF80  }
0x27d: {  	_ =	sfence.sel $0x180000  }
0x27e: {  	[bflag:$0x0] =	sbarrier.arrive $0xFFFF  }
0x27f: {  	_ =	strace $0x90000047  }
0x280: {  	s0 =	stileid.u32;
	[bflag:$0x2] =	sbarrier.arrive $0xFFFF  }
0x281: {  	p0 =	sne.s32 s0, $0x0;
	s0 =	rddreg [dreg:$0x4]  }
0x282: {  	s0 =	sadd.s32 @!p0 $0x100000, s0  }
0x283: {  	[sflag:s0] =	ssyncadd.tile.s32 @!p0 $0x1;
	_ =	shalt  }
.Lfunc_end2:
_tile_overlayer_lowered:
.L_overlay_start_2:
0x284: {  	(tag) =	ssettag $0x2  }
0x285: {  	s0 =	rddreg [dreg:$0x0];
	s2 =	stileid.u32  }
0x286: {  	s1 =	rddreg [dreg:$0x1];
	p0 =	sne.s32 s2, $0x0  }
0x287: {  	s3 =	rddreg [dreg:$0x2];
	[bflag:$0x3] =	sbarrier.arrive $0xFFFF;
	s2 =	simm.s32 @!p0 $0x1C05  }
0x288: {  	[timem:s3], [sflag:s2] =	dma.local @!p0 [hbm:s0], s1  }
0x289: {  	s0 =	simm.s32 @!p0 $0x5  }
0x28a: {  	_ =	swait.ge @!p0 [sflag:s0], s1  }
0x28b: {  	s1 =	ssub.s32 @!p0 $0x0, s1;
	[sflag:s0] =	ssyncset.done @!p0 $0x0  }
0x28c: {  	[sflag:s0] =	ssyncadd.s32 @!p0 s1  }
0x28d: {  	[bflag:$0x3] =	sbarrier.arrive $0xFFFF  }
0x28e: {  	_ =	shalt  }

</sc_bundles>
